<compile_context>
chip_gen: v7x
topology: tpu7x:2x2x1
jax: 0.10.2.dev20260603
libtpu: 0.0.44.dev20260713+nightly
codegen_flags: <defaults>
</compile_context>

<pallas_src>
import jax
import jax.numpy as jnp
from jax import lax
from jax.experimental import pallas as pl
from jax.experimental.pallas import tpu as pltpu
from jax.experimental.pallas import tpu_sc as plsc

_NUM_BINS = 256
_N = 8388608
_NC = 2
_NS = 16
_NW = _NC * _NS
_PER_W = _N // _NW
_CHUNK = 32768
_NCHUNK = _PER_W // _CHUNK
_SKEW = 273
_HIST = _NS * 272
_UNROLL = 16


def _sc_histogram_kernel(inp_hbm, tgt_hbm, hout_hbm,
                         buf_a, buf_b, hist_i, hist_t, red_i, red_t,
                         sem_a, sem_b):
  wid = lax.axis_index("c") * _NS + lax.axis_index("s")
  base = wid * _PER_W
  lane_skew = lax.iota(jnp.int32, 16) * _SKEW
  zeros16 = jnp.zeros((16,), jnp.int32)
  ones16 = jnp.ones((16,), jnp.int32)

  tasks = ([(inp_hbm, hist_i, c) for c in range(_NCHUNK)]
           + [(tgt_hbm, hist_t, c) for c in range(_NCHUNK)])
  bufs = (buf_a, buf_b)
  sems = (sem_a, sem_b)

  def start(k):
    src, _, c = tasks[k]
    return pltpu.async_copy(src.at[pl.ds(base + c * _CHUNK, _CHUNK)],
                            bufs[k % 2], sems[k % 2])

  pending = start(0)

  def zero_body(i, _):
    for u in range(8):
      off = (i * 8 + u) * 16
      hist_i[pl.ds(off, 16)] = zeros16
      hist_t[pl.ds(off, 16)] = zeros16
    return 0

  lax.fori_loop(0, _HIST // (16 * 8), zero_body, 0)

  def consume(buf, hist):
    @plsc.parallel_loop(0, _CHUNK // 16, unroll=_UNROLL)
    def _(i):
      x = buf[pl.ds(i * 16, 16)]
      idx = (x * jnp.float32(_NUM_BINS)).astype(jnp.int32)
      idx = plsc.bitcast(
          jnp.minimum(plsc.bitcast(idx, jnp.uint32), jnp.uint32(_NUM_BINS - 1)),
          jnp.int32)
      plsc.addupdate_scatter(hist, [idx + lane_skew], ones16)

  for k in range(len(tasks)):
    pending.wait()
    if k + 1 < len(tasks):
      pending = start(k + 1)
    consume(bufs[k % 2], tasks[k][1])

  def lane_reduce(hist, red):
    @plsc.parallel_loop(0, _NUM_BINS // 16, unroll=2)
    def _(g):
      acc = hist[pl.ds(g * 16, 16)]
      for l in range(1, _NS):
        acc = acc + hist[pl.ds(l * _SKEW + g * 16, 16)]
      red[pl.ds(g * 16, 16)] = acc.astype(jnp.float32)

  lane_reduce(hist_i, red_i)
  lane_reduce(hist_t, red_t)

  pltpu.sync_copy(red_i, hout_hbm.at[pl.ds(wid * _NUM_BINS, _NUM_BINS)])
  pltpu.sync_copy(red_t,
                  hout_hbm.at[pl.ds((_NW + wid) * _NUM_BINS, _NUM_BINS)])


def _tc_loss_kernel(parts_ref, out_ref):
  half = _NW
  hi = jnp.sum(parts_ref[:half, :], axis=0)
  ht = jnp.sum(parts_ref[half:, :], axis=0)
  ni = hi / jnp.sum(hi)
  nt = ht / jnp.sum(ht)
  out_ref[...] = jnp.sum(jnp.abs(ni - nt)).reshape(1, 1)


@jax.jit
def kernel(input, target):
  mesh = plsc.VectorSubcoreMesh(core_axis_name="c", subcore_axis_name="s")
  sc = pl.kernel(
      _sc_histogram_kernel,
      out_type=jax.ShapeDtypeStruct((2 * _NW * _NUM_BINS,), jnp.float32),
      mesh=mesh,
      scratch_types=[
          pltpu.VMEM((_CHUNK,), jnp.float32),
          pltpu.VMEM((_CHUNK,), jnp.float32),
          pltpu.VMEM((_HIST,), jnp.int32),
          pltpu.VMEM((_HIST,), jnp.int32),
          pltpu.VMEM((_NUM_BINS,), jnp.float32),
          pltpu.VMEM((_NUM_BINS,), jnp.float32),
          pltpu.SemaphoreType.DMA,
          pltpu.SemaphoreType.DMA,
      ],
      compiler_params=pltpu.CompilerParams(needs_layout_passes=False),
  )
  parts = sc(input, target)
  parts = parts.reshape(2 * _NW, _NUM_BINS)
  loss = pl.pallas_call(
      _tc_loss_kernel,
      out_shape=jax.ShapeDtypeStruct((1, 1), jnp.float32),
  )(parts)
  return loss[0, 0]

# --- scband reference (transcript-rebuilt; emitter-appended) ---
"""Pipeline reference for scband-histogram-loss-41068477285138 (READ-ONLY COPY).

The authoritative reference and input builder live on the scoring server;
editing this copy changes nothing except your own understanding.
"""

import jax, jax.numpy as jnp
import numpy as np

NUM_BINS = 256
N = 8388608


def setup_inputs(seed: int = 0) -> dict:
    key = jax.random.key(seed)
    k1, k2 = jax.random.split(key)
    inp = jax.random.uniform(k1, (N,), dtype=jnp.float32)
    tgt = jax.random.uniform(k2, (N,), dtype=jnp.float32)
    return {"input": inp, "target": tgt}


def _histogram(x, num_bins):
    # Faithful to np.histogram(x, bins=num_bins, range=(0, 1)):
    # equal-width bins on [0, 1]; values outside [0, 1] are excluded;
    # values exactly equal to 1.0 fall in the last bin (right edge inclusive).
    idx = jnp.floor(x * num_bins).astype(jnp.int32)
    idx = jnp.where(x >= 1.0, num_bins - 1, idx)
    idx = jnp.clip(idx, 0, num_bins - 1)
    in_range = (x >= 0.0) & (x <= 1.0)
    w = in_range.astype(jnp.float32)
    hist = jnp.zeros((num_bins,), dtype=jnp.float32).at[idx].add(w)
    return hist


def reference(input, target):
    # original module detaches both tensors before histogramming
    input_d = jax.lax.stop_gradient(input)
    target_d = jax.lax.stop_gradient(target)
    input_hist = _histogram(input_d, NUM_BINS)
    target_hist = _histogram(target_d, NUM_BINS)
    input_hist = input_hist / jnp.sum(input_hist)
    target_hist = target_hist / jnp.sum(target_hist)
    hist_diff = jnp.abs(input_hist - target_hist)
    loss = jnp.sum(hist_diff)
    return loss

if __name__ == "__main__":
    import jax
    _d = setup_inputs()
    print(jax.jit(kernel)(*tuple(_d.values())))

</pallas_src>

<mosaic_0001>
#map = affine_map<(d0, d1) -> (0)>
module attributes {stable_mosaic.version = 14 : i64} {
  func.func @_sc_histogram_kernel(%arg0: i32, %arg1: i32, %arg2: memref<8388608xf32, #tpu.memory_space<hbm>>, %arg3: memref<8388608xf32, #tpu.memory_space<hbm>>, %arg4: memref<16384xf32, #tpu.memory_space<hbm>>, %arg5: memref<32768xf32, #tpu.memory_space<vmem>>, %arg6: memref<32768xf32, #tpu.memory_space<vmem>>, %arg7: memref<4352xi32, #tpu.memory_space<vmem>>, %arg8: memref<4352xi32, #tpu.memory_space<vmem>>, %arg9: memref<256xf32, #tpu.memory_space<vmem>>, %arg10: memref<256xf32, #tpu.memory_space<vmem>>, %arg11: memref<!tpu.dma_semaphore, #tpu.memory_space<semaphore_mem>>, %arg12: memref<!tpu.dma_semaphore, #tpu.memory_space<semaphore_mem>>) attributes {dimension_semantics = [#tpu.dimension_semantics<core_parallel>, #tpu.dimension_semantics<subcore_parallel>], iteration_bounds = array<i64: 2, 16>, scalar_prefetch = 0 : i64, scratch_operands = 8 : i64, tpu.core_type = #tpu.core_type<sc_vector_subcore>, window_params = [{transform_indices = #map}, {transform_indices = #map}, {transform_indices = #map}]} {
    %mul3A = arith.constant 16 : i32
    %mul3A_0 = arith.muli %arg0, %mul3A : i32
    %add3A = arith.addi %mul3A_0, %arg1 : i32
    %mul3A_1 = arith.constant 262144 : i32
    %mul3A_2 = arith.muli %add3A, %mul3A_1 : i32
    %iota3A = tpu.iota {dimensions = array<i32: 0>} : vector<16xi32>
    %mul3A_3 = arith.constant 273 : i32
    %mul3A_4 = vector.broadcast %mul3A_3 : i32 to vector<16xi32>
    %mul3A_5 = arith.muli %iota3A, %mul3A_4 : vector<16xi32>
    %broadcast_in_dim3A = arith.constant 0 : i32
    %broadcast_in_dim3A_6 = vector.broadcast %broadcast_in_dim3A : i32 to vector<16xi32>
    %broadcast_in_dim3A_7 = arith.constant 1 : i32
    %broadcast_in_dim3A_8 = vector.broadcast %broadcast_in_dim3A_7 : i32 to vector<16xi32>
    %add3A_9 = arith.constant 0 : i32
    %add3A_10 = arith.addi %mul3A_2, %add3A_9 : i32
    %dma_start3A = tpu.memref_slice %arg2[%add3A_10] : memref<8388608xf32, #tpu.memory_space<hbm>> -> memref<32768xf32, #tpu.memory_space<hbm>>
    %dma_start3A_11 = tpu.memref_slice %arg2[%add3A_10] : memref<8388608xf32, #tpu.memory_space<hbm>> -> memref<32768xf32, #tpu.memory_space<hbm>>
    tpu.enqueue_dma source(%dma_start3A_11 : memref<32768xf32, #tpu.memory_space<hbm>>) target(%arg5 : memref<32768xf32, #tpu.memory_space<vmem>>) target_semaphore(%arg11 : memref<!tpu.dma_semaphore, #tpu.memory_space<semaphore_mem>>)
    %scan3A = arith.constant 0 : i32
    %scan3A_12 = arith.constant 0 : i32
    %scan3A_13 = arith.constant 34 : i32
    %scan3A_14 = arith.addi %scan3A_12, %scan3A_13 : i32
    %scan3A_15 = arith.constant 1 : i32
    %scan3A_16 = scf.for %scan3A_168 = %scan3A_12 to %scan3A_14 step %scan3A_15 iter_args(%scan3A_169 = %scan3A) -> (i32)  : i32 {
      %mul3A_170 = arith.constant 8 : i32
      %mul3A_171 = arith.muli %scan3A_168, %mul3A_170 : i32
      %add3A_172 = arith.constant 0 : i32
      %add3A_173 = arith.addi %mul3A_171, %add3A_172 : i32
      %mul3A_174 = arith.constant 16 : i32
      %mul3A_175 = arith.muli %add3A_173, %mul3A_174 : i32
      %swap3A = arith.index_cast %mul3A_175 : i32 to index
      %swap3A_176 = tpu.vector_load %arg7[%swap3A] {strides = array<i32>} : memref<4352xi32, #tpu.memory_space<vmem>>, vector<16xi32>,
      tpu.vector_store %arg7[%swap3A], %broadcast_in_dim3A_6 {strides = array<i32>} : memref<4352xi32, #tpu.memory_space<vmem>>, vector<16xi32>,
      %swap3A_177 = arith.index_cast %mul3A_175 : i32 to index
      %swap3A_178 = tpu.vector_load %arg8[%swap3A_177] {strides = array<i32>} : memref<4352xi32, #tpu.memory_space<vmem>>, vector<16xi32>,
      tpu.vector_store %arg8[%swap3A_177], %broadcast_in_dim3A_6 {strides = array<i32>} : memref<4352xi32, #tpu.memory_space<vmem>>, vector<16xi32>,
      %mul3A_179 = arith.constant 8 : i32
      %mul3A_180 = arith.muli %scan3A_168, %mul3A_179 : i32
      %add3A_181 = arith.constant 1 : i32
      %add3A_182 = arith.addi %mul3A_180, %add3A_181 : i32
      %mul3A_183 = arith.constant 16 : i32
      %mul3A_184 = arith.muli %add3A_182, %mul3A_183 : i32
      %swap3A_185 = arith.index_cast %mul3A_184 : i32 to index
      %swap3A_186 = tpu.vector_load %arg7[%swap3A_185] {strides = array<i32>} : memref<4352xi32, #tpu.memory_space<vmem>>, vector<16xi32>,
      tpu.vector_store %arg7[%swap3A_185], %broadcast_in_dim3A_6 {strides = array<i32>} : memref<4352xi32, #tpu.memory_space<vmem>>, vector<16xi32>,
      %swap3A_187 = arith.index_cast %mul3A_184 : i32 to index
      %swap3A_188 = tpu.vector_load %arg8[%swap3A_187] {strides = array<i32>} : memref<4352xi32, #tpu.memory_space<vmem>>, vector<16xi32>,
      tpu.vector_store %arg8[%swap3A_187], %broadcast_in_dim3A_6 {strides = array<i32>} : memref<4352xi32, #tpu.memory_space<vmem>>, vector<16xi32>,
      %mul3A_189 = arith.constant 8 : i32
      %mul3A_190 = arith.muli %scan3A_168, %mul3A_189 : i32
      %add3A_191 = arith.constant 2 : i32
      %add3A_192 = arith.addi %mul3A_190, %add3A_191 : i32
      %mul3A_193 = arith.constant 16 : i32
      %mul3A_194 = arith.muli %add3A_192, %mul3A_193 : i32
      %swap3A_195 = arith.index_cast %mul3A_194 : i32 to index
      %swap3A_196 = tpu.vector_load %arg7[%swap3A_195] {strides = array<i32>} : memref<4352xi32, #tpu.memory_space<vmem>>, vector<16xi32>,
      tpu.vector_store %arg7[%swap3A_195], %broadcast_in_dim3A_6 {strides = array<i32>} : memref<4352xi32, #tpu.memory_space<vmem>>, vector<16xi32>,
      %swap3A_197 = arith.index_cast %mul3A_194 : i32 to index
      %swap3A_198 = tpu.vector_load %arg8[%swap3A_197] {strides = array<i32>} : memref<4352xi32, #tpu.memory_space<vmem>>, vector<16xi32>,
      tpu.vector_store %arg8[%swap3A_197], %broadcast_in_dim3A_6 {strides = array<i32>} : memref<4352xi32, #tpu.memory_space<vmem>>, vector<16xi32>,
      %mul3A_199 = arith.constant 8 : i32
      %mul3A_200 = arith.muli %scan3A_168, %mul3A_199 : i32
      %add3A_201 = arith.constant 3 : i32
      %add3A_202 = arith.addi %mul3A_200, %add3A_201 : i32
      %mul3A_203 = arith.constant 16 : i32
      %mul3A_204 = arith.muli %add3A_202, %mul3A_203 : i32
      %swap3A_205 = arith.index_cast %mul3A_204 : i32 to index
      %swap3A_206 = tpu.vector_load %arg7[%swap3A_205] {strides = array<i32>} : memref<4352xi32, #tpu.memory_space<vmem>>, vector<16xi32>,
      tpu.vector_store %arg7[%swap3A_205], %broadcast_in_dim3A_6 {strides = array<i32>} : memref<4352xi32, #tpu.memory_space<vmem>>, vector<16xi32>,
      %swap3A_207 = arith.index_cast %mul3A_204 : i32 to index
      %swap3A_208 = tpu.vector_load %arg8[%swap3A_207] {strides = array<i32>} : memref<4352xi32, #tpu.memory_space<vmem>>, vector<16xi32>,
      tpu.vector_store %arg8[%swap3A_207], %broadcast_in_dim3A_6 {strides = array<i32>} : memref<4352xi32, #tpu.memory_space<vmem>>, vector<16xi32>,
      %mul3A_209 = arith.constant 8 : i32
      %mul3A_210 = arith.muli %scan3A_168, %mul3A_209 : i32
      %add3A_211 = arith.constant 4 : i32
      %add3A_212 = arith.addi %mul3A_210, %add3A_211 : i32
      %mul3A_213 = arith.constant 16 : i32
      %mul3A_214 = arith.muli %add3A_212, %mul3A_213 : i32
      %swap3A_215 = arith.index_cast %mul3A_214 : i32 to index
      %swap3A_216 = tpu.vector_load %arg7[%swap3A_215] {strides = array<i32>} : memref<4352xi32, #tpu.memory_space<vmem>>, vector<16xi32>,
      tpu.vector_store %arg7[%swap3A_215], %broadcast_in_dim3A_6 {strides = array<i32>} : memref<4352xi32, #tpu.memory_space<vmem>>, vector<16xi32>,
      %swap3A_217 = arith.index_cast %mul3A_214 : i32 to index
      %swap3A_218 = tpu.vector_load %arg8[%swap3A_217] {strides = array<i32>} : memref<4352xi32, #tpu.memory_space<vmem>>, vector<16xi32>,
      tpu.vector_store %arg8[%swap3A_217], %broadcast_in_dim3A_6 {strides = array<i32>} : memref<4352xi32, #tpu.memory_space<vmem>>, vector<16xi32>,
      %mul3A_219 = arith.constant 8 : i32
      %mul3A_220 = arith.muli %scan3A_168, %mul3A_219 : i32
      %add3A_221 = arith.constant 5 : i32
      %add3A_222 = arith.addi %mul3A_220, %add3A_221 : i32
      %mul3A_223 = arith.constant 16 : i32
      %mul3A_224 = arith.muli %add3A_222, %mul3A_223 : i32
      %swap3A_225 = arith.index_cast %mul3A_224 : i32 to index
      %swap3A_226 = tpu.vector_load %arg7[%swap3A_225] {strides = array<i32>} : memref<4352xi32, #tpu.memory_space<vmem>>, vector<16xi32>,
      tpu.vector_store %arg7[%swap3A_225], %broadcast_in_dim3A_6 {strides = array<i32>} : memref<4352xi32, #tpu.memory_space<vmem>>, vector<16xi32>,
      %swap3A_227 = arith.index_cast %mul3A_224 : i32 to index
      %swap3A_228 = tpu.vector_load %arg8[%swap3A_227] {strides = array<i32>} : memref<4352xi32, #tpu.memory_space<vmem>>, vector<16xi32>,
      tpu.vector_store %arg8[%swap3A_227], %broadcast_in_dim3A_6 {strides = array<i32>} : memref<4352xi32, #tpu.memory_space<vmem>>, vector<16xi32>,
      %mul3A_229 = arith.constant 8 : i32
      %mul3A_230 = arith.muli %scan3A_168, %mul3A_229 : i32
      %add3A_231 = arith.constant 6 : i32
      %add3A_232 = arith.addi %mul3A_230, %add3A_231 : i32
      %mul3A_233 = arith.constant 16 : i32
      %mul3A_234 = arith.muli %add3A_232, %mul3A_233 : i32
      %swap3A_235 = arith.index_cast %mul3A_234 : i32 to index
      %swap3A_236 = tpu.vector_load %arg7[%swap3A_235] {strides = array<i32>} : memref<4352xi32, #tpu.memory_space<vmem>>, vector<16xi32>,
      tpu.vector_store %arg7[%swap3A_235], %broadcast_in_dim3A_6 {strides = array<i32>} : memref<4352xi32, #tpu.memory_space<vmem>>, vector<16xi32>,
      %swap3A_237 = arith.index_cast %mul3A_234 : i32 to index
      %swap3A_238 = tpu.vector_load %arg8[%swap3A_237] {strides = array<i32>} : memref<4352xi32, #tpu.memory_space<vmem>>, vector<16xi32>,
      tpu.vector_store %arg8[%swap3A_237], %broadcast_in_dim3A_6 {strides = array<i32>} : memref<4352xi32, #tpu.memory_space<vmem>>, vector<16xi32>,
      %mul3A_239 = arith.constant 8 : i32
      %mul3A_240 = arith.muli %scan3A_168, %mul3A_239 : i32
      %add3A_241 = arith.constant 7 : i32
      %add3A_242 = arith.addi %mul3A_240, %add3A_241 : i32
      %mul3A_243 = arith.constant 16 : i32
      %mul3A_244 = arith.muli %add3A_242, %mul3A_243 : i32
      %swap3A_245 = arith.index_cast %mul3A_244 : i32 to index
      %swap3A_246 = tpu.vector_load %arg7[%swap3A_245] {strides = array<i32>} : memref<4352xi32, #tpu.memory_space<vmem>>, vector<16xi32>,
      tpu.vector_store %arg7[%swap3A_245], %broadcast_in_dim3A_6 {strides = array<i32>} : memref<4352xi32, #tpu.memory_space<vmem>>, vector<16xi32>,
      %swap3A_247 = arith.index_cast %mul3A_244 : i32 to index
      %swap3A_248 = tpu.vector_load %arg8[%swap3A_247] {strides = array<i32>} : memref<4352xi32, #tpu.memory_space<vmem>>, vector<16xi32>,
      tpu.vector_store %arg8[%swap3A_247], %broadcast_in_dim3A_6 {strides = array<i32>} : memref<4352xi32, #tpu.memory_space<vmem>>, vector<16xi32>,
      %scan3A_249 = arith.constant 0 : i32
      scf.yield %scan3A_249 : i32
    }
    %scan3A_17 = arith.constant 34 : i32
    %dma_wait3A = tpu.memref_slice %arg2[%add3A_10] : memref<8388608xf32, #tpu.memory_space<hbm>> -> memref<32768xf32, #tpu.memory_space<hbm>>
    %dma_wait3A_18 = tpu.memref_slice %arg2[%add3A_10] : memref<8388608xf32, #tpu.memory_space<hbm>> -> memref<32768xf32, #tpu.memory_space<hbm>>
    tpu.wait_dma2 semaphore(%arg11 : memref<!tpu.dma_semaphore, #tpu.memory_space<semaphore_mem>>) src(%dma_wait3A_18 : memref<32768xf32, #tpu.memory_space<hbm>>) dst(%arg5 : memref<32768xf32, #tpu.memory_space<vmem>>)
    %add3A_19 = arith.constant 32768 : i32
    %add3A_20 = arith.addi %mul3A_2, %add3A_19 : i32
    %dma_start3A_21 = tpu.memref_slice %arg2[%add3A_20] : memref<8388608xf32, #tpu.memory_space<hbm>> -> memref<32768xf32, #tpu.memory_space<hbm>>
    %dma_start3A_22 = tpu.memref_slice %arg2[%add3A_20] : memref<8388608xf32, #tpu.memory_space<hbm>> -> memref<32768xf32, #tpu.memory_space<hbm>>
    tpu.enqueue_dma source(%dma_start3A_22 : memref<32768xf32, #tpu.memory_space<hbm>>) target(%arg6 : memref<32768xf32, #tpu.memory_space<vmem>>) target_semaphore(%arg12 : memref<!tpu.dma_semaphore, #tpu.memory_space<semaphore_mem>>)
    %parallel_loop3A = arith.constant 0 : i32
    %parallel_loop3A_23 = arith.constant 2048 : i32
    %parallel_loop3A_24 = arith.constant 1 : i32
    scf.for %parallel_loop3A_168 = %parallel_loop3A to %parallel_loop3A_23 step %parallel_loop3A_24  : i32 {
      %parallel_loop3A_169 = arith.constant 16 : i32
      %parallel_loop3A_170 = arith.muli %parallel_loop3A_168, %parallel_loop3A_169 : i32
      %parallel_loop3A_171 = arith.index_cast %parallel_loop3A_170 : i32 to index
      %parallel_loop3A_172 = tpu.vector_load %arg5[%parallel_loop3A_171] {strides = array<i32>} : memref<32768xf32, #tpu.memory_space<vmem>>, vector<16xf32>,
      %parallel_loop3A_173 = arith.constant 2.560000e+02 : f32
      %parallel_loop3A_174 = vector.broadcast %parallel_loop3A_173 : f32 to vector<16xf32>
      %parallel_loop3A_175 = arith.mulf %parallel_loop3A_172, %parallel_loop3A_174 : vector<16xf32>
      %parallel_loop3A_176 = arith.fptosi %parallel_loop3A_175 : vector<16xf32> to vector<16xi32>
      %parallel_loop3A_177 = vector.bitcast %parallel_loop3A_176 : vector<16xi32> to vector<16xi32>
      %parallel_loop3A_178 = arith.constant 255 : i32
      %parallel_loop3A_179 = vector.broadcast %parallel_loop3A_178 : i32 to vector<16xi32>
      %parallel_loop3A_180 = arith.minui %parallel_loop3A_177, %parallel_loop3A_179 : vector<16xi32>
      %parallel_loop3A_181 = vector.bitcast %parallel_loop3A_180 : vector<16xi32> to vector<16xi32>
      %parallel_loop3A_182 = arith.addi %parallel_loop3A_181, %mul3A_5 : vector<16xi32>
      tpu.vector_store_idx %arg7[%parallel_loop3A_182], %broadcast_in_dim3A_8 {add = true} : memref<4352xi32, #tpu.memory_space<vmem>>[vector<16xi32>], vector<16xi32>,
    } {sc.loop_unroll_factor = 16 : i64, sc.parallel_access}
    %dma_wait3A_25 = tpu.memref_slice %arg2[%add3A_20] : memref<8388608xf32, #tpu.memory_space<hbm>> -> memref<32768xf32, #tpu.memory_space<hbm>>
    %dma_wait3A_26 = tpu.memref_slice %arg2[%add3A_20] : memref<8388608xf32, #tpu.memory_space<hbm>> -> memref<32768xf32, #tpu.memory_space<hbm>>
    tpu.wait_dma2 semaphore(%arg12 : memref<!tpu.dma_semaphore, #tpu.memory_space<semaphore_mem>>) src(%dma_wait3A_26 : memref<32768xf32, #tpu.memory_space<hbm>>) dst(%arg6 : memref<32768xf32, #tpu.memory_space<vmem>>)
    %add3A_27 = arith.constant 65536 : i32
    %add3A_28 = arith.addi %mul3A_2, %add3A_27 : i32
    %dma_start3A_29 = tpu.memref_slice %arg2[%add3A_28] : memref<8388608xf32, #tpu.memory_space<hbm>> -> memref<32768xf32, #tpu.memory_space<hbm>>
    %dma_start3A_30 = tpu.memref_slice %arg2[%add3A_28] : memref<8388608xf32, #tpu.memory_space<hbm>> -> memref<32768xf32, #tpu.memory_space<hbm>>
    tpu.enqueue_dma source(%dma_start3A_30 : memref<32768xf32, #tpu.memory_space<hbm>>) target(%arg5 : memref<32768xf32, #tpu.memory_space<vmem>>) target_semaphore(%arg11 : memref<!tpu.dma_semaphore, #tpu.memory_space<semaphore_mem>>)
    %parallel_loop3A_31 = arith.constant 0 : i32
    %parallel_loop3A_32 = arith.constant 2048 : i32
    %parallel_loop3A_33 = arith.constant 1 : i32
    scf.for %parallel_loop3A_168 = %parallel_loop3A_31 to %parallel_loop3A_32 step %parallel_loop3A_33  : i32 {
      %parallel_loop3A_169 = arith.constant 16 : i32
      %parallel_loop3A_170 = arith.muli %parallel_loop3A_168, %parallel_loop3A_169 : i32
      %parallel_loop3A_171 = arith.index_cast %parallel_loop3A_170 : i32 to index
      %parallel_loop3A_172 = tpu.vector_load %arg6[%parallel_loop3A_171] {strides = array<i32>} : memref<32768xf32, #tpu.memory_space<vmem>>, vector<16xf32>,
      %parallel_loop3A_173 = arith.constant 2.560000e+02 : f32
      %parallel_loop3A_174 = vector.broadcast %parallel_loop3A_173 : f32 to vector<16xf32>
      %parallel_loop3A_175 = arith.mulf %parallel_loop3A_172, %parallel_loop3A_174 : vector<16xf32>
      %parallel_loop3A_176 = arith.fptosi %parallel_loop3A_175 : vector<16xf32> to vector<16xi32>
      %parallel_loop3A_177 = vector.bitcast %parallel_loop3A_176 : vector<16xi32> to vector<16xi32>
      %parallel_loop3A_178 = arith.constant 255 : i32
      %parallel_loop3A_179 = vector.broadcast %parallel_loop3A_178 : i32 to vector<16xi32>
      %parallel_loop3A_180 = arith.minui %parallel_loop3A_177, %parallel_loop3A_179 : vector<16xi32>
      %parallel_loop3A_181 = vector.bitcast %parallel_loop3A_180 : vector<16xi32> to vector<16xi32>
      %parallel_loop3A_182 = arith.addi %parallel_loop3A_181, %mul3A_5 : vector<16xi32>
      tpu.vector_store_idx %arg7[%parallel_loop3A_182], %broadcast_in_dim3A_8 {add = true} : memref<4352xi32, #tpu.memory_space<vmem>>[vector<16xi32>], vector<16xi32>,
    } {sc.loop_unroll_factor = 16 : i64, sc.parallel_access}
    %dma_wait3A_34 = tpu.memref_slice %arg2[%add3A_28] : memref<8388608xf32, #tpu.memory_space<hbm>> -> memref<32768xf32, #tpu.memory_space<hbm>>
    %dma_wait3A_35 = tpu.memref_slice %arg2[%add3A_28] : memref<8388608xf32, #tpu.memory_space<hbm>> -> memref<32768xf32, #tpu.memory_space<hbm>>
    tpu.wait_dma2 semaphore(%arg11 : memref<!tpu.dma_semaphore, #tpu.memory_space<semaphore_mem>>) src(%dma_wait3A_35 : memref<32768xf32, #tpu.memory_space<hbm>>) dst(%arg5 : memref<32768xf32, #tpu.memory_space<vmem>>)
    %add3A_36 = arith.constant 98304 : i32
    %add3A_37 = arith.addi %mul3A_2, %add3A_36 : i32
    %dma_start3A_38 = tpu.memref_slice %arg2[%add3A_37] : memref<8388608xf32, #tpu.memory_space<hbm>> -> memref<32768xf32, #tpu.memory_space<hbm>>
    %dma_start3A_39 = tpu.memref_slice %arg2[%add3A_37] : memref<8388608xf32, #tpu.memory_space<hbm>> -> memref<32768xf32, #tpu.memory_space<hbm>>
    tpu.enqueue_dma source(%dma_start3A_39 : memref<32768xf32, #tpu.memory_space<hbm>>) target(%arg6 : memref<32768xf32, #tpu.memory_space<vmem>>) target_semaphore(%arg12 : memref<!tpu.dma_semaphore, #tpu.memory_space<semaphore_mem>>)
    %parallel_loop3A_40 = arith.constant 0 : i32
    %parallel_loop3A_41 = arith.constant 2048 : i32
    %parallel_loop3A_42 = arith.constant 1 : i32
    scf.for %parallel_loop3A_168 = %parallel_loop3A_40 to %parallel_loop3A_41 step %parallel_loop3A_42  : i32 {
      %parallel_loop3A_169 = arith.constant 16 : i32
      %parallel_loop3A_170 = arith.muli %parallel_loop3A_168, %parallel_loop3A_169 : i32
      %parallel_loop3A_171 = arith.index_cast %parallel_loop3A_170 : i32 to index
      %parallel_loop3A_172 = tpu.vector_load %arg5[%parallel_loop3A_171] {strides = array<i32>} : memref<32768xf32, #tpu.memory_space<vmem>>, vector<16xf32>,
      %parallel_loop3A_173 = arith.constant 2.560000e+02 : f32
      %parallel_loop3A_174 = vector.broadcast %parallel_loop3A_173 : f32 to vector<16xf32>
      %parallel_loop3A_175 = arith.mulf %parallel_loop3A_172, %parallel_loop3A_174 : vector<16xf32>
      %parallel_loop3A_176 = arith.fptosi %parallel_loop3A_175 : vector<16xf32> to vector<16xi32>
      %parallel_loop3A_177 = vector.bitcast %parallel_loop3A_176 : vector<16xi32> to vector<16xi32>
      %parallel_loop3A_178 = arith.constant 255 : i32
      %parallel_loop3A_179 = vector.broadcast %parallel_loop3A_178 : i32 to vector<16xi32>
      %parallel_loop3A_180 = arith.minui %parallel_loop3A_177, %parallel_loop3A_179 : vector<16xi32>
      %parallel_loop3A_181 = vector.bitcast %parallel_loop3A_180 : vector<16xi32> to vector<16xi32>
      %parallel_loop3A_182 = arith.addi %parallel_loop3A_181, %mul3A_5 : vector<16xi32>
      tpu.vector_store_idx %arg7[%parallel_loop3A_182], %broadcast_in_dim3A_8 {add = true} : memref<4352xi32, #tpu.memory_space<vmem>>[vector<16xi32>], vector<16xi32>,
    } {sc.loop_unroll_factor = 16 : i64, sc.parallel_access}
    %dma_wait3A_43 = tpu.memref_slice %arg2[%add3A_37] : memref<8388608xf32, #tpu.memory_space<hbm>> -> memref<32768xf32, #tpu.memory_space<hbm>>
    %dma_wait3A_44 = tpu.memref_slice %arg2[%add3A_37] : memref<8388608xf32, #tpu.memory_space<hbm>> -> memref<32768xf32, #tpu.memory_space<hbm>>
    tpu.wait_dma2 semaphore(%arg12 : memref<!tpu.dma_semaphore, #tpu.memory_space<semaphore_mem>>) src(%dma_wait3A_44 : memref<32768xf32, #tpu.memory_space<hbm>>) dst(%arg6 : memref<32768xf32, #tpu.memory_space<vmem>>)
    %add3A_45 = arith.constant 131072 : i32
    %add3A_46 = arith.addi %mul3A_2, %add3A_45 : i32
    %dma_start3A_47 = tpu.memref_slice %arg2[%add3A_46] : memref<8388608xf32, #tpu.memory_space<hbm>> -> memref<32768xf32, #tpu.memory_space<hbm>>
    %dma_start3A_48 = tpu.memref_slice %arg2[%add3A_46] : memref<8388608xf32, #tpu.memory_space<hbm>> -> memref<32768xf32, #tpu.memory_space<hbm>>
    tpu.enqueue_dma source(%dma_start3A_48 : memref<32768xf32, #tpu.memory_space<hbm>>) target(%arg5 : memref<32768xf32, #tpu.memory_space<vmem>>) target_semaphore(%arg11 : memref<!tpu.dma_semaphore, #tpu.memory_space<semaphore_mem>>)
    %parallel_loop3A_49 = arith.constant 0 : i32
    %parallel_loop3A_50 = arith.constant 2048 : i32
    %parallel_loop3A_51 = arith.constant 1 : i32
    scf.for %parallel_loop3A_168 = %parallel_loop3A_49 to %parallel_loop3A_50 step %parallel_loop3A_51  : i32 {
      %parallel_loop3A_169 = arith.constant 16 : i32
      %parallel_loop3A_170 = arith.muli %parallel_loop3A_168, %parallel_loop3A_169 : i32
      %parallel_loop3A_171 = arith.index_cast %parallel_loop3A_170 : i32 to index
      %parallel_loop3A_172 = tpu.vector_load %arg6[%parallel_loop3A_171] {strides = array<i32>} : memref<32768xf32, #tpu.memory_space<vmem>>, vector<16xf32>,
      %parallel_loop3A_173 = arith.constant 2.560000e+02 : f32
      %parallel_loop3A_174 = vector.broadcast %parallel_loop3A_173 : f32 to vector<16xf32>
      %parallel_loop3A_175 = arith.mulf %parallel_loop3A_172, %parallel_loop3A_174 : vector<16xf32>
      %parallel_loop3A_176 = arith.fptosi %parallel_loop3A_175 : vector<16xf32> to vector<16xi32>
      %parallel_loop3A_177 = vector.bitcast %parallel_loop3A_176 : vector<16xi32> to vector<16xi32>
      %parallel_loop3A_178 = arith.constant 255 : i32
      %parallel_loop3A_179 = vector.broadcast %parallel_loop3A_178 : i32 to vector<16xi32>
      %parallel_loop3A_180 = arith.minui %parallel_loop3A_177, %parallel_loop3A_179 : vector<16xi32>
      %parallel_loop3A_181 = vector.bitcast %parallel_loop3A_180 : vector<16xi32> to vector<16xi32>
      %parallel_loop3A_182 = arith.addi %parallel_loop3A_181, %mul3A_5 : vector<16xi32>
      tpu.vector_store_idx %arg7[%parallel_loop3A_182], %broadcast_in_dim3A_8 {add = true} : memref<4352xi32, #tpu.memory_space<vmem>>[vector<16xi32>], vector<16xi32>,
    } {sc.loop_unroll_factor = 16 : i64, sc.parallel_access}
    %dma_wait3A_52 = tpu.memref_slice %arg2[%add3A_46] : memref<8388608xf32, #tpu.memory_space<hbm>> -> memref<32768xf32, #tpu.memory_space<hbm>>
    %dma_wait3A_53 = tpu.memref_slice %arg2[%add3A_46] : memref<8388608xf32, #tpu.memory_space<hbm>> -> memref<32768xf32, #tpu.memory_space<hbm>>
    tpu.wait_dma2 semaphore(%arg11 : memref<!tpu.dma_semaphore, #tpu.memory_space<semaphore_mem>>) src(%dma_wait3A_53 : memref<32768xf32, #tpu.memory_space<hbm>>) dst(%arg5 : memref<32768xf32, #tpu.memory_space<vmem>>)
    %add3A_54 = arith.constant 163840 : i32
    %add3A_55 = arith.addi %mul3A_2, %add3A_54 : i32
    %dma_start3A_56 = tpu.memref_slice %arg2[%add3A_55] : memref<8388608xf32, #tpu.memory_space<hbm>> -> memref<32768xf32, #tpu.memory_space<hbm>>
    %dma_start3A_57 = tpu.memref_slice %arg2[%add3A_55] : memref<8388608xf32, #tpu.memory_space<hbm>> -> memref<32768xf32, #tpu.memory_space<hbm>>
    tpu.enqueue_dma source(%dma_start3A_57 : memref<32768xf32, #tpu.memory_space<hbm>>) target(%arg6 : memref<32768xf32, #tpu.memory_space<vmem>>) target_semaphore(%arg12 : memref<!tpu.dma_semaphore, #tpu.memory_space<semaphore_mem>>)
    %parallel_loop3A_58 = arith.constant 0 : i32
    %parallel_loop3A_59 = arith.constant 2048 : i32
    %parallel_loop3A_60 = arith.constant 1 : i32
    scf.for %parallel_loop3A_168 = %parallel_loop3A_58 to %parallel_loop3A_59 step %parallel_loop3A_60  : i32 {
      %parallel_loop3A_169 = arith.constant 16 : i32
      %parallel_loop3A_170 = arith.muli %parallel_loop3A_168, %parallel_loop3A_169 : i32
      %parallel_loop3A_171 = arith.index_cast %parallel_loop3A_170 : i32 to index
      %parallel_loop3A_172 = tpu.vector_load %arg5[%parallel_loop3A_171] {strides = array<i32>} : memref<32768xf32, #tpu.memory_space<vmem>>, vector<16xf32>,
      %parallel_loop3A_173 = arith.constant 2.560000e+02 : f32
      %parallel_loop3A_174 = vector.broadcast %parallel_loop3A_173 : f32 to vector<16xf32>
      %parallel_loop3A_175 = arith.mulf %parallel_loop3A_172, %parallel_loop3A_174 : vector<16xf32>
      %parallel_loop3A_176 = arith.fptosi %parallel_loop3A_175 : vector<16xf32> to vector<16xi32>
      %parallel_loop3A_177 = vector.bitcast %parallel_loop3A_176 : vector<16xi32> to vector<16xi32>
      %parallel_loop3A_178 = arith.constant 255 : i32
      %parallel_loop3A_179 = vector.broadcast %parallel_loop3A_178 : i32 to vector<16xi32>
      %parallel_loop3A_180 = arith.minui %parallel_loop3A_177, %parallel_loop3A_179 : vector<16xi32>
      %parallel_loop3A_181 = vector.bitcast %parallel_loop3A_180 : vector<16xi32> to vector<16xi32>
      %parallel_loop3A_182 = arith.addi %parallel_loop3A_181, %mul3A_5 : vector<16xi32>
      tpu.vector_store_idx %arg7[%parallel_loop3A_182], %broadcast_in_dim3A_8 {add = true} : memref<4352xi32, #tpu.memory_space<vmem>>[vector<16xi32>], vector<16xi32>,
    } {sc.loop_unroll_factor = 16 : i64, sc.parallel_access}
    %dma_wait3A_61 = tpu.memref_slice %arg2[%add3A_55] : memref<8388608xf32, #tpu.memory_space<hbm>> -> memref<32768xf32, #tpu.memory_space<hbm>>
    %dma_wait3A_62 = tpu.memref_slice %arg2[%add3A_55] : memref<8388608xf32, #tpu.memory_space<hbm>> -> memref<32768xf32, #tpu.memory_space<hbm>>
    tpu.wait_dma2 semaphore(%arg12 : memref<!tpu.dma_semaphore, #tpu.memory_space<semaphore_mem>>) src(%dma_wait3A_62 : memref<32768xf32, #tpu.memory_space<hbm>>) dst(%arg6 : memref<32768xf32, #tpu.memory_space<vmem>>)
    %add3A_63 = arith.constant 196608 : i32
    %add3A_64 = arith.addi %mul3A_2, %add3A_63 : i32
    %dma_start3A_65 = tpu.memref_slice %arg2[%add3A_64] : memref<8388608xf32, #tpu.memory_space<hbm>> -> memref<32768xf32, #tpu.memory_space<hbm>>
    %dma_start3A_66 = tpu.memref_slice %arg2[%add3A_64] : memref<8388608xf32, #tpu.memory_space<hbm>> -> memref<32768xf32, #tpu.memory_space<hbm>>
    tpu.enqueue_dma source(%dma_start3A_66 : memref<32768xf32, #tpu.memory_space<hbm>>) target(%arg5 : memref<32768xf32, #tpu.memory_space<vmem>>) target_semaphore(%arg11 : memref<!tpu.dma_semaphore, #tpu.memory_space<semaphore_mem>>)
    %parallel_loop3A_67 = arith.constant 0 : i32
    %parallel_loop3A_68 = arith.constant 2048 : i32
    %parallel_loop3A_69 = arith.constant 1 : i32
    scf.for %parallel_loop3A_168 = %parallel_loop3A_67 to %parallel_loop3A_68 step %parallel_loop3A_69  : i32 {
      %parallel_loop3A_169 = arith.constant 16 : i32
      %parallel_loop3A_170 = arith.muli %parallel_loop3A_168, %parallel_loop3A_169 : i32
      %parallel_loop3A_171 = arith.index_cast %parallel_loop3A_170 : i32 to index
      %parallel_loop3A_172 = tpu.vector_load %arg6[%parallel_loop3A_171] {strides = array<i32>} : memref<32768xf32, #tpu.memory_space<vmem>>, vector<16xf32>,
      %parallel_loop3A_173 = arith.constant 2.560000e+02 : f32
      %parallel_loop3A_174 = vector.broadcast %parallel_loop3A_173 : f32 to vector<16xf32>
      %parallel_loop3A_175 = arith.mulf %parallel_loop3A_172, %parallel_loop3A_174 : vector<16xf32>
      %parallel_loop3A_176 = arith.fptosi %parallel_loop3A_175 : vector<16xf32> to vector<16xi32>
      %parallel_loop3A_177 = vector.bitcast %parallel_loop3A_176 : vector<16xi32> to vector<16xi32>
      %parallel_loop3A_178 = arith.constant 255 : i32
      %parallel_loop3A_179 = vector.broadcast %parallel_loop3A_178 : i32 to vector<16xi32>
      %parallel_loop3A_180 = arith.minui %parallel_loop3A_177, %parallel_loop3A_179 : vector<16xi32>
      %parallel_loop3A_181 = vector.bitcast %parallel_loop3A_180 : vector<16xi32> to vector<16xi32>
      %parallel_loop3A_182 = arith.addi %parallel_loop3A_181, %mul3A_5 : vector<16xi32>
      tpu.vector_store_idx %arg7[%parallel_loop3A_182], %broadcast_in_dim3A_8 {add = true} : memref<4352xi32, #tpu.memory_space<vmem>>[vector<16xi32>], vector<16xi32>,
    } {sc.loop_unroll_factor = 16 : i64, sc.parallel_access}
    %dma_wait3A_70 = tpu.memref_slice %arg2[%add3A_64] : memref<8388608xf32, #tpu.memory_space<hbm>> -> memref<32768xf32, #tpu.memory_space<hbm>>
    %dma_wait3A_71 = tpu.memref_slice %arg2[%add3A_64] : memref<8388608xf32, #tpu.memory_space<hbm>> -> memref<32768xf32, #tpu.memory_space<hbm>>
    tpu.wait_dma2 semaphore(%arg11 : memref<!tpu.dma_semaphore, #tpu.memory_space<semaphore_mem>>) src(%dma_wait3A_71 : memref<32768xf32, #tpu.memory_space<hbm>>) dst(%arg5 : memref<32768xf32, #tpu.memory_space<vmem>>)
    %add3A_72 = arith.constant 229376 : i32
    %add3A_73 = arith.addi %mul3A_2, %add3A_72 : i32
    %dma_start3A_74 = tpu.memref_slice %arg2[%add3A_73] : memref<8388608xf32, #tpu.memory_space<hbm>> -> memref<32768xf32, #tpu.memory_space<hbm>>
    %dma_start3A_75 = tpu.memref_slice %arg2[%add3A_73] : memref<8388608xf32, #tpu.memory_space<hbm>> -> memref<32768xf32, #tpu.memory_space<hbm>>
    tpu.enqueue_dma source(%dma_start3A_75 : memref<32768xf32, #tpu.memory_space<hbm>>) target(%arg6 : memref<32768xf32, #tpu.memory_space<vmem>>) target_semaphore(%arg12 : memref<!tpu.dma_semaphore, #tpu.memory_space<semaphore_mem>>)
    %parallel_loop3A_76 = arith.constant 0 : i32
    %parallel_loop3A_77 = arith.constant 2048 : i32
    %parallel_loop3A_78 = arith.constant 1 : i32
    scf.for %parallel_loop3A_168 = %parallel_loop3A_76 to %parallel_loop3A_77 step %parallel_loop3A_78  : i32 {
      %parallel_loop3A_169 = arith.constant 16 : i32
      %parallel_loop3A_170 = arith.muli %parallel_loop3A_168, %parallel_loop3A_169 : i32
      %parallel_loop3A_171 = arith.index_cast %parallel_loop3A_170 : i32 to index
      %parallel_loop3A_172 = tpu.vector_load %arg5[%parallel_loop3A_171] {strides = array<i32>} : memref<32768xf32, #tpu.memory_space<vmem>>, vector<16xf32>,
      %parallel_loop3A_173 = arith.constant 2.560000e+02 : f32
      %parallel_loop3A_174 = vector.broadcast %parallel_loop3A_173 : f32 to vector<16xf32>
      %parallel_loop3A_175 = arith.mulf %parallel_loop3A_172, %parallel_loop3A_174 : vector<16xf32>
      %parallel_loop3A_176 = arith.fptosi %parallel_loop3A_175 : vector<16xf32> to vector<16xi32>
      %parallel_loop3A_177 = vector.bitcast %parallel_loop3A_176 : vector<16xi32> to vector<16xi32>
      %parallel_loop3A_178 = arith.constant 255 : i32
      %parallel_loop3A_179 = vector.broadcast %parallel_loop3A_178 : i32 to vector<16xi32>
      %parallel_loop3A_180 = arith.minui %parallel_loop3A_177, %parallel_loop3A_179 : vector<16xi32>
      %parallel_loop3A_181 = vector.bitcast %parallel_loop3A_180 : vector<16xi32> to vector<16xi32>
      %parallel_loop3A_182 = arith.addi %parallel_loop3A_181, %mul3A_5 : vector<16xi32>
      tpu.vector_store_idx %arg7[%parallel_loop3A_182], %broadcast_in_dim3A_8 {add = true} : memref<4352xi32, #tpu.memory_space<vmem>>[vector<16xi32>], vector<16xi32>,
    } {sc.loop_unroll_factor = 16 : i64, sc.parallel_access}
    %dma_wait3A_79 = tpu.memref_slice %arg2[%add3A_73] : memref<8388608xf32, #tpu.memory_space<hbm>> -> memref<32768xf32, #tpu.memory_space<hbm>>
    %dma_wait3A_80 = tpu.memref_slice %arg2[%add3A_73] : memref<8388608xf32, #tpu.memory_space<hbm>> -> memref<32768xf32, #tpu.memory_space<hbm>>
    tpu.wait_dma2 semaphore(%arg12 : memref<!tpu.dma_semaphore, #tpu.memory_space<semaphore_mem>>) src(%dma_wait3A_80 : memref<32768xf32, #tpu.memory_space<hbm>>) dst(%arg6 : memref<32768xf32, #tpu.memory_space<vmem>>)
    %add3A_81 = arith.constant 0 : i32
    %add3A_82 = arith.addi %mul3A_2, %add3A_81 : i32
    %dma_start3A_83 = tpu.memref_slice %arg3[%add3A_82] : memref<8388608xf32, #tpu.memory_space<hbm>> -> memref<32768xf32, #tpu.memory_space<hbm>>
    %dma_start3A_84 = tpu.memref_slice %arg3[%add3A_82] : memref<8388608xf32, #tpu.memory_space<hbm>> -> memref<32768xf32, #tpu.memory_space<hbm>>
    tpu.enqueue_dma source(%dma_start3A_84 : memref<32768xf32, #tpu.memory_space<hbm>>) target(%arg5 : memref<32768xf32, #tpu.memory_space<vmem>>) target_semaphore(%arg11 : memref<!tpu.dma_semaphore, #tpu.memory_space<semaphore_mem>>)
    %parallel_loop3A_85 = arith.constant 0 : i32
    %parallel_loop3A_86 = arith.constant 2048 : i32
    %parallel_loop3A_87 = arith.constant 1 : i32
    scf.for %parallel_loop3A_168 = %parallel_loop3A_85 to %parallel_loop3A_86 step %parallel_loop3A_87  : i32 {
      %parallel_loop3A_169 = arith.constant 16 : i32
      %parallel_loop3A_170 = arith.muli %parallel_loop3A_168, %parallel_loop3A_169 : i32
      %parallel_loop3A_171 = arith.index_cast %parallel_loop3A_170 : i32 to index
      %parallel_loop3A_172 = tpu.vector_load %arg6[%parallel_loop3A_171] {strides = array<i32>} : memref<32768xf32, #tpu.memory_space<vmem>>, vector<16xf32>,
      %parallel_loop3A_173 = arith.constant 2.560000e+02 : f32
      %parallel_loop3A_174 = vector.broadcast %parallel_loop3A_173 : f32 to vector<16xf32>
      %parallel_loop3A_175 = arith.mulf %parallel_loop3A_172, %parallel_loop3A_174 : vector<16xf32>
      %parallel_loop3A_176 = arith.fptosi %parallel_loop3A_175 : vector<16xf32> to vector<16xi32>
      %parallel_loop3A_177 = vector.bitcast %parallel_loop3A_176 : vector<16xi32> to vector<16xi32>
      %parallel_loop3A_178 = arith.constant 255 : i32
      %parallel_loop3A_179 = vector.broadcast %parallel_loop3A_178 : i32 to vector<16xi32>
      %parallel_loop3A_180 = arith.minui %parallel_loop3A_177, %parallel_loop3A_179 : vector<16xi32>
      %parallel_loop3A_181 = vector.bitcast %parallel_loop3A_180 : vector<16xi32> to vector<16xi32>
      %parallel_loop3A_182 = arith.addi %parallel_loop3A_181, %mul3A_5 : vector<16xi32>
      tpu.vector_store_idx %arg7[%parallel_loop3A_182], %broadcast_in_dim3A_8 {add = true} : memref<4352xi32, #tpu.memory_space<vmem>>[vector<16xi32>], vector<16xi32>,
    } {sc.loop_unroll_factor = 16 : i64, sc.parallel_access}
    %dma_wait3A_88 = tpu.memref_slice %arg3[%add3A_82] : memref<8388608xf32, #tpu.memory_space<hbm>> -> memref<32768xf32, #tpu.memory_space<hbm>>
    %dma_wait3A_89 = tpu.memref_slice %arg3[%add3A_82] : memref<8388608xf32, #tpu.memory_space<hbm>> -> memref<32768xf32, #tpu.memory_space<hbm>>
    tpu.wait_dma2 semaphore(%arg11 : memref<!tpu.dma_semaphore, #tpu.memory_space<semaphore_mem>>) src(%dma_wait3A_89 : memref<32768xf32, #tpu.memory_space<hbm>>) dst(%arg5 : memref<32768xf32, #tpu.memory_space<vmem>>)
    %add3A_90 = arith.constant 32768 : i32
    %add3A_91 = arith.addi %mul3A_2, %add3A_90 : i32
    %dma_start3A_92 = tpu.memref_slice %arg3[%add3A_91] : memref<8388608xf32, #tpu.memory_space<hbm>> -> memref<32768xf32, #tpu.memory_space<hbm>>
    %dma_start3A_93 = tpu.memref_slice %arg3[%add3A_91] : memref<8388608xf32, #tpu.memory_space<hbm>> -> memref<32768xf32, #tpu.memory_space<hbm>>
    tpu.enqueue_dma source(%dma_start3A_93 : memref<32768xf32, #tpu.memory_space<hbm>>) target(%arg6 : memref<32768xf32, #tpu.memory_space<vmem>>) target_semaphore(%arg12 : memref<!tpu.dma_semaphore, #tpu.memory_space<semaphore_mem>>)
    %parallel_loop3A_94 = arith.constant 0 : i32
    %parallel_loop3A_95 = arith.constant 2048 : i32
    %parallel_loop3A_96 = arith.constant 1 : i32
    scf.for %parallel_loop3A_168 = %parallel_loop3A_94 to %parallel_loop3A_95 step %parallel_loop3A_96  : i32 {
      %parallel_loop3A_169 = arith.constant 16 : i32
      %parallel_loop3A_170 = arith.muli %parallel_loop3A_168, %parallel_loop3A_169 : i32
      %parallel_loop3A_171 = arith.index_cast %parallel_loop3A_170 : i32 to index
      %parallel_loop3A_172 = tpu.vector_load %arg5[%parallel_loop3A_171] {strides = array<i32>} : memref<32768xf32, #tpu.memory_space<vmem>>, vector<16xf32>,
      %parallel_loop3A_173 = arith.constant 2.560000e+02 : f32
      %parallel_loop3A_174 = vector.broadcast %parallel_loop3A_173 : f32 to vector<16xf32>
      %parallel_loop3A_175 = arith.mulf %parallel_loop3A_172, %parallel_loop3A_174 : vector<16xf32>
      %parallel_loop3A_176 = arith.fptosi %parallel_loop3A_175 : vector<16xf32> to vector<16xi32>
      %parallel_loop3A_177 = vector.bitcast %parallel_loop3A_176 : vector<16xi32> to vector<16xi32>
      %parallel_loop3A_178 = arith.constant 255 : i32
      %parallel_loop3A_179 = vector.broadcast %parallel_loop3A_178 : i32 to vector<16xi32>
      %parallel_loop3A_180 = arith.minui %parallel_loop3A_177, %parallel_loop3A_179 : vector<16xi32>
      %parallel_loop3A_181 = vector.bitcast %parallel_loop3A_180 : vector<16xi32> to vector<16xi32>
      %parallel_loop3A_182 = arith.addi %parallel_loop3A_181, %mul3A_5 : vector<16xi32>
      tpu.vector_store_idx %arg8[%parallel_loop3A_182], %broadcast_in_dim3A_8 {add = true} : memref<4352xi32, #tpu.memory_space<vmem>>[vector<16xi32>], vector<16xi32>,
    } {sc.loop_unroll_factor = 16 : i64, sc.parallel_access}
    %dma_wait3A_97 = tpu.memref_slice %arg3[%add3A_91] : memref<8388608xf32, #tpu.memory_space<hbm>> -> memref<32768xf32, #tpu.memory_space<hbm>>
    %dma_wait3A_98 = tpu.memref_slice %arg3[%add3A_91] : memref<8388608xf32, #tpu.memory_space<hbm>> -> memref<32768xf32, #tpu.memory_space<hbm>>
    tpu.wait_dma2 semaphore(%arg12 : memref<!tpu.dma_semaphore, #tpu.memory_space<semaphore_mem>>) src(%dma_wait3A_98 : memref<32768xf32, #tpu.memory_space<hbm>>) dst(%arg6 : memref<32768xf32, #tpu.memory_space<vmem>>)
    %add3A_99 = arith.constant 65536 : i32
    %add3A_100 = arith.addi %mul3A_2, %add3A_99 : i32
    %dma_start3A_101 = tpu.memref_slice %arg3[%add3A_100] : memref<8388608xf32, #tpu.memory_space<hbm>> -> memref<32768xf32, #tpu.memory_space<hbm>>
    %dma_start3A_102 = tpu.memref_slice %arg3[%add3A_100] : memref<8388608xf32, #tpu.memory_space<hbm>> -> memref<32768xf32, #tpu.memory_space<hbm>>
    tpu.enqueue_dma source(%dma_start3A_102 : memref<32768xf32, #tpu.memory_space<hbm>>) target(%arg5 : memref<32768xf32, #tpu.memory_space<vmem>>) target_semaphore(%arg11 : memref<!tpu.dma_semaphore, #tpu.memory_space<semaphore_mem>>)
    %parallel_loop3A_103 = arith.constant 0 : i32
    %parallel_loop3A_104 = arith.constant 2048 : i32
    %parallel_loop3A_105 = arith.constant 1 : i32
    scf.for %parallel_loop3A_168 = %parallel_loop3A_103 to %parallel_loop3A_104 step %parallel_loop3A_105  : i32 {
      %parallel_loop3A_169 = arith.constant 16 : i32
      %parallel_loop3A_170 = arith.muli %parallel_loop3A_168, %parallel_loop3A_169 : i32
      %parallel_loop3A_171 = arith.index_cast %parallel_loop3A_170 : i32 to index
      %parallel_loop3A_172 = tpu.vector_load %arg6[%parallel_loop3A_171] {strides = array<i32>} : memref<32768xf32, #tpu.memory_space<vmem>>, vector<16xf32>,
      %parallel_loop3A_173 = arith.constant 2.560000e+02 : f32
      %parallel_loop3A_174 = vector.broadcast %parallel_loop3A_173 : f32 to vector<16xf32>
      %parallel_loop3A_175 = arith.mulf %parallel_loop3A_172, %parallel_loop3A_174 : vector<16xf32>
      %parallel_loop3A_176 = arith.fptosi %parallel_loop3A_175 : vector<16xf32> to vector<16xi32>
      %parallel_loop3A_177 = vector.bitcast %parallel_loop3A_176 : vector<16xi32> to vector<16xi32>
      %parallel_loop3A_178 = arith.constant 255 : i32
      %parallel_loop3A_179 = vector.broadcast %parallel_loop3A_178 : i32 to vector<16xi32>
      %parallel_loop3A_180 = arith.minui %parallel_loop3A_177, %parallel_loop3A_179 : vector<16xi32>
      %parallel_loop3A_181 = vector.bitcast %parallel_loop3A_180 : vector<16xi32> to vector<16xi32>
      %parallel_loop3A_182 = arith.addi %parallel_loop3A_181, %mul3A_5 : vector<16xi32>
      tpu.vector_store_idx %arg8[%parallel_loop3A_182], %broadcast_in_dim3A_8 {add = true} : memref<4352xi32, #tpu.memory_space<vmem>>[vector<16xi32>], vector<16xi32>,
    } {sc.loop_unroll_factor = 16 : i64, sc.parallel_access}
    %dma_wait3A_106 = tpu.memref_slice %arg3[%add3A_100] : memref<8388608xf32, #tpu.memory_space<hbm>> -> memref<32768xf32, #tpu.memory_space<hbm>>
    %dma_wait3A_107 = tpu.memref_slice %arg3[%add3A_100] : memref<8388608xf32, #tpu.memory_space<hbm>> -> memref<32768xf32, #tpu.memory_space<hbm>>
    tpu.wait_dma2 semaphore(%arg11 : memref<!tpu.dma_semaphore, #tpu.memory_space<semaphore_mem>>) src(%dma_wait3A_107 : memref<32768xf32, #tpu.memory_space<hbm>>) dst(%arg5 : memref<32768xf32, #tpu.memory_space<vmem>>)
    %add3A_108 = arith.constant 98304 : i32
    %add3A_109 = arith.addi %mul3A_2, %add3A_108 : i32
    %dma_start3A_110 = tpu.memref_slice %arg3[%add3A_109] : memref<8388608xf32, #tpu.memory_space<hbm>> -> memref<32768xf32, #tpu.memory_space<hbm>>
    %dma_start3A_111 = tpu.memref_slice %arg3[%add3A_109] : memref<8388608xf32, #tpu.memory_space<hbm>> -> memref<32768xf32, #tpu.memory_space<hbm>>
    tpu.enqueue_dma source(%dma_start3A_111 : memref<32768xf32, #tpu.memory_space<hbm>>) target(%arg6 : memref<32768xf32, #tpu.memory_space<vmem>>) target_semaphore(%arg12 : memref<!tpu.dma_semaphore, #tpu.memory_space<semaphore_mem>>)
    %parallel_loop3A_112 = arith.constant 0 : i32
    %parallel_loop3A_113 = arith.constant 2048 : i32
    %parallel_loop3A_114 = arith.constant 1 : i32
    scf.for %parallel_loop3A_168 = %parallel_loop3A_112 to %parallel_loop3A_113 step %parallel_loop3A_114  : i32 {
      %parallel_loop3A_169 = arith.constant 16 : i32
      %parallel_loop3A_170 = arith.muli %parallel_loop3A_168, %parallel_loop3A_169 : i32
      %parallel_loop3A_171 = arith.index_cast %parallel_loop3A_170 : i32 to index
      %parallel_loop3A_172 = tpu.vector_load %arg5[%parallel_loop3A_171] {strides = array<i32>} : memref<32768xf32, #tpu.memory_space<vmem>>, vector<16xf32>,
      %parallel_loop3A_173 = arith.constant 2.560000e+02 : f32
      %parallel_loop3A_174 = vector.broadcast %parallel_loop3A_173 : f32 to vector<16xf32>
      %parallel_loop3A_175 = arith.mulf %parallel_loop3A_172, %parallel_loop3A_174 : vector<16xf32>
      %parallel_loop3A_176 = arith.fptosi %parallel_loop3A_175 : vector<16xf32> to vector<16xi32>
      %parallel_loop3A_177 = vector.bitcast %parallel_loop3A_176 : vector<16xi32> to vector<16xi32>
      %parallel_loop3A_178 = arith.constant 255 : i32
      %parallel_loop3A_179 = vector.broadcast %parallel_loop3A_178 : i32 to vector<16xi32>
      %parallel_loop3A_180 = arith.minui %parallel_loop3A_177, %parallel_loop3A_179 : vector<16xi32>
      %parallel_loop3A_181 = vector.bitcast %parallel_loop3A_180 : vector<16xi32> to vector<16xi32>
      %parallel_loop3A_182 = arith.addi %parallel_loop3A_181, %mul3A_5 : vector<16xi32>
      tpu.vector_store_idx %arg8[%parallel_loop3A_182], %broadcast_in_dim3A_8 {add = true} : memref<4352xi32, #tpu.memory_space<vmem>>[vector<16xi32>], vector<16xi32>,
    } {sc.loop_unroll_factor = 16 : i64, sc.parallel_access}
    %dma_wait3A_115 = tpu.memref_slice %arg3[%add3A_109] : memref<8388608xf32, #tpu.memory_space<hbm>> -> memref<32768xf32, #tpu.memory_space<hbm>>
    %dma_wait3A_116 = tpu.memref_slice %arg3[%add3A_109] : memref<8388608xf32, #tpu.memory_space<hbm>> -> memref<32768xf32, #tpu.memory_space<hbm>>
    tpu.wait_dma2 semaphore(%arg12 : memref<!tpu.dma_semaphore, #tpu.memory_space<semaphore_mem>>) src(%dma_wait3A_116 : memref<32768xf32, #tpu.memory_space<hbm>>) dst(%arg6 : memref<32768xf32, #tpu.memory_space<vmem>>)
    %add3A_117 = arith.constant 131072 : i32
    %add3A_118 = arith.addi %mul3A_2, %add3A_117 : i32
    %dma_start3A_119 = tpu.memref_slice %arg3[%add3A_118] : memref<8388608xf32, #tpu.memory_space<hbm>> -> memref<32768xf32, #tpu.memory_space<hbm>>
    %dma_start3A_120 = tpu.memref_slice %arg3[%add3A_118] : memref<8388608xf32, #tpu.memory_space<hbm>> -> memref<32768xf32, #tpu.memory_space<hbm>>
    tpu.enqueue_dma source(%dma_start3A_120 : memref<32768xf32, #tpu.memory_space<hbm>>) target(%arg5 : memref<32768xf32, #tpu.memory_space<vmem>>) target_semaphore(%arg11 : memref<!tpu.dma_semaphore, #tpu.memory_space<semaphore_mem>>)
    %parallel_loop3A_121 = arith.constant 0 : i32
    %parallel_loop3A_122 = arith.constant 2048 : i32
    %parallel_loop3A_123 = arith.constant 1 : i32
    scf.for %parallel_loop3A_168 = %parallel_loop3A_121 to %parallel_loop3A_122 step %parallel_loop3A_123  : i32 {
      %parallel_loop3A_169 = arith.constant 16 : i32
      %parallel_loop3A_170 = arith.muli %parallel_loop3A_168, %parallel_loop3A_169 : i32
      %parallel_loop3A_171 = arith.index_cast %parallel_loop3A_170 : i32 to index
      %parallel_loop3A_172 = tpu.vector_load %arg6[%parallel_loop3A_171] {strides = array<i32>} : memref<32768xf32, #tpu.memory_space<vmem>>, vector<16xf32>,
      %parallel_loop3A_173 = arith.constant 2.560000e+02 : f32
      %parallel_loop3A_174 = vector.broadcast %parallel_loop3A_173 : f32 to vector<16xf32>
      %parallel_loop3A_175 = arith.mulf %parallel_loop3A_172, %parallel_loop3A_174 : vector<16xf32>
      %parallel_loop3A_176 = arith.fptosi %parallel_loop3A_175 : vector<16xf32> to vector<16xi32>
      %parallel_loop3A_177 = vector.bitcast %parallel_loop3A_176 : vector<16xi32> to vector<16xi32>
      %parallel_loop3A_178 = arith.constant 255 : i32
      %parallel_loop3A_179 = vector.broadcast %parallel_loop3A_178 : i32 to vector<16xi32>
      %parallel_loop3A_180 = arith.minui %parallel_loop3A_177, %parallel_loop3A_179 : vector<16xi32>
      %parallel_loop3A_181 = vector.bitcast %parallel_loop3A_180 : vector<16xi32> to vector<16xi32>
      %parallel_loop3A_182 = arith.addi %parallel_loop3A_181, %mul3A_5 : vector<16xi32>
      tpu.vector_store_idx %arg8[%parallel_loop3A_182], %broadcast_in_dim3A_8 {add = true} : memref<4352xi32, #tpu.memory_space<vmem>>[vector<16xi32>], vector<16xi32>,
    } {sc.loop_unroll_factor = 16 : i64, sc.parallel_access}
    %dma_wait3A_124 = tpu.memref_slice %arg3[%add3A_118] : memref<8388608xf32, #tpu.memory_space<hbm>> -> memref<32768xf32, #tpu.memory_space<hbm>>
    %dma_wait3A_125 = tpu.memref_slice %arg3[%add3A_118] : memref<8388608xf32, #tpu.memory_space<hbm>> -> memref<32768xf32, #tpu.memory_space<hbm>>
    tpu.wait_dma2 semaphore(%arg11 : memref<!tpu.dma_semaphore, #tpu.memory_space<semaphore_mem>>) src(%dma_wait3A_125 : memref<32768xf32, #tpu.memory_space<hbm>>) dst(%arg5 : memref<32768xf32, #tpu.memory_space<vmem>>)
    %add3A_126 = arith.constant 163840 : i32
    %add3A_127 = arith.addi %mul3A_2, %add3A_126 : i32
    %dma_start3A_128 = tpu.memref_slice %arg3[%add3A_127] : memref<8388608xf32, #tpu.memory_space<hbm>> -> memref<32768xf32, #tpu.memory_space<hbm>>
    %dma_start3A_129 = tpu.memref_slice %arg3[%add3A_127] : memref<8388608xf32, #tpu.memory_space<hbm>> -> memref<32768xf32, #tpu.memory_space<hbm>>
    tpu.enqueue_dma source(%dma_start3A_129 : memref<32768xf32, #tpu.memory_space<hbm>>) target(%arg6 : memref<32768xf32, #tpu.memory_space<vmem>>) target_semaphore(%arg12 : memref<!tpu.dma_semaphore, #tpu.memory_space<semaphore_mem>>)
    %parallel_loop3A_130 = arith.constant 0 : i32
    %parallel_loop3A_131 = arith.constant 2048 : i32
    %parallel_loop3A_132 = arith.constant 1 : i32
    scf.for %parallel_loop3A_168 = %parallel_loop3A_130 to %parallel_loop3A_131 step %parallel_loop3A_132  : i32 {
      %parallel_loop3A_169 = arith.constant 16 : i32
      %parallel_loop3A_170 = arith.muli %parallel_loop3A_168, %parallel_loop3A_169 : i32
      %parallel_loop3A_171 = arith.index_cast %parallel_loop3A_170 : i32 to index
      %parallel_loop3A_172 = tpu.vector_load %arg5[%parallel_loop3A_171] {strides = array<i32>} : memref<32768xf32, #tpu.memory_space<vmem>>, vector<16xf32>,
      %parallel_loop3A_173 = arith.constant 2.560000e+02 : f32
      %parallel_loop3A_174 = vector.broadcast %parallel_loop3A_173 : f32 to vector<16xf32>
      %parallel_loop3A_175 = arith.mulf %parallel_loop3A_172, %parallel_loop3A_174 : vector<16xf32>
      %parallel_loop3A_176 = arith.fptosi %parallel_loop3A_175 : vector<16xf32> to vector<16xi32>
      %parallel_loop3A_177 = vector.bitcast %parallel_loop3A_176 : vector<16xi32> to vector<16xi32>
      %parallel_loop3A_178 = arith.constant 255 : i32
      %parallel_loop3A_179 = vector.broadcast %parallel_loop3A_178 : i32 to vector<16xi32>
      %parallel_loop3A_180 = arith.minui %parallel_loop3A_177, %parallel_loop3A_179 : vector<16xi32>
      %parallel_loop3A_181 = vector.bitcast %parallel_loop3A_180 : vector<16xi32> to vector<16xi32>
      %parallel_loop3A_182 = arith.addi %parallel_loop3A_181, %mul3A_5 : vector<16xi32>
      tpu.vector_store_idx %arg8[%parallel_loop3A_182], %broadcast_in_dim3A_8 {add = true} : memref<4352xi32, #tpu.memory_space<vmem>>[vector<16xi32>], vector<16xi32>,
    } {sc.loop_unroll_factor = 16 : i64, sc.parallel_access}
    %dma_wait3A_133 = tpu.memref_slice %arg3[%add3A_127] : memref<8388608xf32, #tpu.memory_space<hbm>> -> memref<32768xf32, #tpu.memory_space<hbm>>
    %dma_wait3A_134 = tpu.memref_slice %arg3[%add3A_127] : memref<8388608xf32, #tpu.memory_space<hbm>> -> memref<32768xf32, #tpu.memory_space<hbm>>
    tpu.wait_dma2 semaphore(%arg12 : memref<!tpu.dma_semaphore, #tpu.memory_space<semaphore_mem>>) src(%dma_wait3A_134 : memref<32768xf32, #tpu.memory_space<hbm>>) dst(%arg6 : memref<32768xf32, #tpu.memory_space<vmem>>)
    %add3A_135 = arith.constant 196608 : i32
    %add3A_136 = arith.addi %mul3A_2, %add3A_135 : i32
    %dma_start3A_137 = tpu.memref_slice %arg3[%add3A_136] : memref<8388608xf32, #tpu.memory_space<hbm>> -> memref<32768xf32, #tpu.memory_space<hbm>>
    %dma_start3A_138 = tpu.memref_slice %arg3[%add3A_136] : memref<8388608xf32, #tpu.memory_space<hbm>> -> memref<32768xf32, #tpu.memory_space<hbm>>
    tpu.enqueue_dma source(%dma_start3A_138 : memref<32768xf32, #tpu.memory_space<hbm>>) target(%arg5 : memref<32768xf32, #tpu.memory_space<vmem>>) target_semaphore(%arg11 : memref<!tpu.dma_semaphore, #tpu.memory_space<semaphore_mem>>)
    %parallel_loop3A_139 = arith.constant 0 : i32
    %parallel_loop3A_140 = arith.constant 2048 : i32
    %parallel_loop3A_141 = arith.constant 1 : i32
    scf.for %parallel_loop3A_168 = %parallel_loop3A_139 to %parallel_loop3A_140 step %parallel_loop3A_141  : i32 {
      %parallel_loop3A_169 = arith.constant 16 : i32
      %parallel_loop3A_170 = arith.muli %parallel_loop3A_168, %parallel_loop3A_169 : i32
      %parallel_loop3A_171 = arith.index_cast %parallel_loop3A_170 : i32 to index
      %parallel_loop3A_172 = tpu.vector_load %arg6[%parallel_loop3A_171] {strides = array<i32>} : memref<32768xf32, #tpu.memory_space<vmem>>, vector<16xf32>,
      %parallel_loop3A_173 = arith.constant 2.560000e+02 : f32
      %parallel_loop3A_174 = vector.broadcast %parallel_loop3A_173 : f32 to vector<16xf32>
      %parallel_loop3A_175 = arith.mulf %parallel_loop3A_172, %parallel_loop3A_174 : vector<16xf32>
      %parallel_loop3A_176 = arith.fptosi %parallel_loop3A_175 : vector<16xf32> to vector<16xi32>
      %parallel_loop3A_177 = vector.bitcast %parallel_loop3A_176 : vector<16xi32> to vector<16xi32>
      %parallel_loop3A_178 = arith.constant 255 : i32
      %parallel_loop3A_179 = vector.broadcast %parallel_loop3A_178 : i32 to vector<16xi32>
      %parallel_loop3A_180 = arith.minui %parallel_loop3A_177, %parallel_loop3A_179 : vector<16xi32>
      %parallel_loop3A_181 = vector.bitcast %parallel_loop3A_180 : vector<16xi32> to vector<16xi32>
      %parallel_loop3A_182 = arith.addi %parallel_loop3A_181, %mul3A_5 : vector<16xi32>
      tpu.vector_store_idx %arg8[%parallel_loop3A_182], %broadcast_in_dim3A_8 {add = true} : memref<4352xi32, #tpu.memory_space<vmem>>[vector<16xi32>], vector<16xi32>,
    } {sc.loop_unroll_factor = 16 : i64, sc.parallel_access}
    %dma_wait3A_142 = tpu.memref_slice %arg3[%add3A_136] : memref<8388608xf32, #tpu.memory_space<hbm>> -> memref<32768xf32, #tpu.memory_space<hbm>>
    %dma_wait3A_143 = tpu.memref_slice %arg3[%add3A_136] : memref<8388608xf32, #tpu.memory_space<hbm>> -> memref<32768xf32, #tpu.memory_space<hbm>>
    tpu.wait_dma2 semaphore(%arg11 : memref<!tpu.dma_semaphore, #tpu.memory_space<semaphore_mem>>) src(%dma_wait3A_143 : memref<32768xf32, #tpu.memory_space<hbm>>) dst(%arg5 : memref<32768xf32, #tpu.memory_space<vmem>>)
    %add3A_144 = arith.constant 229376 : i32
    %add3A_145 = arith.addi %mul3A_2, %add3A_144 : i32
    %dma_start3A_146 = tpu.memref_slice %arg3[%add3A_145] : memref<8388608xf32, #tpu.memory_space<hbm>> -> memref<32768xf32, #tpu.memory_space<hbm>>
    %dma_start3A_147 = tpu.memref_slice %arg3[%add3A_145] : memref<8388608xf32, #tpu.memory_space<hbm>> -> memref<32768xf32, #tpu.memory_space<hbm>>
    tpu.enqueue_dma source(%dma_start3A_147 : memref<32768xf32, #tpu.memory_space<hbm>>) target(%arg6 : memref<32768xf32, #tpu.memory_space<vmem>>) target_semaphore(%arg12 : memref<!tpu.dma_semaphore, #tpu.memory_space<semaphore_mem>>)
    %parallel_loop3A_148 = arith.constant 0 : i32
    %parallel_loop3A_149 = arith.constant 2048 : i32
    %parallel_loop3A_150 = arith.constant 1 : i32
    scf.for %parallel_loop3A_168 = %parallel_loop3A_148 to %parallel_loop3A_149 step %parallel_loop3A_150  : i32 {
      %parallel_loop3A_169 = arith.constant 16 : i32
      %parallel_loop3A_170 = arith.muli %parallel_loop3A_168, %parallel_loop3A_169 : i32
      %parallel_loop3A_171 = arith.index_cast %parallel_loop3A_170 : i32 to index
      %parallel_loop3A_172 = tpu.vector_load %arg5[%parallel_loop3A_171] {strides = array<i32>} : memref<32768xf32, #tpu.memory_space<vmem>>, vector<16xf32>,
      %parallel_loop3A_173 = arith.constant 2.560000e+02 : f32
      %parallel_loop3A_174 = vector.broadcast %parallel_loop3A_173 : f32 to vector<16xf32>
      %parallel_loop3A_175 = arith.mulf %parallel_loop3A_172, %parallel_loop3A_174 : vector<16xf32>
      %parallel_loop3A_176 = arith.fptosi %parallel_loop3A_175 : vector<16xf32> to vector<16xi32>
      %parallel_loop3A_177 = vector.bitcast %parallel_loop3A_176 : vector<16xi32> to vector<16xi32>
      %parallel_loop3A_178 = arith.constant 255 : i32
      %parallel_loop3A_179 = vector.broadcast %parallel_loop3A_178 : i32 to vector<16xi32>
      %parallel_loop3A_180 = arith.minui %parallel_loop3A_177, %parallel_loop3A_179 : vector<16xi32>
      %parallel_loop3A_181 = vector.bitcast %parallel_loop3A_180 : vector<16xi32> to vector<16xi32>
      %parallel_loop3A_182 = arith.addi %parallel_loop3A_181, %mul3A_5 : vector<16xi32>
      tpu.vector_store_idx %arg8[%parallel_loop3A_182], %broadcast_in_dim3A_8 {add = true} : memref<4352xi32, #tpu.memory_space<vmem>>[vector<16xi32>], vector<16xi32>,
    } {sc.loop_unroll_factor = 16 : i64, sc.parallel_access}
    %dma_wait3A_151 = tpu.memref_slice %arg3[%add3A_145] : memref<8388608xf32, #tpu.memory_space<hbm>> -> memref<32768xf32, #tpu.memory_space<hbm>>
    %dma_wait3A_152 = tpu.memref_slice %arg3[%add3A_145] : memref<8388608xf32, #tpu.memory_space<hbm>> -> memref<32768xf32, #tpu.memory_space<hbm>>
    tpu.wait_dma2 semaphore(%arg12 : memref<!tpu.dma_semaphore, #tpu.memory_space<semaphore_mem>>) src(%dma_wait3A_152 : memref<32768xf32, #tpu.memory_space<hbm>>) dst(%arg6 : memref<32768xf32, #tpu.memory_space<vmem>>)
    %parallel_loop3A_153 = arith.constant 0 : i32
    %parallel_loop3A_154 = arith.constant 2048 : i32
    %parallel_loop3A_155 = arith.constant 1 : i32
    scf.for %parallel_loop3A_168 = %parallel_loop3A_153 to %parallel_loop3A_154 step %parallel_loop3A_155  : i32 {
      %parallel_loop3A_169 = arith.constant 16 : i32
      %parallel_loop3A_170 = arith.muli %parallel_loop3A_168, %parallel_loop3A_169 : i32
      %parallel_loop3A_171 = arith.index_cast %parallel_loop3A_170 : i32 to index
      %parallel_loop3A_172 = tpu.vector_load %arg6[%parallel_loop3A_171] {strides = array<i32>} : memref<32768xf32, #tpu.memory_space<vmem>>, vector<16xf32>,
      %parallel_loop3A_173 = arith.constant 2.560000e+02 : f32
      %parallel_loop3A_174 = vector.broadcast %parallel_loop3A_173 : f32 to vector<16xf32>
      %parallel_loop3A_175 = arith.mulf %parallel_loop3A_172, %parallel_loop3A_174 : vector<16xf32>
      %parallel_loop3A_176 = arith.fptosi %parallel_loop3A_175 : vector<16xf32> to vector<16xi32>
      %parallel_loop3A_177 = vector.bitcast %parallel_loop3A_176 : vector<16xi32> to vector<16xi32>
      %parallel_loop3A_178 = arith.constant 255 : i32
      %parallel_loop3A_179 = vector.broadcast %parallel_loop3A_178 : i32 to vector<16xi32>
      %parallel_loop3A_180 = arith.minui %parallel_loop3A_177, %parallel_loop3A_179 : vector<16xi32>
      %parallel_loop3A_181 = vector.bitcast %parallel_loop3A_180 : vector<16xi32> to vector<16xi32>
      %parallel_loop3A_182 = arith.addi %parallel_loop3A_181, %mul3A_5 : vector<16xi32>
      tpu.vector_store_idx %arg8[%parallel_loop3A_182], %broadcast_in_dim3A_8 {add = true} : memref<4352xi32, #tpu.memory_space<vmem>>[vector<16xi32>], vector<16xi32>,
    } {sc.loop_unroll_factor = 16 : i64, sc.parallel_access}
    %parallel_loop3A_156 = arith.constant 0 : i32
    %parallel_loop3A_157 = arith.constant 16 : i32
    %parallel_loop3A_158 = arith.constant 1 : i32
    scf.for %parallel_loop3A_168 = %parallel_loop3A_156 to %parallel_loop3A_157 step %parallel_loop3A_158  : i32 {
      %parallel_loop3A_169 = arith.constant 16 : i32
      %parallel_loop3A_170 = arith.muli %parallel_loop3A_168, %parallel_loop3A_169 : i32
      %parallel_loop3A_171 = arith.index_cast %parallel_loop3A_170 : i32 to index
      %parallel_loop3A_172 = tpu.vector_load %arg7[%parallel_loop3A_171] {strides = array<i32>} : memref<4352xi32, #tpu.memory_space<vmem>>, vector<16xi32>,
      %parallel_loop3A_173 = arith.constant 16 : i32
      %parallel_loop3A_174 = arith.muli %parallel_loop3A_168, %parallel_loop3A_173 : i32
      %parallel_loop3A_175 = arith.constant 273 : i32
      %parallel_loop3A_176 = arith.addi %parallel_loop3A_175, %parallel_loop3A_174 : i32
      %parallel_loop3A_177 = arith.index_cast %parallel_loop3A_176 : i32 to index
      %parallel_loop3A_178 = tpu.vector_load %arg7[%parallel_loop3A_177] {strides = array<i32>} : memref<4352xi32, #tpu.memory_space<vmem>>, vector<16xi32>,
      %parallel_loop3A_179 = arith.addi %parallel_loop3A_172, %parallel_loop3A_178 : vector<16xi32>
      %parallel_loop3A_180 = arith.constant 16 : i32
      %parallel_loop3A_181 = arith.muli %parallel_loop3A_168, %parallel_loop3A_180 : i32
      %parallel_loop3A_182 = arith.constant 546 : i32
      %parallel_loop3A_183 = arith.addi %parallel_loop3A_182, %parallel_loop3A_181 : i32
      %parallel_loop3A_184 = arith.index_cast %parallel_loop3A_183 : i32 to index
      %parallel_loop3A_185 = tpu.vector_load %arg7[%parallel_loop3A_184] {strides = array<i32>} : memref<4352xi32, #tpu.memory_space<vmem>>, vector<16xi32>,
      %parallel_loop3A_186 = arith.addi %parallel_loop3A_179, %parallel_loop3A_185 : vector<16xi32>
      %parallel_loop3A_187 = arith.constant 16 : i32
      %parallel_loop3A_188 = arith.muli %parallel_loop3A_168, %parallel_loop3A_187 : i32
      %parallel_loop3A_189 = arith.constant 819 : i32
      %parallel_loop3A_190 = arith.addi %parallel_loop3A_189, %parallel_loop3A_188 : i32
      %parallel_loop3A_191 = arith.index_cast %parallel_loop3A_190 : i32 to index
      %parallel_loop3A_192 = tpu.vector_load %arg7[%parallel_loop3A_191] {strides = array<i32>} : memref<4352xi32, #tpu.memory_space<vmem>>, vector<16xi32>,
      %parallel_loop3A_193 = arith.addi %parallel_loop3A_186, %parallel_loop3A_192 : vector<16xi32>
      %parallel_loop3A_194 = arith.constant 16 : i32
      %parallel_loop3A_195 = arith.muli %parallel_loop3A_168, %parallel_loop3A_194 : i32
      %parallel_loop3A_196 = arith.constant 1092 : i32
      %parallel_loop3A_197 = arith.addi %parallel_loop3A_196, %parallel_loop3A_195 : i32
      %parallel_loop3A_198 = arith.index_cast %parallel_loop3A_197 : i32 to index
      %parallel_loop3A_199 = tpu.vector_load %arg7[%parallel_loop3A_198] {strides = array<i32>} : memref<4352xi32, #tpu.memory_space<vmem>>, vector<16xi32>,
      %parallel_loop3A_200 = arith.addi %parallel_loop3A_193, %parallel_loop3A_199 : vector<16xi32>
      %parallel_loop3A_201 = arith.constant 16 : i32
      %parallel_loop3A_202 = arith.muli %parallel_loop3A_168, %parallel_loop3A_201 : i32
      %parallel_loop3A_203 = arith.constant 1365 : i32
      %parallel_loop3A_204 = arith.addi %parallel_loop3A_203, %parallel_loop3A_202 : i32
      %parallel_loop3A_205 = arith.index_cast %parallel_loop3A_204 : i32 to index
      %parallel_loop3A_206 = tpu.vector_load %arg7[%parallel_loop3A_205] {strides = array<i32>} : memref<4352xi32, #tpu.memory_space<vmem>>, vector<16xi32>,
      %parallel_loop3A_207 = arith.addi %parallel_loop3A_200, %parallel_loop3A_206 : vector<16xi32>
      %parallel_loop3A_208 = arith.constant 16 : i32
      %parallel_loop3A_209 = arith.muli %parallel_loop3A_168, %parallel_loop3A_208 : i32
      %parallel_loop3A_210 = arith.constant 1638 : i32
      %parallel_loop3A_211 = arith.addi %parallel_loop3A_210, %parallel_loop3A_209 : i32
      %parallel_loop3A_212 = arith.index_cast %parallel_loop3A_211 : i32 to index
      %parallel_loop3A_213 = tpu.vector_load %arg7[%parallel_loop3A_212] {strides = array<i32>} : memref<4352xi32, #tpu.memory_space<vmem>>, vector<16xi32>,
      %parallel_loop3A_214 = arith.addi %parallel_loop3A_207, %parallel_loop3A_213 : vector<16xi32>
      %parallel_loop3A_215 = arith.constant 16 : i32
      %parallel_loop3A_216 = arith.muli %parallel_loop3A_168, %parallel_loop3A_215 : i32
      %parallel_loop3A_217 = arith.constant 1911 : i32
      %parallel_loop3A_218 = arith.addi %parallel_loop3A_217, %parallel_loop3A_216 : i32
      %parallel_loop3A_219 = arith.index_cast %parallel_loop3A_218 : i32 to index
      %parallel_loop3A_220 = tpu.vector_load %arg7[%parallel_loop3A_219] {strides = array<i32>} : memref<4352xi32, #tpu.memory_space<vmem>>, vector<16xi32>,
      %parallel_loop3A_221 = arith.addi %parallel_loop3A_214, %parallel_loop3A_220 : vector<16xi32>
      %parallel_loop3A_222 = arith.constant 16 : i32
      %parallel_loop3A_223 = arith.muli %parallel_loop3A_168, %parallel_loop3A_222 : i32
      %parallel_loop3A_224 = arith.constant 2184 : i32
      %parallel_loop3A_225 = arith.addi %parallel_loop3A_224, %parallel_loop3A_223 : i32
      %parallel_loop3A_226 = arith.index_cast %parallel_loop3A_225 : i32 to index
      %parallel_loop3A_227 = tpu.vector_load %arg7[%parallel_loop3A_226] {strides = array<i32>} : memref<4352xi32, #tpu.memory_space<vmem>>, vector<16xi32>,
      %parallel_loop3A_228 = arith.addi %parallel_loop3A_221, %parallel_loop3A_227 : vector<16xi32>
      %parallel_loop3A_229 = arith.constant 16 : i32
      %parallel_loop3A_230 = arith.muli %parallel_loop3A_168, %parallel_loop3A_229 : i32
      %parallel_loop3A_231 = arith.constant 2457 : i32
      %parallel_loop3A_232 = arith.addi %parallel_loop3A_231, %parallel_loop3A_230 : i32
      %parallel_loop3A_233 = arith.index_cast %parallel_loop3A_232 : i32 to index
      %parallel_loop3A_234 = tpu.vector_load %arg7[%parallel_loop3A_233] {strides = array<i32>} : memref<4352xi32, #tpu.memory_space<vmem>>, vector<16xi32>,
      %parallel_loop3A_235 = arith.addi %parallel_loop3A_228, %parallel_loop3A_234 : vector<16xi32>
      %parallel_loop3A_236 = arith.constant 16 : i32
      %parallel_loop3A_237 = arith.muli %parallel_loop3A_168, %parallel_loop3A_236 : i32
      %parallel_loop3A_238 = arith.constant 2730 : i32
      %parallel_loop3A_239 = arith.addi %parallel_loop3A_238, %parallel_loop3A_237 : i32
      %parallel_loop3A_240 = arith.index_cast %parallel_loop3A_239 : i32 to index
      %parallel_loop3A_241 = tpu.vector_load %arg7[%parallel_loop3A_240] {strides = array<i32>} : memref<4352xi32, #tpu.memory_space<vmem>>, vector<16xi32>,
      %parallel_loop3A_242 = arith.addi %parallel_loop3A_235, %parallel_loop3A_241 : vector<16xi32>
      %parallel_loop3A_243 = arith.constant 16 : i32
      %parallel_loop3A_244 = arith.muli %parallel_loop3A_168, %parallel_loop3A_243 : i32
      %parallel_loop3A_245 = arith.constant 3003 : i32
      %parallel_loop3A_246 = arith.addi %parallel_loop3A_245, %parallel_loop3A_244 : i32
      %parallel_loop3A_247 = arith.index_cast %parallel_loop3A_246 : i32 to index
      %parallel_loop3A_248 = tpu.vector_load %arg7[%parallel_loop3A_247] {strides = array<i32>} : memref<4352xi32, #tpu.memory_space<vmem>>, vector<16xi32>,
      %parallel_loop3A_249 = arith.addi %parallel_loop3A_242, %parallel_loop3A_248 : vector<16xi32>
      %parallel_loop3A_250 = arith.constant 16 : i32
      %parallel_loop3A_251 = arith.muli %parallel_loop3A_168, %parallel_loop3A_250 : i32
      %parallel_loop3A_252 = arith.constant 3276 : i32
      %parallel_loop3A_253 = arith.addi %parallel_loop3A_252, %parallel_loop3A_251 : i32
      %parallel_loop3A_254 = arith.index_cast %parallel_loop3A_253 : i32 to index
      %parallel_loop3A_255 = tpu.vector_load %arg7[%parallel_loop3A_254] {strides = array<i32>} : memref<4352xi32, #tpu.memory_space<vmem>>, vector<16xi32>,
      %parallel_loop3A_256 = arith.addi %parallel_loop3A_249, %parallel_loop3A_255 : vector<16xi32>
      %parallel_loop3A_257 = arith.constant 16 : i32
      %parallel_loop3A_258 = arith.muli %parallel_loop3A_168, %parallel_loop3A_257 : i32
      %parallel_loop3A_259 = arith.constant 3549 : i32
      %parallel_loop3A_260 = arith.addi %parallel_loop3A_259, %parallel_loop3A_258 : i32
      %parallel_loop3A_261 = arith.index_cast %parallel_loop3A_260 : i32 to index
      %parallel_loop3A_262 = tpu.vector_load %arg7[%parallel_loop3A_261] {strides = array<i32>} : memref<4352xi32, #tpu.memory_space<vmem>>, vector<16xi32>,
      %parallel_loop3A_263 = arith.addi %parallel_loop3A_256, %parallel_loop3A_262 : vector<16xi32>
      %parallel_loop3A_264 = arith.constant 16 : i32
      %parallel_loop3A_265 = arith.muli %parallel_loop3A_168, %parallel_loop3A_264 : i32
      %parallel_loop3A_266 = arith.constant 3822 : i32
      %parallel_loop3A_267 = arith.addi %parallel_loop3A_266, %parallel_loop3A_265 : i32
      %parallel_loop3A_268 = arith.index_cast %parallel_loop3A_267 : i32 to index
      %parallel_loop3A_269 = tpu.vector_load %arg7[%parallel_loop3A_268] {strides = array<i32>} : memref<4352xi32, #tpu.memory_space<vmem>>, vector<16xi32>,
      %parallel_loop3A_270 = arith.addi %parallel_loop3A_263, %parallel_loop3A_269 : vector<16xi32>
      %parallel_loop3A_271 = arith.constant 16 : i32
      %parallel_loop3A_272 = arith.muli %parallel_loop3A_168, %parallel_loop3A_271 : i32
      %parallel_loop3A_273 = arith.constant 4095 : i32
      %parallel_loop3A_274 = arith.addi %parallel_loop3A_273, %parallel_loop3A_272 : i32
      %parallel_loop3A_275 = arith.index_cast %parallel_loop3A_274 : i32 to index
      %parallel_loop3A_276 = tpu.vector_load %arg7[%parallel_loop3A_275] {strides = array<i32>} : memref<4352xi32, #tpu.memory_space<vmem>>, vector<16xi32>,
      %parallel_loop3A_277 = arith.addi %parallel_loop3A_270, %parallel_loop3A_276 : vector<16xi32>
      %parallel_loop3A_278 = arith.sitofp %parallel_loop3A_277 : vector<16xi32> to vector<16xf32>
      %parallel_loop3A_279 = arith.constant 16 : i32
      %parallel_loop3A_280 = arith.muli %parallel_loop3A_168, %parallel_loop3A_279 : i32
      %parallel_loop3A_281 = arith.index_cast %parallel_loop3A_280 : i32 to index
      %parallel_loop3A_282 = tpu.vector_load %arg9[%parallel_loop3A_281] {strides = array<i32>} : memref<256xf32, #tpu.memory_space<vmem>>, vector<16xf32>,
      tpu.vector_store %arg9[%parallel_loop3A_281], %parallel_loop3A_278 {strides = array<i32>} : memref<256xf32, #tpu.memory_space<vmem>>, vector<16xf32>,
    } {sc.loop_unroll_factor = 2 : i64, sc.parallel_access}
    %parallel_loop3A_159 = arith.constant 0 : i32
    %parallel_loop3A_160 = arith.constant 16 : i32
    %parallel_loop3A_161 = arith.constant 1 : i32
    scf.for %parallel_loop3A_168 = %parallel_loop3A_159 to %parallel_loop3A_160 step %parallel_loop3A_161  : i32 {
      %parallel_loop3A_169 = arith.constant 16 : i32
      %parallel_loop3A_170 = arith.muli %parallel_loop3A_168, %parallel_loop3A_169 : i32
      %parallel_loop3A_171 = arith.index_cast %parallel_loop3A_170 : i32 to index
      %parallel_loop3A_172 = tpu.vector_load %arg8[%parallel_loop3A_171] {strides = array<i32>} : memref<4352xi32, #tpu.memory_space<vmem>>, vector<16xi32>,
      %parallel_loop3A_173 = arith.constant 16 : i32
      %parallel_loop3A_174 = arith.muli %parallel_loop3A_168, %parallel_loop3A_173 : i32
      %parallel_loop3A_175 = arith.constant 273 : i32
      %parallel_loop3A_176 = arith.addi %parallel_loop3A_175, %parallel_loop3A_174 : i32
      %parallel_loop3A_177 = arith.index_cast %parallel_loop3A_176 : i32 to index
      %parallel_loop3A_178 = tpu.vector_load %arg8[%parallel_loop3A_177] {strides = array<i32>} : memref<4352xi32, #tpu.memory_space<vmem>>, vector<16xi32>,
      %parallel_loop3A_179 = arith.addi %parallel_loop3A_172, %parallel_loop3A_178 : vector<16xi32>
      %parallel_loop3A_180 = arith.constant 16 : i32
      %parallel_loop3A_181 = arith.muli %parallel_loop3A_168, %parallel_loop3A_180 : i32
      %parallel_loop3A_182 = arith.constant 546 : i32
      %parallel_loop3A_183 = arith.addi %parallel_loop3A_182, %parallel_loop3A_181 : i32
      %parallel_loop3A_184 = arith.index_cast %parallel_loop3A_183 : i32 to index
      %parallel_loop3A_185 = tpu.vector_load %arg8[%parallel_loop3A_184] {strides = array<i32>} : memref<4352xi32, #tpu.memory_space<vmem>>, vector<16xi32>,
      %parallel_loop3A_186 = arith.addi %parallel_loop3A_179, %parallel_loop3A_185 : vector<16xi32>
      %parallel_loop3A_187 = arith.constant 16 : i32
      %parallel_loop3A_188 = arith.muli %parallel_loop3A_168, %parallel_loop3A_187 : i32
      %parallel_loop3A_189 = arith.constant 819 : i32
      %parallel_loop3A_190 = arith.addi %parallel_loop3A_189, %parallel_loop3A_188 : i32
      %parallel_loop3A_191 = arith.index_cast %parallel_loop3A_190 : i32 to index
      %parallel_loop3A_192 = tpu.vector_load %arg8[%parallel_loop3A_191] {strides = array<i32>} : memref<4352xi32, #tpu.memory_space<vmem>>, vector<16xi32>,
      %parallel_loop3A_193 = arith.addi %parallel_loop3A_186, %parallel_loop3A_192 : vector<16xi32>
      %parallel_loop3A_194 = arith.constant 16 : i32
      %parallel_loop3A_195 = arith.muli %parallel_loop3A_168, %parallel_loop3A_194 : i32
      %parallel_loop3A_196 = arith.constant 1092 : i32
      %parallel_loop3A_197 = arith.addi %parallel_loop3A_196, %parallel_loop3A_195 : i32
      %parallel_loop3A_198 = arith.index_cast %parallel_loop3A_197 : i32 to index
      %parallel_loop3A_199 = tpu.vector_load %arg8[%parallel_loop3A_198] {strides = array<i32>} : memref<4352xi32, #tpu.memory_space<vmem>>, vector<16xi32>,
      %parallel_loop3A_200 = arith.addi %parallel_loop3A_193, %parallel_loop3A_199 : vector<16xi32>
      %parallel_loop3A_201 = arith.constant 16 : i32
      %parallel_loop3A_202 = arith.muli %parallel_loop3A_168, %parallel_loop3A_201 : i32
      %parallel_loop3A_203 = arith.constant 1365 : i32
      %parallel_loop3A_204 = arith.addi %parallel_loop3A_203, %parallel_loop3A_202 : i32
      %parallel_loop3A_205 = arith.index_cast %parallel_loop3A_204 : i32 to index
      %parallel_loop3A_206 = tpu.vector_load %arg8[%parallel_loop3A_205] {strides = array<i32>} : memref<4352xi32, #tpu.memory_space<vmem>>, vector<16xi32>,
      %parallel_loop3A_207 = arith.addi %parallel_loop3A_200, %parallel_loop3A_206 : vector<16xi32>
      %parallel_loop3A_208 = arith.constant 16 : i32
      %parallel_loop3A_209 = arith.muli %parallel_loop3A_168, %parallel_loop3A_208 : i32
      %parallel_loop3A_210 = arith.constant 1638 : i32
      %parallel_loop3A_211 = arith.addi %parallel_loop3A_210, %parallel_loop3A_209 : i32
      %parallel_loop3A_212 = arith.index_cast %parallel_loop3A_211 : i32 to index
      %parallel_loop3A_213 = tpu.vector_load %arg8[%parallel_loop3A_212] {strides = array<i32>} : memref<4352xi32, #tpu.memory_space<vmem>>, vector<16xi32>,
      %parallel_loop3A_214 = arith.addi %parallel_loop3A_207, %parallel_loop3A_213 : vector<16xi32>
      %parallel_loop3A_215 = arith.constant 16 : i32
      %parallel_loop3A_216 = arith.muli %parallel_loop3A_168, %parallel_loop3A_215 : i32
      %parallel_loop3A_217 = arith.constant 1911 : i32
      %parallel_loop3A_218 = arith.addi %parallel_loop3A_217, %parallel_loop3A_216 : i32
      %parallel_loop3A_219 = arith.index_cast %parallel_loop3A_218 : i32 to index
      %parallel_loop3A_220 = tpu.vector_load %arg8[%parallel_loop3A_219] {strides = array<i32>} : memref<4352xi32, #tpu.memory_space<vmem>>, vector<16xi32>,
      %parallel_loop3A_221 = arith.addi %parallel_loop3A_214, %parallel_loop3A_220 : vector<16xi32>
      %parallel_loop3A_222 = arith.constant 16 : i32
      %parallel_loop3A_223 = arith.muli %parallel_loop3A_168, %parallel_loop3A_222 : i32
      %parallel_loop3A_224 = arith.constant 2184 : i32
      %parallel_loop3A_225 = arith.addi %parallel_loop3A_224, %parallel_loop3A_223 : i32
      %parallel_loop3A_226 = arith.index_cast %parallel_loop3A_225 : i32 to index
      %parallel_loop3A_227 = tpu.vector_load %arg8[%parallel_loop3A_226] {strides = array<i32>} : memref<4352xi32, #tpu.memory_space<vmem>>, vector<16xi32>,
      %parallel_loop3A_228 = arith.addi %parallel_loop3A_221, %parallel_loop3A_227 : vector<16xi32>
      %parallel_loop3A_229 = arith.constant 16 : i32
      %parallel_loop3A_230 = arith.muli %parallel_loop3A_168, %parallel_loop3A_229 : i32
      %parallel_loop3A_231 = arith.constant 2457 : i32
      %parallel_loop3A_232 = arith.addi %parallel_loop3A_231, %parallel_loop3A_230 : i32
      %parallel_loop3A_233 = arith.index_cast %parallel_loop3A_232 : i32 to index
      %parallel_loop3A_234 = tpu.vector_load %arg8[%parallel_loop3A_233] {strides = array<i32>} : memref<4352xi32, #tpu.memory_space<vmem>>, vector<16xi32>,
      %parallel_loop3A_235 = arith.addi %parallel_loop3A_228, %parallel_loop3A_234 : vector<16xi32>
      %parallel_loop3A_236 = arith.constant 16 : i32
      %parallel_loop3A_237 = arith.muli %parallel_loop3A_168, %parallel_loop3A_236 : i32
      %parallel_loop3A_238 = arith.constant 2730 : i32
      %parallel_loop3A_239 = arith.addi %parallel_loop3A_238, %parallel_loop3A_237 : i32
      %parallel_loop3A_240 = arith.index_cast %parallel_loop3A_239 : i32 to index
      %parallel_loop3A_241 = tpu.vector_load %arg8[%parallel_loop3A_240] {strides = array<i32>} : memref<4352xi32, #tpu.memory_space<vmem>>, vector<16xi32>,
      %parallel_loop3A_242 = arith.addi %parallel_loop3A_235, %parallel_loop3A_241 : vector<16xi32>
      %parallel_loop3A_243 = arith.constant 16 : i32
      %parallel_loop3A_244 = arith.muli %parallel_loop3A_168, %parallel_loop3A_243 : i32
      %parallel_loop3A_245 = arith.constant 3003 : i32
      %parallel_loop3A_246 = arith.addi %parallel_loop3A_245, %parallel_loop3A_244 : i32
      %parallel_loop3A_247 = arith.index_cast %parallel_loop3A_246 : i32 to index
      %parallel_loop3A_248 = tpu.vector_load %arg8[%parallel_loop3A_247] {strides = array<i32>} : memref<4352xi32, #tpu.memory_space<vmem>>, vector<16xi32>,
      %parallel_loop3A_249 = arith.addi %parallel_loop3A_242, %parallel_loop3A_248 : vector<16xi32>
      %parallel_loop3A_250 = arith.constant 16 : i32
      %parallel_loop3A_251 = arith.muli %parallel_loop3A_168, %parallel_loop3A_250 : i32
      %parallel_loop3A_252 = arith.constant 3276 : i32
      %parallel_loop3A_253 = arith.addi %parallel_loop3A_252, %parallel_loop3A_251 : i32
      %parallel_loop3A_254 = arith.index_cast %parallel_loop3A_253 : i32 to index
      %parallel_loop3A_255 = tpu.vector_load %arg8[%parallel_loop3A_254] {strides = array<i32>} : memref<4352xi32, #tpu.memory_space<vmem>>, vector<16xi32>,
      %parallel_loop3A_256 = arith.addi %parallel_loop3A_249, %parallel_loop3A_255 : vector<16xi32>
      %parallel_loop3A_257 = arith.constant 16 : i32
      %parallel_loop3A_258 = arith.muli %parallel_loop3A_168, %parallel_loop3A_257 : i32
      %parallel_loop3A_259 = arith.constant 3549 : i32
      %parallel_loop3A_260 = arith.addi %parallel_loop3A_259, %parallel_loop3A_258 : i32
      %parallel_loop3A_261 = arith.index_cast %parallel_loop3A_260 : i32 to index
      %parallel_loop3A_262 = tpu.vector_load %arg8[%parallel_loop3A_261] {strides = array<i32>} : memref<4352xi32, #tpu.memory_space<vmem>>, vector<16xi32>,
      %parallel_loop3A_263 = arith.addi %parallel_loop3A_256, %parallel_loop3A_262 : vector<16xi32>
      %parallel_loop3A_264 = arith.constant 16 : i32
      %parallel_loop3A_265 = arith.muli %parallel_loop3A_168, %parallel_loop3A_264 : i32
      %parallel_loop3A_266 = arith.constant 3822 : i32
      %parallel_loop3A_267 = arith.addi %parallel_loop3A_266, %parallel_loop3A_265 : i32
      %parallel_loop3A_268 = arith.index_cast %parallel_loop3A_267 : i32 to index
      %parallel_loop3A_269 = tpu.vector_load %arg8[%parallel_loop3A_268] {strides = array<i32>} : memref<4352xi32, #tpu.memory_space<vmem>>, vector<16xi32>,
      %parallel_loop3A_270 = arith.addi %parallel_loop3A_263, %parallel_loop3A_269 : vector<16xi32>
      %parallel_loop3A_271 = arith.constant 16 : i32
      %parallel_loop3A_272 = arith.muli %parallel_loop3A_168, %parallel_loop3A_271 : i32
      %parallel_loop3A_273 = arith.constant 4095 : i32
      %parallel_loop3A_274 = arith.addi %parallel_loop3A_273, %parallel_loop3A_272 : i32
      %parallel_loop3A_275 = arith.index_cast %parallel_loop3A_274 : i32 to index
      %parallel_loop3A_276 = tpu.vector_load %arg8[%parallel_loop3A_275] {strides = array<i32>} : memref<4352xi32, #tpu.memory_space<vmem>>, vector<16xi32>,
      %parallel_loop3A_277 = arith.addi %parallel_loop3A_270, %parallel_loop3A_276 : vector<16xi32>
      %parallel_loop3A_278 = arith.sitofp %parallel_loop3A_277 : vector<16xi32> to vector<16xf32>
      %parallel_loop3A_279 = arith.constant 16 : i32
      %parallel_loop3A_280 = arith.muli %parallel_loop3A_168, %parallel_loop3A_279 : i32
      %parallel_loop3A_281 = arith.index_cast %parallel_loop3A_280 : i32 to index
      %parallel_loop3A_282 = tpu.vector_load %arg10[%parallel_loop3A_281] {strides = array<i32>} : memref<256xf32, #tpu.memory_space<vmem>>, vector<16xf32>,
      tpu.vector_store %arg10[%parallel_loop3A_281], %parallel_loop3A_278 {strides = array<i32>} : memref<256xf32, #tpu.memory_space<vmem>>, vector<16xf32>,
    } {sc.loop_unroll_factor = 2 : i64, sc.parallel_access}
    %mul3A_162 = arith.constant 256 : i32
    %mul3A_163 = arith.muli %add3A, %mul3A_162 : i32
    "tpu.region"() ({
      %run_scoped3A = tpu.sem_alloc : memref<!tpu.dma_semaphore, #tpu.memory_space<semaphore_mem>>
      %dma_start3A_168 = tpu.memref_slice %arg4[%mul3A_163] : memref<16384xf32, #tpu.memory_space<hbm>> -> memref<256xf32, #tpu.memory_space<hbm>>
      %dma_start3A_169 = tpu.memref_slice %arg4[%mul3A_163] : memref<16384xf32, #tpu.memory_space<hbm>> -> memref<256xf32, #tpu.memory_space<hbm>>
      tpu.enqueue_dma source(%arg9 : memref<256xf32, #tpu.memory_space<vmem>>) target(%dma_start3A_169 : memref<256xf32, #tpu.memory_space<hbm>>) target_semaphore(%run_scoped3A : memref<!tpu.dma_semaphore, #tpu.memory_space<semaphore_mem>>)
      %dma_wait3A_170 = tpu.memref_slice %arg4[%mul3A_163] : memref<16384xf32, #tpu.memory_space<hbm>> -> memref<256xf32, #tpu.memory_space<hbm>>
      %dma_wait3A_171 = tpu.memref_slice %arg4[%mul3A_163] : memref<16384xf32, #tpu.memory_space<hbm>> -> memref<256xf32, #tpu.memory_space<hbm>>
      tpu.wait_dma2 semaphore(%run_scoped3A : memref<!tpu.dma_semaphore, #tpu.memory_space<semaphore_mem>>) src(%arg9 : memref<256xf32, #tpu.memory_space<vmem>>) dst(%dma_wait3A_171 : memref<256xf32, #tpu.memory_space<hbm>>)
      tpu.yield
    }) : () -> ()
    %add3A_164 = arith.constant 32 : i32
    %add3A_165 = arith.addi %add3A_164, %add3A : i32
    %mul3A_166 = arith.constant 256 : i32
    %mul3A_167 = arith.muli %add3A_165, %mul3A_166 : i32
    "tpu.region"() ({
      %run_scoped3A = tpu.sem_alloc : memref<!tpu.dma_semaphore, #tpu.memory_space<semaphore_mem>>
      %dma_start3A_168 = tpu.memref_slice %arg4[%mul3A_167] : memref<16384xf32, #tpu.memory_space<hbm>> -> memref<256xf32, #tpu.memory_space<hbm>>
      %dma_start3A_169 = tpu.memref_slice %arg4[%mul3A_167] : memref<16384xf32, #tpu.memory_space<hbm>> -> memref<256xf32, #tpu.memory_space<hbm>>
      tpu.enqueue_dma source(%arg10 : memref<256xf32, #tpu.memory_space<vmem>>) target(%dma_start3A_169 : memref<256xf32, #tpu.memory_space<hbm>>) target_semaphore(%run_scoped3A : memref<!tpu.dma_semaphore, #tpu.memory_space<semaphore_mem>>)
      %dma_wait3A_170 = tpu.memref_slice %arg4[%mul3A_167] : memref<16384xf32, #tpu.memory_space<hbm>> -> memref<256xf32, #tpu.memory_space<hbm>>
      %dma_wait3A_171 = tpu.memref_slice %arg4[%mul3A_167] : memref<16384xf32, #tpu.memory_space<hbm>> -> memref<256xf32, #tpu.memory_space<hbm>>
      tpu.wait_dma2 semaphore(%run_scoped3A : memref<!tpu.dma_semaphore, #tpu.memory_space<semaphore_mem>>) src(%arg10 : memref<256xf32, #tpu.memory_space<vmem>>) dst(%dma_wait3A_171 : memref<256xf32, #tpu.memory_space<hbm>>)
      tpu.yield
    }) : () -> ()
    return
  }
}

module attributes {stable_mosaic.version = 14 : i64} {
  func.func @_tc_loss_kernel(%arg0: memref<64x256xf32, #tpu.memory_space<vmem>>, %arg1: memref<1x1xf32, #tpu.memory_space<vmem>>) attributes {dimension_semantics = [], scalar_prefetch = 0 : i64, scratch_operands = 0 : i64, tpu.core_type = #tpu.core_type<tc>} {
    %get3A = arith.constant 0 : index
    %get3A_0 = arith.constant 0 : index
    %get3A_1 = vector.load %arg0[%get3A, %get3A_0] : memref<64x256xf32, #tpu.memory_space<vmem>>, vector<32x256xf32>
    %reduce_sum3A = arith.constant dense<0.000000e+00> : vector<256xf32>
    %reduce_sum3A_2 = vector.multi_reduction <add>, %get3A_1, %reduce_sum3A [0] : vector<32x256xf32> to vector<256xf32>
    %get3A_3 = arith.constant 32 : index
    %get3A_4 = arith.constant 0 : index
    %get3A_5 = vector.load %arg0[%get3A_3, %get3A_4] : memref<64x256xf32, #tpu.memory_space<vmem>>, vector<32x256xf32>
    %reduce_sum3A_6 = arith.constant dense<0.000000e+00> : vector<256xf32>
    %reduce_sum3A_7 = vector.multi_reduction <add>, %get3A_5, %reduce_sum3A_6 [0] : vector<32x256xf32> to vector<256xf32>
    %reduce_sum3A_8 = vector.shape_cast %reduce_sum3A_2 : vector<256xf32> to vector<1x256xf32>
    %reduce_sum3A_9 = arith.constant dense<0.000000e+00> : vector<1xf32>
    %reduce_sum3A_10 = vector.multi_reduction <add>, %reduce_sum3A_8, %reduce_sum3A_9 [1] : vector<1x256xf32> to vector<1xf32>
    %reduce_sum3A_11 = vector.shape_cast %reduce_sum3A_10 : vector<1xf32> to vector<1x1xf32>
    %reduce_sum3A_12 = vector.extract %reduce_sum3A_11[0, 0] : f32 from vector<1x1xf32>
    %div3A = vector.broadcast %reduce_sum3A_12 : f32 to vector<256xf32>
    %div3A_13 = arith.divf %reduce_sum3A_2, %div3A : vector<256xf32>
    %reduce_sum3A_14 = vector.shape_cast %reduce_sum3A_7 : vector<256xf32> to vector<1x256xf32>
    %reduce_sum3A_15 = arith.constant dense<0.000000e+00> : vector<1xf32>
    %reduce_sum3A_16 = vector.multi_reduction <add>, %reduce_sum3A_14, %reduce_sum3A_15 [1] : vector<1x256xf32> to vector<1xf32>
    %reduce_sum3A_17 = vector.shape_cast %reduce_sum3A_16 : vector<1xf32> to vector<1x1xf32>
    %reduce_sum3A_18 = vector.extract %reduce_sum3A_17[0, 0] : f32 from vector<1x1xf32>
    %div3A_19 = vector.broadcast %reduce_sum3A_18 : f32 to vector<256xf32>
    %div3A_20 = arith.divf %reduce_sum3A_7, %div3A_19 : vector<256xf32>
    %sub3A = arith.subf %div3A_13, %div3A_20 : vector<256xf32>
    %abs3A = math.absf %sub3A : vector<256xf32>
    %reduce_sum3A_21 = vector.shape_cast %abs3A : vector<256xf32> to vector<1x256xf32>
    %reduce_sum3A_22 = arith.constant dense<0.000000e+00> : vector<1xf32>
    %reduce_sum3A_23 = vector.multi_reduction <add>, %reduce_sum3A_21, %reduce_sum3A_22 [1] : vector<1x256xf32> to vector<1xf32>
    %reduce_sum3A_24 = vector.shape_cast %reduce_sum3A_23 : vector<1xf32> to vector<1x1xf32>
    %reduce_sum3A_25 = vector.extract %reduce_sum3A_24[0, 0] : f32 from vector<1x1xf32>
    %reshape3A = vector.broadcast %reduce_sum3A_25 : f32 to vector<1x1xf32>
    %swap3A = arith.constant 0 : index
    %swap3A_26 = arith.constant 0 : index
    %swap3A_27 = vector.load %arg1[%swap3A, %swap3A_26] : memref<1x1xf32, #tpu.memory_space<vmem>>, vector<1x1xf32>
    tpu.vector_store %arg1[%swap3A, %swap3A_26], %reshape3A {strides = array<i32>} : memref<1x1xf32, #tpu.memory_space<vmem>>, vector<1x1xf32>,
    return
  }
}

</mosaic_0001>

<sc_bundles>
// kernel: kernel.4.cloned.1.call-start
scs
__scs_entry_jumppad:
0x0: {  	(pc) =	sbr.rel $0x88, $3  }
0x1: {  	(tag) =	ssettag $0x0;
	lr =	simm.s32 $0x1  }
0x2: {  	[smem:$0x3F9F] =	sst lr;
	_ =	strace $0xD0000000  }
0x3: {  	_ = 	snop  }
0x4: {  	_ = 	snop  }
0x5: {  	_ = 	snop  }
0x6: {  	_ = 	snop  }
0x7: {  	_ = 	snop  }
__scs_overlays_trampoline_lowered:
0x8: {  	[smem:$0x3FAE] =	sst s0  }
0x9: {  	[smem:$0x3FAF] =	sst s1  }
0xa: {  	[smem:$0x3FB0] =	sst s2  }
0xb: {  	[smem:$0x3FB1] =	sst s3  }
0xc: {  	[smem:$0x3FB2] =	sst s4  }
0xd: {  	[smem:$0x3FB3] =	sst s5  }
0xe: {  	[smem:$0x3FB4] =	sst s6  }
0xf: {  	[smem:$0x3FB5] =	sst s7  }
0x10: {  	[smem:$0x3FB6] =	sst s8  }
0x11: {  	[smem:$0x3FB7] =	sst s9;
	s0 =	simm.s32 @!p0 $0x0  }
0x12: {  	s1 =	sld [smem:$0x3F9D];
	s0 =	simm.s32 @p0 $0x1  }
0x13: {  	[smem:$0x3FB8] =	sst s0;
	s0 =	simm.s32 @!p1 $0x0  }
0x14: {  	s2 =	sld [smem:$0x3F9C];
	s0 =	simm.s32 @p1 $0x1  }
0x15: {  	[smem:$0x3FB9] =	sst s0;
	s0 =	simm.s32 @!p2 $0x0  }
0x16: {  	s3 =	sld [smem:$0x3FDB];
	s0 =	simm.s32 @p2 $0x1  }
0x17: {  	s4 =	simm.s32 $0x1BF5;
	[smem:$0x3FBB] =	sst s0  }
0x18: {  	s0 =	sld [smem:$0x3F9E];
	_ =	swait.ge [sflag:s4], $0x0  }
0x19: {  	s7 =	sld [smem:$0x3F9F]  }
0x1a: {  	s8 =	sadd.s32 $0xFFFFE003, lr  }
0x1b: {  	s9 =	sadd.s32 $0xFFFFFEF7, lr;
	s5 =	simm.s32 $0xFFFFFFFF;
	p2 =	slt.u32 s8, $0xFFFFF086  }
0x1c: {  	p1 =	slt.u32 s9, $0xF7A;
	s5 =	simm.s32 @!p2 $0x0  }
0x1d: {  	s5 =	simm.s32 @p1 $0x1;
	p0 =	seq.s32 s7, s2  }
0x1e: {  	s7 =	smul.u32 @!p0 $0xF7A, s2;
	p2 =	seq.s32 @!p0 s5, $0x0  }
0x1f: {  	s9 =	smul.u32 $0xF7A, s1;
	s8 =	simm.s32 @!p0 $0x1BF5;
	p2 =	por !p2, p0  }
0x20: {  	[sflag:s8] =	ssyncset.s32 @!p0 $0xFFFFF086;
	s6 =	sadd.s32 @!p0 s3, s7;
	s7 =	simm.s32 @!p0 $0x108  }
0x21: {  	s3 =	sadd.s32 s3, s9;
	s6 =	sadd.s32 @!p0 $0x88, s6;
	s7 =	simm.s32 @p2 $0x1082  }
0x22: {  	[simem:s7], [sflag:s8] =	dma.local @!p0 [hbm:s6], $0xF7A  }
0x23: {  	s9 =	sor.u32 $0xD0000000, s2;
	s6 =	simm.s32 $0x108;
	_ =	swait.ge @!p0 [sflag:s8], $0x0  }
0x24: {  	s3 =	sadd.s32 $0x88, s3;
	s6 =	simm.s32 @!p1 $0x1082;
	[sflag:s4] =	ssyncset.s32 $0xFFFFF086  }
0x25: {  	[simem:s6], [sflag:s4] =	dma.local [hbm:s3], $0xF7A  }
0x26: {  	[smem:$0x3F9F] =	sst s1;
	(tag) =	ssettag s2;
	_ =	strace s9  }
0x27: {  	s1 =	sld [smem:$0x3FAF]  }
0x28: {  	s2 =	sld [smem:$0x3FB0]  }
0x29: {  	s4 =	sld [smem:$0x3FB2]  }
0x2a: {  	p0 =	seq.s32 s5, $0x0;
	s5 =	sld [smem:$0x3FB3]  }
0x2b: {  	s6 =	sld [smem:$0x3FB4]  }
0x2c: {  	s7 =	sld [smem:$0x3FB5]  }
0x2d: {  	s3 =	simm.s32 $0x108;
	s8 =	sld [smem:$0x3FB6]  }
0x2e: {  	s3 =	simm.s32 @!p0 $0x1082;
	s9 =	sld [smem:$0x3FB7]  }
0x2f: {  	lr =	sadd.s32 s0, s3;
	s0 =	sld [smem:$0x3FAE]  }
0x30: {  	s3 =	sld [smem:$0x3FB1]  }
0x31: {  	[smem:$0x3FBA] =	sst s10  }
0x32: {  	s10 =	sld [smem:$0x3FB8];
	_ =	sdelay $0x3  }
0x33: {  	p0 =	seq.s32 s10, $0x1;
	s10 =	sld [smem:$0x3FBA];
	_ =	sdelay $0x3  }
0x34: {  	[smem:$0x3FBA] =	sst s10  }
0x35: {  	s10 =	sld [smem:$0x3FB9];
	_ =	sdelay $0x3  }
0x36: {  	p1 =	seq.s32 s10, $0x1;
	s10 =	sld [smem:$0x3FBA];
	_ =	sdelay $0x3  }
0x37: {  	[smem:$0x3FBA] =	sst s10  }
0x38: {  	s10 =	sld [smem:$0x3FBB]  }
0x39: {  	_ = 	snop;
	(pc) =	sbr.ind lr, $3  }
0x3a: {  	_ = 	snop  }
0x3b: {  	_ = 	snop  }
0x3c: {  	p2 =	seq.s32 s10, $0x1;
	s10 =	sld [smem:$0x3FBA]  }
0x3d: {  	_ =	shalt  }
0x3e: {  	_ =	shalt  }
0x3f: {  	_ =	shalt  }
0x40: {  	_ =	shalt  }
0x41: {  	_ =	shalt  }
0x42: {  	_ =	shalt  }
0x43: {  	_ =	shalt  }
0x44: {  	_ =	shalt  }
0x45: {  	_ =	shalt  }
0x46: {  	_ =	shalt  }
0x47: {  	_ =	shalt  }
0x48: {  	_ =	shalt  }
0x49: {  	_ =	shalt  }
0x4a: {  	_ =	shalt  }
0x4b: {  	_ =	shalt  }
0x4c: {  	_ =	shalt  }
0x4d: {  	_ =	shalt  }
0x4e: {  	_ =	shalt  }
0x4f: {  	_ =	shalt  }
0x50: {  	_ =	shalt  }
0x51: {  	_ =	shalt  }
0x52: {  	_ =	shalt  }
0x53: {  	_ =	shalt  }
0x54: {  	_ =	shalt  }
0x55: {  	_ =	shalt  }
0x56: {  	_ =	shalt  }
0x57: {  	_ =	shalt  }
0x58: {  	_ =	shalt  }
0x59: {  	_ =	shalt  }
0x5a: {  	_ =	shalt  }
0x5b: {  	_ =	shalt  }
0x5c: {  	_ =	shalt  }
0x5d: {  	_ =	shalt  }
0x5e: {  	_ =	shalt  }
0x5f: {  	_ =	shalt  }
0x60: {  	_ =	shalt  }
0x61: {  	_ =	shalt  }
0x62: {  	_ =	shalt  }
0x63: {  	_ =	shalt  }
0x64: {  	_ =	shalt  }
0x65: {  	_ =	shalt  }
0x66: {  	_ =	shalt  }
0x67: {  	_ =	shalt  }
0x68: {  	_ =	shalt  }
0x69: {  	_ =	shalt  }
0x6a: {  	_ =	shalt  }
0x6b: {  	_ =	shalt  }
0x6c: {  	_ =	shalt  }
0x6d: {  	_ =	shalt  }
0x6e: {  	_ =	shalt  }
0x6f: {  	_ =	shalt  }
0x70: {  	_ =	shalt  }
0x71: {  	_ =	shalt  }
0x72: {  	_ =	shalt  }
0x73: {  	_ =	shalt  }
0x74: {  	_ =	shalt  }
0x75: {  	_ =	shalt  }
0x76: {  	_ =	shalt  }
0x77: {  	_ =	shalt  }
0x78: {  	_ =	shalt  }
0x79: {  	_ =	shalt  }
0x7a: {  	_ =	shalt  }
0x7b: {  	_ =	shalt  }
0x7c: {  	_ =	shalt  }
0x7d: {  	_ =	shalt  }
0x7e: {  	_ =	shalt  }
0x7f: {  	_ =	shalt  }
0x80: {  	_ =	shalt  }
0x81: {  	_ =	shalt  }
0x82: {  	_ =	shalt  }
0x83: {  	_ =	shalt  }
0x84: {  	_ =	shalt  }
0x85: {  	_ =	shalt  }
0x86: {  	_ =	shalt  }
0x87: {  	_ =	shalt  }
.Lfunc_end0:
.L_simem_size_0:
called_computation_lowered:
.L_overlay_start_0:
0x88: {  	s2 =	sld [smem:$0x3FD9]  }
0x89: {  	s3 =	sld [smem:$0x3FFE];
	_ =	sdelay $0x1  }
0x8a: {  	s1 =	srdreg.scid  }
0x8b: {  	s0 =	sand.u32 $0x1, s1  }
0x8c: {  	s17 =	sshll.u32 s0, $0xA;
	s2 =	sadd.s32 s3, s2  }
0x8d: {  	s2 =	sadd.s32 s2, s17  }
0x8e: {  	[smem:$0x3FC6] =	sst s2  }
0x8f: {  	_ = 	snop  }
0x90: {  	s2 =	sld [smem:$0x3FC9]  }
0x91: {  	s18 =	sld [smem:$0x3FC8];
	(tm) =	ssettm $0x1  }
0x92: {  	s4 =	sld [smem:$0x3FFB];
	_ =	sdelay $0x3  }
0x93: {  	_ =	strace s4  }
0x94: {  	s4 =	sld [smem:$0x3FFC];
	_ =	sdelay $0x3  }
0x95: {  	_ =	strace s4  }
0x96: {  	s4 =	sld [smem:$0x3FFD];
	_ =	sdelay $0x3  }
0x97: {  	_ =	strace s4  }
0x98: {  	_ =	strace $0x8FFFFFFF  }
0x99: {  	s19 =	sld [smem:$0x3FDB];
	_ =	sdelay $0x1  }
0x9a: {  	s5 =	simm.s32 $_scs_section_size  }
0x9b: {  	s6 =	simm.s32 $_size__tile_overlayer_lowered;
	s7 =	simm.s32 $_tile_overlayer_lowered  }
0x9c: {  	s22 =	simm.s32 $0x1BFF;
	s21 =	sshll.u32 s7, $0x1;
	s4 =	sadd.s32 s5, s19  }
0x9d: {  	s8 =	simm.s32 $0x0;
	s20 =	sshll.u32 s6, $0x1;
	s6 =	sadd.s32 s21, s4  }
0x9e: {  	[timem:s8], [sflag:s22] =	dma.local [hbm:s6], s20  }
0x9f: {  	_ =	swait.ge [sflag:s22], s20  }
0xa0: {  	s5 =	ssub.s32 $0x0, s20;
	[sflag:s22] =	ssyncset.done $0x0  }
0xa1: {  	[sflag:s22] =	ssyncadd.s32 s5;
	_ =	sdelay $0x1  }
0xa2: {  	s23 =	simm.s32 $0x1B8B  }
0xa3: {  	_ =	swait.ge [sflag:s23], $0x1  }
0xa4: {  	[sflag:s23] =	ssyncset.done $0x0  }
0xa5: {  	s25 =	simm.s32 $0x1B8E;
	s24 =	sld [smem:$0x3FFE];
	[sflag:s23] =	ssyncadd.s32 $0xFFFFFFFF  }
0xa6: {  	s26 =	simm.s32 $execute0_lowered;
	[smem:$0x3FD2] =	sst s25  }
0xa7: {  	s6 =	sshll.u32 s26, $0x1;
	_ =	strace $0x80000046;
	[dreg:$0x1] =	wrdreg $0xFFFFFFFF  }
0xa8: {  	s28 =	simm.s32 $_size_execute0_lowered;
	s4 =	sadd.s32 s4, s6;
	[dreg:$0x0] =	wrdreg $0x0  }
0xa9: {  	s6 =	sshll.u32 s28, $0x1;
	[dreg:$0x2] =	wrdreg s4  }
0xaa: {  	[dreg:$0x3] =	wrdreg s6  }
0xab: {  	[dreg:$0x4] =	wrdreg $0xC0  }
0xac: {  	_ =	task [dreg:s8], $0x5FFFF  }
0xad: {  	[dreg:$0x1] =	wrdreg $0xFFFFFFFF  }
0xae: {  	[dreg:$0x0] =	wrdreg $0x60  }
0xaf: {  	[dreg:$0x2] =	wrdreg s2  }
0xb0: {  	[dreg:$0x3] =	wrdreg s18  }
0xb1: {  	[dreg:$0x4] =	wrdreg s24  }
0xb2: {  	[dreg:$0x5] =	wrdreg $0x9  }
0xb3: {  	_ =	task.clear_ibuf [dreg:s8], $0x6FFFF;
	_ =	strace $0x90000046  }
0xb4: {  	s29 =	simm.s32 $0x9;
	_ =	strace $0x80000048  }
0xb5: {  	_ =	swait.ge [sflag:s29], $0x1  }
0xb6: {  	[sflag:s29] =	ssyncadd.s32 $0xFFFFFFFF  }
0xb7: {  	_ =	strace $0x90000048  }
0xb8: {  	_ =	sfence  }
0xb9: {  	s30 =	sld [smem:$0x0];
	_ =	sdelay $0x2  }
0xba: {  	s31 =	sshll.u32 s1, $0xD;
	s1 =	sshrl.u32 s1, $0x2  }
0xbb: {  	s3 =	sand.u32 $0x4000, s31;
	s1 =	sadd.s32 s1, s30  }
0xbc: {  	s0 =	sor.u32 s3, s0;
	s1 =	sshll.u32 s1, $0x11  }
0xbd: {  	s0 =	sor.u32 s1, s0  }
0xbe: {  	s0 =	sadd.s32 $0x8F2B, s0  }
0xbf: {  	[sflag:s0] =	ssyncadd.remote.s32 $0x1  }
0xc0: {  	_ =	sfence.sel $0xFFFF  }
0xc1: {  	[dreg:$0x0] =	wrdreg $0xFFFFFFFF;
	(pc) =	sbr.abs _section_cstart, $3  }
0xc2: {  	[dreg:$0x1] =	wrdreg $0xFFFFFFFF  }
0xc3: {  	_ =	task.clear_ibuf [dreg:s8], $0x2FFFF;
	_ =	strace $0x9FFFFFFF  }
0xc4: {  	(tm) =	ssettm $0x7FFFFFFF  }
0xc5: {  	_ =	shalt  }
tec
execute0_lowered:
.L_overlay_start_1:
0x0: {  	(tag) =	ssettag $0x1  }
0x1: {  	s0 =	rddreg [dreg:$0x0]  }
0x2: {  	s1 =	rddreg [dreg:$0x1]  }
0x3: {  	s3 =	rddreg [dreg:$0x2]  }
0x4: {  	s2 =	srdreg.scid;
	s6 =	stileid.u32;
	s22 =	simm.s32 $0x1  }
0x5: {  	s23 =	simm.s32 $0x8000;
	s24 =	simm.s32 $0x10000;
	s25 =	simm.s32 $0x2  }
0x6: {  	s26 =	simm.s32 $0x11100;
	s29 =	simm.s32 $0x3;
	s4 =	sand.u32 $0x1, s2  }
0x7: {  	s31 =	simm.s32 $0x0;
	s2 =	simm.s32 $0x0;
	s5 =	sshll.u32 s4, $0x4  }
0x8: {  	[smem:$0x7FF] =	sst s2;
	s4 =	ssub.s32 $0x2, s4;
	s5 =	sor.u32 s6, s5  }
0x9: {  	_ =	strace $0x80000047;
	s28 =	sshrl.u32 s4, $0x1;
	s6 =	sshll.u32 s5, $0x5  }
0xa: {  	s11 =	sshll.u32 s5, $0xF;
	s21 =	ssub.s32 s4, s28;
	s3 =	sadd.s32 s6, s3  }
0xb: {  	s30 =	sadd.s32 s0, s11;
	s12 =	sor.u32 $0x1000, s11;
	s13 =	sor.u32 $0x2000, s11  }
0xc: {  	s14 =	sor.u32 $0x3000, s11;
	s15 =	sor.u32 $0x4000, s11;
	s16 =	sor.u32 $0x5000, s11  }
0xd: {  	s17 =	sor.u32 $0x6000, s11;
	s18 =	sor.u32 $0x7000, s11;
	s11 =	sadd.s32 s1, s11  }
0xe: {  	s21 =	smax.u32 s21, $0x1;
	[dreg:$0x4] =	wrdreg s30;
	s4 =	sadd.s32 s0, s12  }
0xf: {  	s5 =	sadd.s32 s0, s13;
	s6 =	sadd.s32 s0, s14;
	s7 =	sadd.s32 s0, s15  }
0x10: {  	s8 =	sadd.s32 s0, s16;
	s9 =	sadd.s32 s0, s17;
	s10 =	sadd.s32 s0, s18  }
0x11: {  	s12 =	sadd.s32 s1, s12;
	s13 =	sadd.s32 s1, s13;
	s14 =	sadd.s32 s1, s14  }
0x12: {  	v1 =	vlaneseq.u32;
	s15 =	sadd.s32 s1, s15;
	s16 =	sadd.s32 s1, s16;
	s17 =	sadd.s32 s1, s17  }
0x13: {  	v0 =	vimm.s32 $0x0;
	v2 =	vimm.s32 $0x1;
	v1 =	vmul.u32 $0x111, v1;
	s18 =	sadd.s32 s1, s18;
	s19 =	sadd.s32 $0x400, s3;
	s20 =	sadd.s32 $0x800, s3  }
.LBB2_1:
0x14: {  	s0 =	rddreg [dreg:$0x4]  }
0x15: {  	[tilespmem:s2], [sflag:$0x1] =	stream.linear.gather [hbm4b:s0+s2], $0x8000, $0x38;
	[tilespmem:$0x12400] =	vst v63  }
0x16: {  	s1 =	simm.s32 $0x200;
	s0 =	simm.s32 $0x0  }
.LBB2_2:
0x17: {  	p0 =	sne.s32 s1, $0x4200;
	[tilespmem:s0+$0x11170] =	vst v0  }
0x18: {  	[tilespmem:s0+$0x10000] =	vst v0  }
0x19: {  	[tilespmem:s0+$0x11100] =	vst v0  }
0x1a: {  	[tilespmem:s0+$0x10010] =	vst v0  }
0x1b: {  	[tilespmem:s0+$0x11110] =	vst v0  }
0x1c: {  	[tilespmem:s0+$0x10020] =	vst v0  }
0x1d: {  	[tilespmem:s0+$0x11120] =	vst v0  }
0x1e: {  	[tilespmem:s0+$0x10030] =	vst v0  }
0x1f: {  	[tilespmem:s0+$0x11130] =	vst v0  }
0x20: {  	[tilespmem:s0+$0x10040] =	vst v0  }
0x21: {  	[tilespmem:s0+$0x11140] =	vst v0  }
.Ltmp0:
0x22: {  	[tilespmem:s0+$0x10050] =	vst v0;
	(pc) =	sbr.rel @p0 .LBB2_2-.Ltmp0, $4  }
0x23: {  	[tilespmem:s0+$0x11150] =	vst v0  }
0x24: {  	[tilespmem:s0+$0x10060] =	vst v0  }
0x25: {  	[tilespmem:s0+$0x11160] =	vst v0  }
0x26: {  	[tilespmem:s0+$0x10070] =	vst v0;
	s0 =	sshra.s32 s1, $0x2;
	s1 =	sadd.s32 $0x200, s1  }
0x27: {  	[tilespmem:s0+$0x11170] =	vst v0  }
0x28: {  	[tilespmem:s0+$0x10000] =	vst v0  }
0x29: {  	[tilespmem:s0+$0x11100] =	vst v0  }
0x2a: {  	[tilespmem:s0+$0x10010] =	vst v0  }
0x2b: {  	[tilespmem:s0+$0x11110] =	vst v0  }
0x2c: {  	[tilespmem:s0+$0x10020] =	vst v0  }
0x2d: {  	[tilespmem:s0+$0x11120] =	vst v0  }
0x2e: {  	[tilespmem:s0+$0x10030] =	vst v0  }
0x2f: {  	[tilespmem:s0+$0x11130] =	vst v0  }
0x30: {  	[tilespmem:s0+$0x10040] =	vst v0  }
0x31: {  	[tilespmem:s0+$0x11140] =	vst v0  }
0x32: {  	[tilespmem:s0+$0x10050] =	vst v0  }
0x33: {  	[tilespmem:s0+$0x11150] =	vst v0  }
0x34: {  	[tilespmem:s0+$0x10060] =	vst v0  }
0x35: {  	[tilespmem:s0+$0x11160] =	vst v0  }
0x36: {  	[tilespmem:s0+$0x10070] =	vst v0  }
0x37: {  	_ =	swait.ge [sflag:s22], $0x8000  }
0x38: {  	[sflag:s22] =	ssyncset.done $0x0  }
0x39: {  	s30 =	simm.s32 $0x80;
	[sflag:s22] =	ssyncadd.s32 $0xFFFF8000  }
0x3a: {  	[tilespmem:s23], [sflag:$0x2] =	stream.linear.gather [hbm4b:s4+s2], $0x8000, $0x38;
	[tilespmem:$0x12400] =	vst v63  }
0x3b: {  	v3 =	vld [tilespmem:s30+$0x70]  }
0x3c: {  	v4 =	vld [tilespmem:s30+$0xFFFFFF90]  }
0x3d: {  	v5 =	vld [tilespmem:s30+$0xFFFFFFA0]  }
0x3e: {  	v6 =	vld [tilespmem:s30+$0xFFFFFFB0]  }
0x3f: {  	v7 =	vld [tilespmem:s30+$0xFFFFFFC0]  }
0x40: {  	v8 =	vld [tilespmem:s30+$0xFFFFFFD0]  }
0x41: {  	v9 =	vld [tilespmem:s30+$0xFFFFFFE0]  }
0x42: {  	v10 =	vld [tilespmem:s30+$0xFFFFFFF0]  }
0x43: {  	v11 =	vld [tilespmem:s30+$0x0]  }
0x44: {  	v12 =	vld [tilespmem:s30+$0x10]  }
0x45: {  	v13 =	vld [tilespmem:s30+$0x20]  }
0x46: {  	v14 =	vld [tilespmem:s30+$0x30]  }
0x47: {  	v15 =	vld [tilespmem:s30+$0x40];
	v3 =	vmul.f32 $2.560000000e+02, v3  }
0x48: {  	v16 =	vld [tilespmem:s30+$0x50];
	v4 =	vmul.f32 $2.560000000e+02, v4;
	v5 =	vmul.f32 $2.560000000e+02, v5  }
0x49: {  	v17 =	vld [tilespmem:s30+$0x60];
	v6 =	vmul.f32 $2.560000000e+02, v6;
	v7 =	vmul.f32 $2.560000000e+02, v7  }
0x4a: {  	v18 =	vld [tilespmem:s30+$0xFFFFFF80];
	v8 =	vmul.f32 $2.560000000e+02, v8;
	v9 =	vmul.f32 $2.560000000e+02, v9  }
0x4b: {  	v10 =	vmul.f32 $2.560000000e+02, v10;
	v11 =	vmul.f32 $2.560000000e+02, v11  }
0x4c: {  	v12 =	vmul.f32 $2.560000000e+02, v12;
	v13 =	vmul.f32 $2.560000000e+02, v13  }
0x4d: {  	v14 =	vmul.f32 $2.560000000e+02, v14;
	v15 =	vmul.f32 $2.560000000e+02, v15  }
0x4e: {  	v16 =	vmul.f32 $2.560000000e+02, v16;
	v17 =	vmul.f32 $2.560000000e+02, v17  }
0x4f: {  	v18 =	vmul.f32 $2.560000000e+02, v18;
	v3 =	vtrunc.f32 v3  }
0x50: {  	v4 =	vtrunc.f32 v4;
	v5 =	vtrunc.f32 v5  }
0x51: {  	v6 =	vtrunc.f32 v6;
	v7 =	vtrunc.f32 v7  }
0x52: {  	v8 =	vtrunc.f32 v8;
	v9 =	vtrunc.f32 v9  }
0x53: {  	v10 =	vtrunc.f32 v10;
	v11 =	vtrunc.f32 v11  }
0x54: {  	v12 =	vtrunc.f32 v12;
	v13 =	vtrunc.f32 v13  }
0x55: {  	v14 =	vtrunc.f32 v14;
	v15 =	vtrunc.f32 v15  }
0x56: {  	v16 =	vtrunc.f32 v16;
	v17 =	vtrunc.f32 v17  }
0x57: {  	v18 =	vtrunc.f32 v18;
	v3 =	vcvt.f32.s32 v3  }
0x58: {  	v4 =	vcvt.f32.s32 v4;
	v18 =	vcvt.f32.s32 v18  }
0x59: {  	v5 =	vcvt.f32.s32 v5;
	v6 =	vcvt.f32.s32 v6  }
0x5a: {  	v7 =	vcvt.f32.s32 v7;
	v20 =	vcvt.f32.s32 v9  }
0x5b: {  	v21 =	vcvt.f32.s32 v10;
	v11 =	vcvt.f32.s32 v11  }
0x5c: {  	v22 =	vcvt.f32.s32 v12;
	v23 =	vcvt.f32.s32 v13;
	v3 =	vmin.u32 v3, $0xFF  }
0x5d: {  	v24 =	vcvt.f32.s32 v14;
	v10 =	vcvt.f32.s32 v16;
	v19 =	vadd.s32 v1, v3  }
0x5e: {  	v9 =	vcvt.f32.s32 v17;
	v5 =	vmin.u32 v5, $0xFF;
	v6 =	vmin.u32 v6, $0xFF  }
0x5f: {  	v7 =	vmin.u32 v7, $0xFF;
	v17 =	vmin.u32 v20, $0xFF;
	v13 =	vmin.u32 v11, $0xFF  }
0x60: {  	v3 =	vmin.u32 v4, $0xFF;
	v4 =	vmin.u32 v18, $0xFF;
	v18 =	vcvt.f32.s32 v8  }
0x61: {  	v16 =	vmin.u32 v22, $0xFF;
	v14 =	vmin.u32 v23, $0xFF;
	v8 =	vcvt.f32.s32 v15  }
0x62: {  	s0 =	simm.s32 $0x0;
	s1 =	simm.s32 $0x180;
	v11 =	vmin.u32 v24, $0xFF;
	v15 =	vmin.u32 v21, $0xFF;
	v12 =	vmin.u32 v18, $0xFF;
	[tilespmem:v19+s24+$0x0] =	vst.idx.add.s32.msk $0xffff, v2  }
.LBB2_4:
0x63: {  	v18 =	vld [tilespmem:s1+$0x70];
	s0 =	sadd.s32 $0x10, s0;
	v8 =	vmin.u32 v8, $0xFF;
	v10 =	vmin.u32 v10, $0xFF;
	v9 =	vmin.u32 v9, $0xFF  }
0x64: {  	v4 =	vadd.s32 v1, v4;
	v3 =	vadd.s32 v1, v3;
	v5 =	vadd.s32 v1, v5;
	v19 =	vld [tilespmem:s1+$0xFFFFFF90];
	p0 =	slt.u32 s0, $0x7F0  }
0x65: {  	v6 =	vadd.s32 v1, v6;
	v7 =	vadd.s32 v1, v7;
	v12 =	vadd.s32 v1, v12;
	v20 =	vld [tilespmem:s1+$0xFFFFFFA0]  }
0x66: {  	v17 =	vadd.s32 v1, v17;
	v15 =	vadd.s32 v1, v15;
	v13 =	vadd.s32 v1, v13;
	v21 =	vld [tilespmem:s1+$0xFFFFFFB0]  }
0x67: {  	v16 =	vadd.s32 v1, v16;
	v14 =	vadd.s32 v1, v14;
	v11 =	vadd.s32 v1, v11;
	v22 =	vld [tilespmem:s1+$0xFFFFFFC0]  }
0x68: {  	v24 =	vadd.s32 v1, v8;
	v25 =	vadd.s32 v1, v10;
	v23 =	vld [tilespmem:s1+$0xFFFFFFD0];
	v18 =	vmul.f32 $2.560000000e+02, v18  }
0x69: {  	v8 =	vmul.f32 $2.560000000e+02, v19;
	v10 =	vld [tilespmem:s1+$0xFFFFFFE0];
	v19 =	vadd.s32 v1, v9  }
0x6a: {  	v9 =	vmul.f32 $2.560000000e+02, v20;
	v20 =	vld [tilespmem:s1+$0xFFFFFFF0];
	v18 =	vtrunc.f32 v18  }
0x6b: {  	v21 =	vmul.f32 $2.560000000e+02, v21;
	v26 =	vld [tilespmem:s1+$0x0];
	v18 =	vcvt.f32.s32 v18  }
0x6c: {  	v8 =	vtrunc.f32 v8;
	v22 =	vmul.f32 $2.560000000e+02, v22;
	v27 =	vld [tilespmem:s1+$0x10]  }
0x6d: {  	v9 =	vtrunc.f32 v9;
	v23 =	vmul.f32 $2.560000000e+02, v23;
	v28 =	vld [tilespmem:s1+$0x20];
	v18 =	vmin.u32 v18, $0xFF  }
0x6e: {  	v21 =	vtrunc.f32 v21;
	v10 =	vmul.f32 $2.560000000e+02, v10;
	v29 =	vld [tilespmem:s1+$0x30];
	v18 =	vadd.s32 v1, v18  }
0x6f: {  	v22 =	vtrunc.f32 v22;
	v20 =	vmul.f32 $2.560000000e+02, v20;
	v30 =	vld [tilespmem:s1+$0x40]  }
0x70: {  	v23 =	vtrunc.f32 v23;
	v26 =	vmul.f32 $2.560000000e+02, v26;
	v31 =	vld [tilespmem:s1+$0x50]  }
0x71: {  	v10 =	vtrunc.f32 v10;
	v27 =	vmul.f32 $2.560000000e+02, v27;
	v32 =	vld [tilespmem:s1+$0x60]  }
0x72: {  	v20 =	vtrunc.f32 v20;
	v33 =	vld [tilespmem:s1+$0xFFFFFF80];
	v28 =	vmul.f32 $2.560000000e+02, v28  }
0x73: {  	v26 =	vtrunc.f32 v26;
	v29 =	vmul.f32 $2.560000000e+02, v29;
	[tilespmem:v18+s24+$0x0] =	vst.idx.add.s32.msk $0xffff, v2  }
0x74: {  	v18 =	vtrunc.f32 v27;
	v27 =	vmul.f32 $2.560000000e+02, v30;
	[tilespmem:v4+s24+$0x0] =	vst.idx.add.s32.msk $0xffff, v2  }
0x75: {  	v28 =	vtrunc.f32 v28;
	v4 =	vmul.f32 $2.560000000e+02, v31;
	[tilespmem:v3+s24+$0x0] =	vst.idx.add.s32.msk $0xffff, v2  }
0x76: {  	v29 =	vtrunc.f32 v29;
	v3 =	vmul.f32 $2.560000000e+02, v32;
	[tilespmem:v5+s24+$0x0] =	vst.idx.add.s32.msk $0xffff, v2  }
0x77: {  	v27 =	vtrunc.f32 v27;
	v5 =	vmul.f32 $2.560000000e+02, v33;
	[tilespmem:v6+s24+$0x0] =	vst.idx.add.s32.msk $0xffff, v2  }
0x78: {  	v30 =	vtrunc.f32 v4;
	v31 =	vtrunc.f32 v3;
	[tilespmem:v7+s24+$0x0] =	vst.idx.add.s32.msk $0xffff, v2  }
0x79: {  	v4 =	vcvt.f32.s32 v8;
	v3 =	vtrunc.f32 v5;
	[tilespmem:v12+s24+$0x0] =	vst.idx.add.s32.msk $0xffff, v2  }
0x7a: {  	v6 =	vcvt.f32.s32 v9;
	v5 =	vcvt.f32.s32 v3;
	[tilespmem:v17+s24+$0x0] =	vst.idx.add.s32.msk $0xffff, v2  }
0x7b: {  	v8 =	vcvt.f32.s32 v22;
	v7 =	vcvt.f32.s32 v21;
	v3 =	vmin.u32 v4, $0xFF;
	[tilespmem:v15+s24+$0x0] =	vst.idx.add.s32.msk $0xffff, v2  }
0x7c: {  	v9 =	vcvt.f32.s32 v23;
	v15 =	vcvt.f32.s32 v10;
	v4 =	vmin.u32 v5, $0xFF;
	[tilespmem:v13+s24+$0x0] =	vst.idx.add.s32.msk $0xffff, v2  }
0x7d: {  	v5 =	vmin.u32 v6, $0xFF;
	v13 =	vcvt.f32.s32 v20;
	v20 =	vcvt.f32.s32 v26;
	[tilespmem:v16+s24+$0x0] =	vst.idx.add.s32.msk $0xffff, v2  }
.Ltmp1:
0x7e: {  	v6 =	vmin.u32 v7, $0xFF;
	v16 =	vcvt.f32.s32 v18;
	v18 =	vcvt.f32.s32 v28;
	[tilespmem:v14+s24+$0x0] =	vst.idx.add.s32.msk $0xffff, v2;
	(pc) =	sbr.rel @p0 .LBB2_4-.Ltmp1, $4  }
0x7f: {  	v21 =	vcvt.f32.s32 v29;
	v7 =	vmin.u32 v8, $0xFF;
	v8 =	vcvt.f32.s32 v27;
	[tilespmem:v11+s24+$0x0] =	vst.idx.add.s32.msk $0xffff, v2  }
0x80: {  	v12 =	vmin.u32 v9, $0xFF;
	v9 =	vcvt.f32.s32 v31;
	v10 =	vcvt.f32.s32 v30;
	[tilespmem:v24+s24+$0x0] =	vst.idx.add.s32.msk $0xffff, v2  }
0x81: {  	v17 =	vmin.u32 v15, $0xFF;
	v15 =	vmin.u32 v13, $0xFF;
	v13 =	vmin.u32 v20, $0xFF;
	[tilespmem:v25+s24+$0x0] =	vst.idx.add.s32.msk $0xffff, v2  }
0x82: {  	s1 =	sadd.s32 $0x100, s1;
	v16 =	vmin.u32 v16, $0xFF;
	v14 =	vmin.u32 v18, $0xFF;
	v11 =	vmin.u32 v21, $0xFF;
	[tilespmem:v19+s24+$0x0] =	vst.idx.add.s32.msk $0xffff, v2  }
0x83: {  	v4 =	vadd.s32 v1, v4  }
0x84: {  	v3 =	vadd.s32 v1, v3  }
0x85: {  	v5 =	vadd.s32 v1, v5  }
0x86: {  	v6 =	vadd.s32 v1, v6  }
0x87: {  	v7 =	vadd.s32 v1, v7  }
0x88: {  	v12 =	vadd.s32 v1, v12;
	[tilespmem:v4+s24+$0x0] =	vst.idx.add.s32.msk $0xffff, v2  }
0x89: {  	v11 =	vadd.s32 v1, v11;
	[tilespmem:v3+s24+$0x0] =	vst.idx.add.s32.msk $0xffff, v2  }
0x8a: {  	v4 =	vadd.s32 v1, v17;
	[tilespmem:v5+s24+$0x0] =	vst.idx.add.s32.msk $0xffff, v2  }
0x8b: {  	v8 =	vmin.u32 v8, $0xFF;
	v3 =	vadd.s32 v1, v15;
	[tilespmem:v6+s24+$0x0] =	vst.idx.add.s32.msk $0xffff, v2  }
0x8c: {  	v8 =	vadd.s32 v1, v8;
	[tilespmem:v7+s24+$0x0] =	vst.idx.add.s32.msk $0xffff, v2  }
0x8d: {  	v5 =	vadd.s32 v1, v13;
	[tilespmem:v12+s24+$0x0] =	vst.idx.add.s32.msk $0xffff, v2  }
0x8e: {  	v6 =	vadd.s32 v1, v16;
	[tilespmem:v11+s24+$0x0] =	vst.idx.add.s32.msk $0xffff, v2  }
0x8f: {  	v7 =	vadd.s32 v1, v14;
	[tilespmem:v4+s24+$0x0] =	vst.idx.add.s32.msk $0xffff, v2;
	v4 =	vmin.u32 v10, $0xFF  }
0x90: {  	[tilespmem:v3+s24+$0x0] =	vst.idx.add.s32.msk $0xffff, v2;
	v3 =	vmin.u32 v9, $0xFF;
	v4 =	vadd.s32 v1, v4  }
0x91: {  	[tilespmem:v8+s24+$0x0] =	vst.idx.add.s32.msk $0xffff, v2;
	v3 =	vadd.s32 v1, v3  }
0x92: {  	[tilespmem:v5+s24+$0x0] =	vst.idx.add.s32.msk $0xffff, v2  }
0x93: {  	[tilespmem:v6+s24+$0x0] =	vst.idx.add.s32.msk $0xffff, v2  }
0x94: {  	[tilespmem:v7+s24+$0x0] =	vst.idx.add.s32.msk $0xffff, v2  }
0x95: {  	[tilespmem:v4+s24+$0x0] =	vst.idx.add.s32.msk $0xffff, v2  }
0x96: {  	[tilespmem:v3+s24+$0x0] =	vst.idx.add.s32.msk $0xffff, v2  }
0x97: {  	_ =	swait.ge [sflag:s25], $0x8000  }
0x98: {  	[sflag:s25] =	ssyncset.done $0x0  }
0x99: {  	s0 =	simm.s32 $0x8080;
	[sflag:s25] =	ssyncadd.s32 $0xFFFF8000  }
0x9a: {  	[tilespmem:s2], [sflag:$0x1] =	stream.linear.gather [hbm4b:s5+s2], $0x8000, $0x38;
	[tilespmem:$0x12400] =	vst v63  }
0x9b: {  	v3 =	vld [tilespmem:s0+$0x70]  }
0x9c: {  	v4 =	vld [tilespmem:s0+$0xFFFFFF90]  }
0x9d: {  	v5 =	vld [tilespmem:s0+$0xFFFFFFA0]  }
0x9e: {  	v6 =	vld [tilespmem:s0+$0xFFFFFFB0]  }
0x9f: {  	v7 =	vld [tilespmem:s0+$0xFFFFFFC0]  }
0xa0: {  	v8 =	vld [tilespmem:s0+$0xFFFFFFD0]  }
0xa1: {  	v9 =	vld [tilespmem:s0+$0xFFFFFFE0]  }
0xa2: {  	v10 =	vld [tilespmem:s0+$0xFFFFFFF0]  }
0xa3: {  	v11 =	vld [tilespmem:s0+$0x0]  }
0xa4: {  	v12 =	vld [tilespmem:s0+$0x10]  }
0xa5: {  	v13 =	vld [tilespmem:s0+$0x20]  }
0xa6: {  	v14 =	vld [tilespmem:s0+$0x30]  }
0xa7: {  	v15 =	vld [tilespmem:s0+$0x40];
	v3 =	vmul.f32 $2.560000000e+02, v3  }
0xa8: {  	v16 =	vld [tilespmem:s0+$0x50];
	v4 =	vmul.f32 $2.560000000e+02, v4;
	v5 =	vmul.f32 $2.560000000e+02, v5  }
0xa9: {  	v17 =	vld [tilespmem:s0+$0x60];
	v6 =	vmul.f32 $2.560000000e+02, v6;
	v7 =	vmul.f32 $2.560000000e+02, v7  }
0xaa: {  	v18 =	vld [tilespmem:s0+$0xFFFFFF80];
	v8 =	vmul.f32 $2.560000000e+02, v8;
	v9 =	vmul.f32 $2.560000000e+02, v9  }
0xab: {  	v10 =	vmul.f32 $2.560000000e+02, v10;
	v11 =	vmul.f32 $2.560000000e+02, v11  }
0xac: {  	v12 =	vmul.f32 $2.560000000e+02, v12;
	v13 =	vmul.f32 $2.560000000e+02, v13  }
0xad: {  	v14 =	vmul.f32 $2.560000000e+02, v14;
	v15 =	vmul.f32 $2.560000000e+02, v15  }
0xae: {  	v16 =	vmul.f32 $2.560000000e+02, v16;
	v17 =	vmul.f32 $2.560000000e+02, v17  }
0xaf: {  	v18 =	vmul.f32 $2.560000000e+02, v18;
	v3 =	vtrunc.f32 v3  }
0xb0: {  	v4 =	vtrunc.f32 v4;
	v5 =	vtrunc.f32 v5  }
0xb1: {  	v6 =	vtrunc.f32 v6;
	v7 =	vtrunc.f32 v7  }
0xb2: {  	v8 =	vtrunc.f32 v8;
	v9 =	vtrunc.f32 v9  }
0xb3: {  	v10 =	vtrunc.f32 v10;
	v11 =	vtrunc.f32 v11  }
0xb4: {  	v12 =	vtrunc.f32 v12;
	v13 =	vtrunc.f32 v13  }
0xb5: {  	v14 =	vtrunc.f32 v14;
	v15 =	vtrunc.f32 v15  }
0xb6: {  	v16 =	vtrunc.f32 v16;
	v17 =	vtrunc.f32 v17  }
0xb7: {  	v18 =	vtrunc.f32 v18;
	v3 =	vcvt.f32.s32 v3  }
0xb8: {  	v4 =	vcvt.f32.s32 v4;
	v18 =	vcvt.f32.s32 v18  }
0xb9: {  	v5 =	vcvt.f32.s32 v5;
	v6 =	vcvt.f32.s32 v6  }
0xba: {  	v7 =	vcvt.f32.s32 v7;
	v20 =	vcvt.f32.s32 v9  }
0xbb: {  	v21 =	vcvt.f32.s32 v10;
	v11 =	vcvt.f32.s32 v11  }
0xbc: {  	v22 =	vcvt.f32.s32 v12;
	v23 =	vcvt.f32.s32 v13;
	v3 =	vmin.u32 v3, $0xFF  }
0xbd: {  	v24 =	vcvt.f32.s32 v14;
	v10 =	vcvt.f32.s32 v16;
	v19 =	vadd.s32 v1, v3  }
0xbe: {  	v9 =	vcvt.f32.s32 v17;
	v5 =	vmin.u32 v5, $0xFF;
	v6 =	vmin.u32 v6, $0xFF  }
0xbf: {  	v7 =	vmin.u32 v7, $0xFF;
	v17 =	vmin.u32 v20, $0xFF;
	v13 =	vmin.u32 v11, $0xFF  }
0xc0: {  	v3 =	vmin.u32 v4, $0xFF;
	v4 =	vmin.u32 v18, $0xFF;
	v18 =	vcvt.f32.s32 v8  }
0xc1: {  	v16 =	vmin.u32 v22, $0xFF;
	v14 =	vmin.u32 v23, $0xFF;
	v8 =	vcvt.f32.s32 v15  }
0xc2: {  	s1 =	simm.s32 $0x8180;
	s0 =	simm.s32 $0x0;
	v11 =	vmin.u32 v24, $0xFF;
	v15 =	vmin.u32 v21, $0xFF;
	v12 =	vmin.u32 v18, $0xFF;
	[tilespmem:v19+s24+$0x0] =	vst.idx.add.s32.msk $0xffff, v2  }
.LBB2_6:
0xc3: {  	v18 =	vld [tilespmem:s1+$0x70];
	s0 =	sadd.s32 $0x10, s0;
	v8 =	vmin.u32 v8, $0xFF;
	v10 =	vmin.u32 v10, $0xFF;
	v9 =	vmin.u32 v9, $0xFF  }
0xc4: {  	v4 =	vadd.s32 v1, v4;
	v3 =	vadd.s32 v1, v3;
	v5 =	vadd.s32 v1, v5;
	v19 =	vld [tilespmem:s1+$0xFFFFFF90];
	p0 =	slt.u32 s0, $0x7F0  }
0xc5: {  	v6 =	vadd.s32 v1, v6;
	v7 =	vadd.s32 v1, v7;
	v12 =	vadd.s32 v1, v12;
	v20 =	vld [tilespmem:s1+$0xFFFFFFA0]  }
0xc6: {  	v17 =	vadd.s32 v1, v17;
	v15 =	vadd.s32 v1, v15;
	v13 =	vadd.s32 v1, v13;
	v21 =	vld [tilespmem:s1+$0xFFFFFFB0]  }
0xc7: {  	v16 =	vadd.s32 v1, v16;
	v14 =	vadd.s32 v1, v14;
	v11 =	vadd.s32 v1, v11;
	v22 =	vld [tilespmem:s1+$0xFFFFFFC0]  }
0xc8: {  	v24 =	vadd.s32 v1, v8;
	v25 =	vadd.s32 v1, v10;
	v23 =	vld [tilespmem:s1+$0xFFFFFFD0];
	v18 =	vmul.f32 $2.560000000e+02, v18  }
0xc9: {  	v8 =	vmul.f32 $2.560000000e+02, v19;
	v10 =	vld [tilespmem:s1+$0xFFFFFFE0];
	v19 =	vadd.s32 v1, v9  }
0xca: {  	v9 =	vmul.f32 $2.560000000e+02, v20;
	v20 =	vld [tilespmem:s1+$0xFFFFFFF0];
	v18 =	vtrunc.f32 v18  }
0xcb: {  	v21 =	vmul.f32 $2.560000000e+02, v21;
	v26 =	vld [tilespmem:s1+$0x0];
	v18 =	vcvt.f32.s32 v18  }
0xcc: {  	v8 =	vtrunc.f32 v8;
	v22 =	vmul.f32 $2.560000000e+02, v22;
	v27 =	vld [tilespmem:s1+$0x10]  }
0xcd: {  	v9 =	vtrunc.f32 v9;
	v23 =	vmul.f32 $2.560000000e+02, v23;
	v28 =	vld [tilespmem:s1+$0x20];
	v18 =	vmin.u32 v18, $0xFF  }
0xce: {  	v21 =	vtrunc.f32 v21;
	v10 =	vmul.f32 $2.560000000e+02, v10;
	v29 =	vld [tilespmem:s1+$0x30];
	v18 =	vadd.s32 v1, v18  }
0xcf: {  	v22 =	vtrunc.f32 v22;
	v20 =	vmul.f32 $2.560000000e+02, v20;
	v30 =	vld [tilespmem:s1+$0x40]  }
0xd0: {  	v23 =	vtrunc.f32 v23;
	v26 =	vmul.f32 $2.560000000e+02, v26;
	v31 =	vld [tilespmem:s1+$0x50]  }
0xd1: {  	v10 =	vtrunc.f32 v10;
	v27 =	vmul.f32 $2.560000000e+02, v27;
	v32 =	vld [tilespmem:s1+$0x60]  }
0xd2: {  	v20 =	vtrunc.f32 v20;
	v33 =	vld [tilespmem:s1+$0xFFFFFF80];
	v28 =	vmul.f32 $2.560000000e+02, v28  }
0xd3: {  	v26 =	vtrunc.f32 v26;
	v29 =	vmul.f32 $2.560000000e+02, v29;
	[tilespmem:v18+s24+$0x0] =	vst.idx.add.s32.msk $0xffff, v2  }
0xd4: {  	v18 =	vtrunc.f32 v27;
	v27 =	vmul.f32 $2.560000000e+02, v30;
	[tilespmem:v4+s24+$0x0] =	vst.idx.add.s32.msk $0xffff, v2  }
0xd5: {  	v28 =	vtrunc.f32 v28;
	v4 =	vmul.f32 $2.560000000e+02, v31;
	[tilespmem:v3+s24+$0x0] =	vst.idx.add.s32.msk $0xffff, v2  }
0xd6: {  	v29 =	vtrunc.f32 v29;
	v3 =	vmul.f32 $2.560000000e+02, v32;
	[tilespmem:v5+s24+$0x0] =	vst.idx.add.s32.msk $0xffff, v2  }
0xd7: {  	v27 =	vtrunc.f32 v27;
	v5 =	vmul.f32 $2.560000000e+02, v33;
	[tilespmem:v6+s24+$0x0] =	vst.idx.add.s32.msk $0xffff, v2  }
0xd8: {  	v30 =	vtrunc.f32 v4;
	v31 =	vtrunc.f32 v3;
	[tilespmem:v7+s24+$0x0] =	vst.idx.add.s32.msk $0xffff, v2  }
0xd9: {  	v4 =	vcvt.f32.s32 v8;
	v3 =	vtrunc.f32 v5;
	[tilespmem:v12+s24+$0x0] =	vst.idx.add.s32.msk $0xffff, v2  }
0xda: {  	v6 =	vcvt.f32.s32 v9;
	v5 =	vcvt.f32.s32 v3;
	[tilespmem:v17+s24+$0x0] =	vst.idx.add.s32.msk $0xffff, v2  }
0xdb: {  	v8 =	vcvt.f32.s32 v22;
	v7 =	vcvt.f32.s32 v21;
	v3 =	vmin.u32 v4, $0xFF;
	[tilespmem:v15+s24+$0x0] =	vst.idx.add.s32.msk $0xffff, v2  }
0xdc: {  	v9 =	vcvt.f32.s32 v23;
	v15 =	vcvt.f32.s32 v10;
	v4 =	vmin.u32 v5, $0xFF;
	[tilespmem:v13+s24+$0x0] =	vst.idx.add.s32.msk $0xffff, v2  }
0xdd: {  	v5 =	vmin.u32 v6, $0xFF;
	v13 =	vcvt.f32.s32 v20;
	v20 =	vcvt.f32.s32 v26;
	[tilespmem:v16+s24+$0x0] =	vst.idx.add.s32.msk $0xffff, v2  }
.Ltmp2:
0xde: {  	v6 =	vmin.u32 v7, $0xFF;
	v16 =	vcvt.f32.s32 v18;
	v18 =	vcvt.f32.s32 v28;
	[tilespmem:v14+s24+$0x0] =	vst.idx.add.s32.msk $0xffff, v2;
	(pc) =	sbr.rel @p0 .LBB2_6-.Ltmp2, $4  }
0xdf: {  	v21 =	vcvt.f32.s32 v29;
	v7 =	vmin.u32 v8, $0xFF;
	v8 =	vcvt.f32.s32 v27;
	[tilespmem:v11+s24+$0x0] =	vst.idx.add.s32.msk $0xffff, v2  }
0xe0: {  	v12 =	vmin.u32 v9, $0xFF;
	v9 =	vcvt.f32.s32 v31;
	v10 =	vcvt.f32.s32 v30;
	[tilespmem:v24+s24+$0x0] =	vst.idx.add.s32.msk $0xffff, v2  }
0xe1: {  	v17 =	vmin.u32 v15, $0xFF;
	v15 =	vmin.u32 v13, $0xFF;
	v13 =	vmin.u32 v20, $0xFF;
	[tilespmem:v25+s24+$0x0] =	vst.idx.add.s32.msk $0xffff, v2  }
0xe2: {  	s1 =	sadd.s32 $0x100, s1;
	v16 =	vmin.u32 v16, $0xFF;
	v14 =	vmin.u32 v18, $0xFF;
	v11 =	vmin.u32 v21, $0xFF;
	[tilespmem:v19+s24+$0x0] =	vst.idx.add.s32.msk $0xffff, v2  }
0xe3: {  	v4 =	vadd.s32 v1, v4  }
0xe4: {  	v3 =	vadd.s32 v1, v3  }
0xe5: {  	v5 =	vadd.s32 v1, v5  }
0xe6: {  	v6 =	vadd.s32 v1, v6  }
0xe7: {  	v7 =	vadd.s32 v1, v7  }
0xe8: {  	v12 =	vadd.s32 v1, v12;
	[tilespmem:v4+s24+$0x0] =	vst.idx.add.s32.msk $0xffff, v2  }
0xe9: {  	v11 =	vadd.s32 v1, v11;
	[tilespmem:v3+s24+$0x0] =	vst.idx.add.s32.msk $0xffff, v2  }
0xea: {  	v4 =	vadd.s32 v1, v17;
	[tilespmem:v5+s24+$0x0] =	vst.idx.add.s32.msk $0xffff, v2  }
0xeb: {  	v8 =	vmin.u32 v8, $0xFF;
	v3 =	vadd.s32 v1, v15;
	[tilespmem:v6+s24+$0x0] =	vst.idx.add.s32.msk $0xffff, v2  }
0xec: {  	v8 =	vadd.s32 v1, v8;
	[tilespmem:v7+s24+$0x0] =	vst.idx.add.s32.msk $0xffff, v2  }
0xed: {  	v5 =	vadd.s32 v1, v13;
	[tilespmem:v12+s24+$0x0] =	vst.idx.add.s32.msk $0xffff, v2  }
0xee: {  	v6 =	vadd.s32 v1, v16;
	[tilespmem:v11+s24+$0x0] =	vst.idx.add.s32.msk $0xffff, v2  }
0xef: {  	v7 =	vadd.s32 v1, v14;
	[tilespmem:v4+s24+$0x0] =	vst.idx.add.s32.msk $0xffff, v2;
	v4 =	vmin.u32 v10, $0xFF  }
0xf0: {  	[tilespmem:v3+s24+$0x0] =	vst.idx.add.s32.msk $0xffff, v2;
	v3 =	vmin.u32 v9, $0xFF;
	v4 =	vadd.s32 v1, v4  }
0xf1: {  	[tilespmem:v8+s24+$0x0] =	vst.idx.add.s32.msk $0xffff, v2;
	v3 =	vadd.s32 v1, v3  }
0xf2: {  	[tilespmem:v5+s24+$0x0] =	vst.idx.add.s32.msk $0xffff, v2  }
0xf3: {  	[tilespmem:v6+s24+$0x0] =	vst.idx.add.s32.msk $0xffff, v2  }
0xf4: {  	[tilespmem:v7+s24+$0x0] =	vst.idx.add.s32.msk $0xffff, v2  }
0xf5: {  	[tilespmem:v4+s24+$0x0] =	vst.idx.add.s32.msk $0xffff, v2  }
0xf6: {  	[tilespmem:v3+s24+$0x0] =	vst.idx.add.s32.msk $0xffff, v2  }
0xf7: {  	_ =	swait.ge [sflag:s22], $0x8000  }
0xf8: {  	[sflag:s22] =	ssyncset.done $0x0  }
0xf9: {  	s0 =	simm.s32 $0x80;
	[sflag:s22] =	ssyncadd.s32 $0xFFFF8000  }
0xfa: {  	[tilespmem:s23], [sflag:$0x2] =	stream.linear.gather [hbm4b:s6+s2], $0x8000, $0x38;
	[tilespmem:$0x12400] =	vst v63  }
0xfb: {  	v3 =	vld [tilespmem:s0+$0x70]  }
0xfc: {  	v4 =	vld [tilespmem:s0+$0xFFFFFF90]  }
0xfd: {  	v5 =	vld [tilespmem:s0+$0xFFFFFFA0]  }
0xfe: {  	v6 =	vld [tilespmem:s0+$0xFFFFFFB0]  }
0xff: {  	v7 =	vld [tilespmem:s0+$0xFFFFFFC0]  }
0x100: {  	v8 =	vld [tilespmem:s0+$0xFFFFFFD0]  }
0x101: {  	v9 =	vld [tilespmem:s0+$0xFFFFFFE0]  }
0x102: {  	v10 =	vld [tilespmem:s0+$0xFFFFFFF0]  }
0x103: {  	v11 =	vld [tilespmem:s0+$0x0]  }
0x104: {  	v12 =	vld [tilespmem:s0+$0x10]  }
0x105: {  	v13 =	vld [tilespmem:s0+$0x20]  }
0x106: {  	v14 =	vld [tilespmem:s0+$0x30]  }
0x107: {  	v15 =	vld [tilespmem:s0+$0x40];
	v3 =	vmul.f32 $2.560000000e+02, v3  }
0x108: {  	v16 =	vld [tilespmem:s0+$0x50];
	v4 =	vmul.f32 $2.560000000e+02, v4;
	v5 =	vmul.f32 $2.560000000e+02, v5  }
0x109: {  	v17 =	vld [tilespmem:s0+$0x60];
	v6 =	vmul.f32 $2.560000000e+02, v6;
	v7 =	vmul.f32 $2.560000000e+02, v7  }
0x10a: {  	v18 =	vld [tilespmem:s0+$0xFFFFFF80];
	v8 =	vmul.f32 $2.560000000e+02, v8;
	v9 =	vmul.f32 $2.560000000e+02, v9  }
0x10b: {  	v10 =	vmul.f32 $2.560000000e+02, v10;
	v11 =	vmul.f32 $2.560000000e+02, v11  }
0x10c: {  	v12 =	vmul.f32 $2.560000000e+02, v12;
	v13 =	vmul.f32 $2.560000000e+02, v13  }
0x10d: {  	v14 =	vmul.f32 $2.560000000e+02, v14;
	v15 =	vmul.f32 $2.560000000e+02, v15  }
0x10e: {  	v16 =	vmul.f32 $2.560000000e+02, v16;
	v17 =	vmul.f32 $2.560000000e+02, v17  }
0x10f: {  	v18 =	vmul.f32 $2.560000000e+02, v18;
	v3 =	vtrunc.f32 v3  }
0x110: {  	v4 =	vtrunc.f32 v4;
	v5 =	vtrunc.f32 v5  }
0x111: {  	v6 =	vtrunc.f32 v6;
	v7 =	vtrunc.f32 v7  }
0x112: {  	v8 =	vtrunc.f32 v8;
	v9 =	vtrunc.f32 v9  }
0x113: {  	v10 =	vtrunc.f32 v10;
	v11 =	vtrunc.f32 v11  }
0x114: {  	v12 =	vtrunc.f32 v12;
	v13 =	vtrunc.f32 v13  }
0x115: {  	v14 =	vtrunc.f32 v14;
	v15 =	vtrunc.f32 v15  }
0x116: {  	v16 =	vtrunc.f32 v16;
	v17 =	vtrunc.f32 v17  }
0x117: {  	v18 =	vtrunc.f32 v18;
	v3 =	vcvt.f32.s32 v3  }
0x118: {  	v4 =	vcvt.f32.s32 v4;
	v18 =	vcvt.f32.s32 v18  }
0x119: {  	v5 =	vcvt.f32.s32 v5;
	v6 =	vcvt.f32.s32 v6  }
0x11a: {  	v7 =	vcvt.f32.s32 v7;
	v20 =	vcvt.f32.s32 v9  }
0x11b: {  	v21 =	vcvt.f32.s32 v10;
	v11 =	vcvt.f32.s32 v11  }
0x11c: {  	v22 =	vcvt.f32.s32 v12;
	v23 =	vcvt.f32.s32 v13;
	v3 =	vmin.u32 v3, $0xFF  }
0x11d: {  	v24 =	vcvt.f32.s32 v14;
	v10 =	vcvt.f32.s32 v16;
	v19 =	vadd.s32 v1, v3  }
0x11e: {  	v9 =	vcvt.f32.s32 v17;
	v5 =	vmin.u32 v5, $0xFF;
	v6 =	vmin.u32 v6, $0xFF  }
0x11f: {  	v7 =	vmin.u32 v7, $0xFF;
	v17 =	vmin.u32 v20, $0xFF;
	v13 =	vmin.u32 v11, $0xFF  }
0x120: {  	v3 =	vmin.u32 v4, $0xFF;
	v4 =	vmin.u32 v18, $0xFF;
	v18 =	vcvt.f32.s32 v8  }
0x121: {  	v16 =	vmin.u32 v22, $0xFF;
	v14 =	vmin.u32 v23, $0xFF;
	v8 =	vcvt.f32.s32 v15  }
0x122: {  	s1 =	simm.s32 $0x180;
	s0 =	simm.s32 $0x0;
	v11 =	vmin.u32 v24, $0xFF;
	v15 =	vmin.u32 v21, $0xFF;
	v12 =	vmin.u32 v18, $0xFF;
	[tilespmem:v19+s24+$0x0] =	vst.idx.add.s32.msk $0xffff, v2  }
.LBB2_8:
0x123: {  	v18 =	vld [tilespmem:s1+$0x70];
	s0 =	sadd.s32 $0x10, s0;
	v8 =	vmin.u32 v8, $0xFF;
	v10 =	vmin.u32 v10, $0xFF;
	v9 =	vmin.u32 v9, $0xFF  }
0x124: {  	v4 =	vadd.s32 v1, v4;
	v3 =	vadd.s32 v1, v3;
	v5 =	vadd.s32 v1, v5;
	v19 =	vld [tilespmem:s1+$0xFFFFFF90];
	p0 =	slt.u32 s0, $0x7F0  }
0x125: {  	v6 =	vadd.s32 v1, v6;
	v7 =	vadd.s32 v1, v7;
	v12 =	vadd.s32 v1, v12;
	v20 =	vld [tilespmem:s1+$0xFFFFFFA0]  }
0x126: {  	v17 =	vadd.s32 v1, v17;
	v15 =	vadd.s32 v1, v15;
	v13 =	vadd.s32 v1, v13;
	v21 =	vld [tilespmem:s1+$0xFFFFFFB0]  }
0x127: {  	v16 =	vadd.s32 v1, v16;
	v14 =	vadd.s32 v1, v14;
	v11 =	vadd.s32 v1, v11;
	v22 =	vld [tilespmem:s1+$0xFFFFFFC0]  }
0x128: {  	v24 =	vadd.s32 v1, v8;
	v25 =	vadd.s32 v1, v10;
	v23 =	vld [tilespmem:s1+$0xFFFFFFD0];
	v18 =	vmul.f32 $2.560000000e+02, v18  }
0x129: {  	v8 =	vmul.f32 $2.560000000e+02, v19;
	v10 =	vld [tilespmem:s1+$0xFFFFFFE0];
	v19 =	vadd.s32 v1, v9  }
0x12a: {  	v9 =	vmul.f32 $2.560000000e+02, v20;
	v20 =	vld [tilespmem:s1+$0xFFFFFFF0];
	v18 =	vtrunc.f32 v18  }
0x12b: {  	v21 =	vmul.f32 $2.560000000e+02, v21;
	v26 =	vld [tilespmem:s1+$0x0];
	v18 =	vcvt.f32.s32 v18  }
0x12c: {  	v8 =	vtrunc.f32 v8;
	v22 =	vmul.f32 $2.560000000e+02, v22;
	v27 =	vld [tilespmem:s1+$0x10]  }
0x12d: {  	v9 =	vtrunc.f32 v9;
	v23 =	vmul.f32 $2.560000000e+02, v23;
	v28 =	vld [tilespmem:s1+$0x20];
	v18 =	vmin.u32 v18, $0xFF  }
0x12e: {  	v21 =	vtrunc.f32 v21;
	v10 =	vmul.f32 $2.560000000e+02, v10;
	v29 =	vld [tilespmem:s1+$0x30];
	v18 =	vadd.s32 v1, v18  }
0x12f: {  	v22 =	vtrunc.f32 v22;
	v20 =	vmul.f32 $2.560000000e+02, v20;
	v30 =	vld [tilespmem:s1+$0x40]  }
0x130: {  	v23 =	vtrunc.f32 v23;
	v26 =	vmul.f32 $2.560000000e+02, v26;
	v31 =	vld [tilespmem:s1+$0x50]  }
0x131: {  	v10 =	vtrunc.f32 v10;
	v27 =	vmul.f32 $2.560000000e+02, v27;
	v32 =	vld [tilespmem:s1+$0x60]  }
0x132: {  	v20 =	vtrunc.f32 v20;
	v33 =	vld [tilespmem:s1+$0xFFFFFF80];
	v28 =	vmul.f32 $2.560000000e+02, v28  }
0x133: {  	v26 =	vtrunc.f32 v26;
	v29 =	vmul.f32 $2.560000000e+02, v29;
	[tilespmem:v18+s24+$0x0] =	vst.idx.add.s32.msk $0xffff, v2  }
0x134: {  	v18 =	vtrunc.f32 v27;
	v27 =	vmul.f32 $2.560000000e+02, v30;
	[tilespmem:v4+s24+$0x0] =	vst.idx.add.s32.msk $0xffff, v2  }
0x135: {  	v28 =	vtrunc.f32 v28;
	v4 =	vmul.f32 $2.560000000e+02, v31;
	[tilespmem:v3+s24+$0x0] =	vst.idx.add.s32.msk $0xffff, v2  }
0x136: {  	v29 =	vtrunc.f32 v29;
	v3 =	vmul.f32 $2.560000000e+02, v32;
	[tilespmem:v5+s24+$0x0] =	vst.idx.add.s32.msk $0xffff, v2  }
0x137: {  	v27 =	vtrunc.f32 v27;
	v5 =	vmul.f32 $2.560000000e+02, v33;
	[tilespmem:v6+s24+$0x0] =	vst.idx.add.s32.msk $0xffff, v2  }
0x138: {  	v30 =	vtrunc.f32 v4;
	v31 =	vtrunc.f32 v3;
	[tilespmem:v7+s24+$0x0] =	vst.idx.add.s32.msk $0xffff, v2  }
0x139: {  	v4 =	vcvt.f32.s32 v8;
	v3 =	vtrunc.f32 v5;
	[tilespmem:v12+s24+$0x0] =	vst.idx.add.s32.msk $0xffff, v2  }
0x13a: {  	v6 =	vcvt.f32.s32 v9;
	v5 =	vcvt.f32.s32 v3;
	[tilespmem:v17+s24+$0x0] =	vst.idx.add.s32.msk $0xffff, v2  }
0x13b: {  	v8 =	vcvt.f32.s32 v22;
	v7 =	vcvt.f32.s32 v21;
	v3 =	vmin.u32 v4, $0xFF;
	[tilespmem:v15+s24+$0x0] =	vst.idx.add.s32.msk $0xffff, v2  }
0x13c: {  	v9 =	vcvt.f32.s32 v23;
	v15 =	vcvt.f32.s32 v10;
	v4 =	vmin.u32 v5, $0xFF;
	[tilespmem:v13+s24+$0x0] =	vst.idx.add.s32.msk $0xffff, v2  }
0x13d: {  	v5 =	vmin.u32 v6, $0xFF;
	v13 =	vcvt.f32.s32 v20;
	v20 =	vcvt.f32.s32 v26;
	[tilespmem:v16+s24+$0x0] =	vst.idx.add.s32.msk $0xffff, v2  }
.Ltmp3:
0x13e: {  	v6 =	vmin.u32 v7, $0xFF;
	v16 =	vcvt.f32.s32 v18;
	v18 =	vcvt.f32.s32 v28;
	[tilespmem:v14+s24+$0x0] =	vst.idx.add.s32.msk $0xffff, v2;
	(pc) =	sbr.rel @p0 .LBB2_8-.Ltmp3, $4  }
0x13f: {  	v21 =	vcvt.f32.s32 v29;
	v7 =	vmin.u32 v8, $0xFF;
	v8 =	vcvt.f32.s32 v27;
	[tilespmem:v11+s24+$0x0] =	vst.idx.add.s32.msk $0xffff, v2  }
0x140: {  	v12 =	vmin.u32 v9, $0xFF;
	v9 =	vcvt.f32.s32 v31;
	v10 =	vcvt.f32.s32 v30;
	[tilespmem:v24+s24+$0x0] =	vst.idx.add.s32.msk $0xffff, v2  }
0x141: {  	v17 =	vmin.u32 v15, $0xFF;
	v15 =	vmin.u32 v13, $0xFF;
	v13 =	vmin.u32 v20, $0xFF;
	[tilespmem:v25+s24+$0x0] =	vst.idx.add.s32.msk $0xffff, v2  }
0x142: {  	s1 =	sadd.s32 $0x100, s1;
	v16 =	vmin.u32 v16, $0xFF;
	v14 =	vmin.u32 v18, $0xFF;
	v11 =	vmin.u32 v21, $0xFF;
	[tilespmem:v19+s24+$0x0] =	vst.idx.add.s32.msk $0xffff, v2  }
0x143: {  	v4 =	vadd.s32 v1, v4  }
0x144: {  	v3 =	vadd.s32 v1, v3  }
0x145: {  	v5 =	vadd.s32 v1, v5  }
0x146: {  	v6 =	vadd.s32 v1, v6  }
0x147: {  	v7 =	vadd.s32 v1, v7  }
0x148: {  	v12 =	vadd.s32 v1, v12;
	[tilespmem:v4+s24+$0x0] =	vst.idx.add.s32.msk $0xffff, v2  }
0x149: {  	v11 =	vadd.s32 v1, v11;
	[tilespmem:v3+s24+$0x0] =	vst.idx.add.s32.msk $0xffff, v2  }
0x14a: {  	v4 =	vadd.s32 v1, v17;
	[tilespmem:v5+s24+$0x0] =	vst.idx.add.s32.msk $0xffff, v2  }
0x14b: {  	v8 =	vmin.u32 v8, $0xFF;
	v3 =	vadd.s32 v1, v15;
	[tilespmem:v6+s24+$0x0] =	vst.idx.add.s32.msk $0xffff, v2  }
0x14c: {  	v8 =	vadd.s32 v1, v8;
	[tilespmem:v7+s24+$0x0] =	vst.idx.add.s32.msk $0xffff, v2  }
0x14d: {  	v5 =	vadd.s32 v1, v13;
	[tilespmem:v12+s24+$0x0] =	vst.idx.add.s32.msk $0xffff, v2  }
0x14e: {  	v6 =	vadd.s32 v1, v16;
	[tilespmem:v11+s24+$0x0] =	vst.idx.add.s32.msk $0xffff, v2  }
0x14f: {  	v7 =	vadd.s32 v1, v14;
	[tilespmem:v4+s24+$0x0] =	vst.idx.add.s32.msk $0xffff, v2;
	v4 =	vmin.u32 v10, $0xFF  }
0x150: {  	[tilespmem:v3+s24+$0x0] =	vst.idx.add.s32.msk $0xffff, v2;
	v3 =	vmin.u32 v9, $0xFF;
	v4 =	vadd.s32 v1, v4  }
0x151: {  	[tilespmem:v8+s24+$0x0] =	vst.idx.add.s32.msk $0xffff, v2;
	v3 =	vadd.s32 v1, v3  }
0x152: {  	[tilespmem:v5+s24+$0x0] =	vst.idx.add.s32.msk $0xffff, v2  }
0x153: {  	[tilespmem:v6+s24+$0x0] =	vst.idx.add.s32.msk $0xffff, v2  }
0x154: {  	[tilespmem:v7+s24+$0x0] =	vst.idx.add.s32.msk $0xffff, v2  }
0x155: {  	[tilespmem:v4+s24+$0x0] =	vst.idx.add.s32.msk $0xffff, v2  }
0x156: {  	[tilespmem:v3+s24+$0x0] =	vst.idx.add.s32.msk $0xffff, v2  }
0x157: {  	_ =	swait.ge [sflag:s25], $0x8000  }
0x158: {  	[sflag:s25] =	ssyncset.done $0x0  }
0x159: {  	s0 =	simm.s32 $0x8080;
	[sflag:s25] =	ssyncadd.s32 $0xFFFF8000  }
0x15a: {  	[tilespmem:s2], [sflag:$0x1] =	stream.linear.gather [hbm4b:s7+s2], $0x8000, $0x38;
	[tilespmem:$0x12400] =	vst v63  }
0x15b: {  	v3 =	vld [tilespmem:s0+$0x70]  }
0x15c: {  	v4 =	vld [tilespmem:s0+$0xFFFFFF90]  }
0x15d: {  	v5 =	vld [tilespmem:s0+$0xFFFFFFA0]  }
0x15e: {  	v6 =	vld [tilespmem:s0+$0xFFFFFFB0]  }
0x15f: {  	v7 =	vld [tilespmem:s0+$0xFFFFFFC0]  }
0x160: {  	v8 =	vld [tilespmem:s0+$0xFFFFFFD0]  }
0x161: {  	v9 =	vld [tilespmem:s0+$0xFFFFFFE0]  }
0x162: {  	v10 =	vld [tilespmem:s0+$0xFFFFFFF0]  }
0x163: {  	v11 =	vld [tilespmem:s0+$0x0]  }
0x164: {  	v12 =	vld [tilespmem:s0+$0x10]  }
0x165: {  	v13 =	vld [tilespmem:s0+$0x20]  }
0x166: {  	v14 =	vld [tilespmem:s0+$0x30]  }
0x167: {  	v15 =	vld [tilespmem:s0+$0x40];
	v3 =	vmul.f32 $2.560000000e+02, v3  }
0x168: {  	v16 =	vld [tilespmem:s0+$0x50];
	v4 =	vmul.f32 $2.560000000e+02, v4;
	v5 =	vmul.f32 $2.560000000e+02, v5  }
0x169: {  	v17 =	vld [tilespmem:s0+$0x60];
	v6 =	vmul.f32 $2.560000000e+02, v6;
	v7 =	vmul.f32 $2.560000000e+02, v7  }
0x16a: {  	v18 =	vld [tilespmem:s0+$0xFFFFFF80];
	v8 =	vmul.f32 $2.560000000e+02, v8;
	v9 =	vmul.f32 $2.560000000e+02, v9  }
0x16b: {  	v10 =	vmul.f32 $2.560000000e+02, v10;
	v11 =	vmul.f32 $2.560000000e+02, v11  }
0x16c: {  	v12 =	vmul.f32 $2.560000000e+02, v12;
	v13 =	vmul.f32 $2.560000000e+02, v13  }
0x16d: {  	v14 =	vmul.f32 $2.560000000e+02, v14;
	v15 =	vmul.f32 $2.560000000e+02, v15  }
0x16e: {  	v16 =	vmul.f32 $2.560000000e+02, v16;
	v17 =	vmul.f32 $2.560000000e+02, v17  }
0x16f: {  	v18 =	vmul.f32 $2.560000000e+02, v18;
	v3 =	vtrunc.f32 v3  }
0x170: {  	v4 =	vtrunc.f32 v4;
	v5 =	vtrunc.f32 v5  }
0x171: {  	v6 =	vtrunc.f32 v6;
	v7 =	vtrunc.f32 v7  }
0x172: {  	v8 =	vtrunc.f32 v8;
	v9 =	vtrunc.f32 v9  }
0x173: {  	v10 =	vtrunc.f32 v10;
	v11 =	vtrunc.f32 v11  }
0x174: {  	v12 =	vtrunc.f32 v12;
	v13 =	vtrunc.f32 v13  }
0x175: {  	v14 =	vtrunc.f32 v14;
	v15 =	vtrunc.f32 v15  }
0x176: {  	v16 =	vtrunc.f32 v16;
	v17 =	vtrunc.f32 v17  }
0x177: {  	v18 =	vtrunc.f32 v18;
	v3 =	vcvt.f32.s32 v3  }
0x178: {  	v4 =	vcvt.f32.s32 v4;
	v18 =	vcvt.f32.s32 v18  }
0x179: {  	v5 =	vcvt.f32.s32 v5;
	v6 =	vcvt.f32.s32 v6  }
0x17a: {  	v7 =	vcvt.f32.s32 v7;
	v20 =	vcvt.f32.s32 v9  }
0x17b: {  	v21 =	vcvt.f32.s32 v10;
	v11 =	vcvt.f32.s32 v11  }
0x17c: {  	v22 =	vcvt.f32.s32 v12;
	v23 =	vcvt.f32.s32 v13;
	v3 =	vmin.u32 v3, $0xFF  }
0x17d: {  	v24 =	vcvt.f32.s32 v14;
	v10 =	vcvt.f32.s32 v16;
	v19 =	vadd.s32 v1, v3  }
0x17e: {  	v9 =	vcvt.f32.s32 v17;
	v5 =	vmin.u32 v5, $0xFF;
	v6 =	vmin.u32 v6, $0xFF  }
0x17f: {  	v7 =	vmin.u32 v7, $0xFF;
	v17 =	vmin.u32 v20, $0xFF;
	v13 =	vmin.u32 v11, $0xFF  }
0x180: {  	v3 =	vmin.u32 v4, $0xFF;
	v4 =	vmin.u32 v18, $0xFF;
	v18 =	vcvt.f32.s32 v8  }
0x181: {  	v16 =	vmin.u32 v22, $0xFF;
	v14 =	vmin.u32 v23, $0xFF;
	v8 =	vcvt.f32.s32 v15  }
0x182: {  	s1 =	simm.s32 $0x8180;
	s0 =	simm.s32 $0x0;
	v11 =	vmin.u32 v24, $0xFF;
	v15 =	vmin.u32 v21, $0xFF;
	v12 =	vmin.u32 v18, $0xFF;
	[tilespmem:v19+s24+$0x0] =	vst.idx.add.s32.msk $0xffff, v2  }
.LBB2_10:
0x183: {  	v18 =	vld [tilespmem:s1+$0x70];
	s0 =	sadd.s32 $0x10, s0;
	v8 =	vmin.u32 v8, $0xFF;
	v10 =	vmin.u32 v10, $0xFF;
	v9 =	vmin.u32 v9, $0xFF  }
0x184: {  	v4 =	vadd.s32 v1, v4;
	v3 =	vadd.s32 v1, v3;
	v5 =	vadd.s32 v1, v5;
	v19 =	vld [tilespmem:s1+$0xFFFFFF90];
	p0 =	slt.u32 s0, $0x7F0  }
0x185: {  	v6 =	vadd.s32 v1, v6;
	v7 =	vadd.s32 v1, v7;
	v12 =	vadd.s32 v1, v12;
	v20 =	vld [tilespmem:s1+$0xFFFFFFA0]  }
0x186: {  	v17 =	vadd.s32 v1, v17;
	v15 =	vadd.s32 v1, v15;
	v13 =	vadd.s32 v1, v13;
	v21 =	vld [tilespmem:s1+$0xFFFFFFB0]  }
0x187: {  	v16 =	vadd.s32 v1, v16;
	v14 =	vadd.s32 v1, v14;
	v11 =	vadd.s32 v1, v11;
	v22 =	vld [tilespmem:s1+$0xFFFFFFC0]  }
0x188: {  	v24 =	vadd.s32 v1, v8;
	v25 =	vadd.s32 v1, v10;
	v23 =	vld [tilespmem:s1+$0xFFFFFFD0];
	v18 =	vmul.f32 $2.560000000e+02, v18  }
0x189: {  	v8 =	vmul.f32 $2.560000000e+02, v19;
	v10 =	vld [tilespmem:s1+$0xFFFFFFE0];
	v19 =	vadd.s32 v1, v9  }
0x18a: {  	v9 =	vmul.f32 $2.560000000e+02, v20;
	v20 =	vld [tilespmem:s1+$0xFFFFFFF0];
	v18 =	vtrunc.f32 v18  }
0x18b: {  	v21 =	vmul.f32 $2.560000000e+02, v21;
	v26 =	vld [tilespmem:s1+$0x0];
	v18 =	vcvt.f32.s32 v18  }
0x18c: {  	v8 =	vtrunc.f32 v8;
	v22 =	vmul.f32 $2.560000000e+02, v22;
	v27 =	vld [tilespmem:s1+$0x10]  }
0x18d: {  	v9 =	vtrunc.f32 v9;
	v23 =	vmul.f32 $2.560000000e+02, v23;
	v28 =	vld [tilespmem:s1+$0x20];
	v18 =	vmin.u32 v18, $0xFF  }
0x18e: {  	v21 =	vtrunc.f32 v21;
	v10 =	vmul.f32 $2.560000000e+02, v10;
	v29 =	vld [tilespmem:s1+$0x30];
	v18 =	vadd.s32 v1, v18  }
0x18f: {  	v22 =	vtrunc.f32 v22;
	v20 =	vmul.f32 $2.560000000e+02, v20;
	v30 =	vld [tilespmem:s1+$0x40]  }
0x190: {  	v23 =	vtrunc.f32 v23;
	v26 =	vmul.f32 $2.560000000e+02, v26;
	v31 =	vld [tilespmem:s1+$0x50]  }
0x191: {  	v10 =	vtrunc.f32 v10;
	v27 =	vmul.f32 $2.560000000e+02, v27;
	v32 =	vld [tilespmem:s1+$0x60]  }
0x192: {  	v20 =	vtrunc.f32 v20;
	v33 =	vld [tilespmem:s1+$0xFFFFFF80];
	v28 =	vmul.f32 $2.560000000e+02, v28  }
0x193: {  	v26 =	vtrunc.f32 v26;
	v29 =	vmul.f32 $2.560000000e+02, v29;
	[tilespmem:v18+s24+$0x0] =	vst.idx.add.s32.msk $0xffff, v2  }
0x194: {  	v18 =	vtrunc.f32 v27;
	v27 =	vmul.f32 $2.560000000e+02, v30;
	[tilespmem:v4+s24+$0x0] =	vst.idx.add.s32.msk $0xffff, v2  }
0x195: {  	v28 =	vtrunc.f32 v28;
	v4 =	vmul.f32 $2.560000000e+02, v31;
	[tilespmem:v3+s24+$0x0] =	vst.idx.add.s32.msk $0xffff, v2  }
0x196: {  	v29 =	vtrunc.f32 v29;
	v3 =	vmul.f32 $2.560000000e+02, v32;
	[tilespmem:v5+s24+$0x0] =	vst.idx.add.s32.msk $0xffff, v2  }
0x197: {  	v27 =	vtrunc.f32 v27;
	v5 =	vmul.f32 $2.560000000e+02, v33;
	[tilespmem:v6+s24+$0x0] =	vst.idx.add.s32.msk $0xffff, v2  }
0x198: {  	v30 =	vtrunc.f32 v4;
	v31 =	vtrunc.f32 v3;
	[tilespmem:v7+s24+$0x0] =	vst.idx.add.s32.msk $0xffff, v2  }
0x199: {  	v4 =	vcvt.f32.s32 v8;
	v3 =	vtrunc.f32 v5;
	[tilespmem:v12+s24+$0x0] =	vst.idx.add.s32.msk $0xffff, v2  }
0x19a: {  	v6 =	vcvt.f32.s32 v9;
	v5 =	vcvt.f32.s32 v3;
	[tilespmem:v17+s24+$0x0] =	vst.idx.add.s32.msk $0xffff, v2  }
0x19b: {  	v8 =	vcvt.f32.s32 v22;
	v7 =	vcvt.f32.s32 v21;
	v3 =	vmin.u32 v4, $0xFF;
	[tilespmem:v15+s24+$0x0] =	vst.idx.add.s32.msk $0xffff, v2  }
0x19c: {  	v9 =	vcvt.f32.s32 v23;
	v15 =	vcvt.f32.s32 v10;
	v4 =	vmin.u32 v5, $0xFF;
	[tilespmem:v13+s24+$0x0] =	vst.idx.add.s32.msk $0xffff, v2  }
0x19d: {  	v5 =	vmin.u32 v6, $0xFF;
	v13 =	vcvt.f32.s32 v20;
	v20 =	vcvt.f32.s32 v26;
	[tilespmem:v16+s24+$0x0] =	vst.idx.add.s32.msk $0xffff, v2  }
.Ltmp4:
0x19e: {  	v6 =	vmin.u32 v7, $0xFF;
	v16 =	vcvt.f32.s32 v18;
	v18 =	vcvt.f32.s32 v28;
	[tilespmem:v14+s24+$0x0] =	vst.idx.add.s32.msk $0xffff, v2;
	(pc) =	sbr.rel @p0 .LBB2_10-.Ltmp4, $4  }
0x19f: {  	v21 =	vcvt.f32.s32 v29;
	v7 =	vmin.u32 v8, $0xFF;
	v8 =	vcvt.f32.s32 v27;
	[tilespmem:v11+s24+$0x0] =	vst.idx.add.s32.msk $0xffff, v2  }
0x1a0: {  	v12 =	vmin.u32 v9, $0xFF;
	v9 =	vcvt.f32.s32 v31;
	v10 =	vcvt.f32.s32 v30;
	[tilespmem:v24+s24+$0x0] =	vst.idx.add.s32.msk $0xffff, v2  }
0x1a1: {  	v17 =	vmin.u32 v15, $0xFF;
	v15 =	vmin.u32 v13, $0xFF;
	v13 =	vmin.u32 v20, $0xFF;
	[tilespmem:v25+s24+$0x0] =	vst.idx.add.s32.msk $0xffff, v2  }
0x1a2: {  	s1 =	sadd.s32 $0x100, s1;
	v16 =	vmin.u32 v16, $0xFF;
	v14 =	vmin.u32 v18, $0xFF;
	v11 =	vmin.u32 v21, $0xFF;
	[tilespmem:v19+s24+$0x0] =	vst.idx.add.s32.msk $0xffff, v2  }
0x1a3: {  	v4 =	vadd.s32 v1, v4  }
0x1a4: {  	v3 =	vadd.s32 v1, v3  }
0x1a5: {  	v5 =	vadd.s32 v1, v5  }
0x1a6: {  	v6 =	vadd.s32 v1, v6  }
0x1a7: {  	v7 =	vadd.s32 v1, v7  }
0x1a8: {  	v12 =	vadd.s32 v1, v12;
	[tilespmem:v4+s24+$0x0] =	vst.idx.add.s32.msk $0xffff, v2  }
0x1a9: {  	v11 =	vadd.s32 v1, v11;
	[tilespmem:v3+s24+$0x0] =	vst.idx.add.s32.msk $0xffff, v2  }
0x1aa: {  	v4 =	vadd.s32 v1, v17;
	[tilespmem:v5+s24+$0x0] =	vst.idx.add.s32.msk $0xffff, v2  }
0x1ab: {  	v8 =	vmin.u32 v8, $0xFF;
	v3 =	vadd.s32 v1, v15;
	[tilespmem:v6+s24+$0x0] =	vst.idx.add.s32.msk $0xffff, v2  }
0x1ac: {  	v8 =	vadd.s32 v1, v8;
	[tilespmem:v7+s24+$0x0] =	vst.idx.add.s32.msk $0xffff, v2  }
0x1ad: {  	v5 =	vadd.s32 v1, v13;
	[tilespmem:v12+s24+$0x0] =	vst.idx.add.s32.msk $0xffff, v2  }
0x1ae: {  	v6 =	vadd.s32 v1, v16;
	[tilespmem:v11+s24+$0x0] =	vst.idx.add.s32.msk $0xffff, v2  }
0x1af: {  	v7 =	vadd.s32 v1, v14;
	[tilespmem:v4+s24+$0x0] =	vst.idx.add.s32.msk $0xffff, v2;
	v4 =	vmin.u32 v10, $0xFF  }
0x1b0: {  	[tilespmem:v3+s24+$0x0] =	vst.idx.add.s32.msk $0xffff, v2;
	v3 =	vmin.u32 v9, $0xFF;
	v4 =	vadd.s32 v1, v4  }
0x1b1: {  	[tilespmem:v8+s24+$0x0] =	vst.idx.add.s32.msk $0xffff, v2;
	v3 =	vadd.s32 v1, v3  }
0x1b2: {  	[tilespmem:v5+s24+$0x0] =	vst.idx.add.s32.msk $0xffff, v2  }
0x1b3: {  	[tilespmem:v6+s24+$0x0] =	vst.idx.add.s32.msk $0xffff, v2  }
0x1b4: {  	[tilespmem:v7+s24+$0x0] =	vst.idx.add.s32.msk $0xffff, v2  }
0x1b5: {  	[tilespmem:v4+s24+$0x0] =	vst.idx.add.s32.msk $0xffff, v2  }
0x1b6: {  	[tilespmem:v3+s24+$0x0] =	vst.idx.add.s32.msk $0xffff, v2  }
0x1b7: {  	_ =	swait.ge [sflag:s22], $0x8000  }
0x1b8: {  	[sflag:s22] =	ssyncset.done $0x0  }
0x1b9: {  	s0 =	simm.s32 $0x80;
	[sflag:s22] =	ssyncadd.s32 $0xFFFF8000  }
0x1ba: {  	[tilespmem:s23], [sflag:$0x2] =	stream.linear.gather [hbm4b:s8+s2], $0x8000, $0x38;
	[tilespmem:$0x12400] =	vst v63  }
0x1bb: {  	v3 =	vld [tilespmem:s0+$0x70]  }
0x1bc: {  	v4 =	vld [tilespmem:s0+$0xFFFFFF90]  }
0x1bd: {  	v5 =	vld [tilespmem:s0+$0xFFFFFFA0]  }
0x1be: {  	v6 =	vld [tilespmem:s0+$0xFFFFFFB0]  }
0x1bf: {  	v7 =	vld [tilespmem:s0+$0xFFFFFFC0]  }
0x1c0: {  	v8 =	vld [tilespmem:s0+$0xFFFFFFD0]  }
0x1c1: {  	v9 =	vld [tilespmem:s0+$0xFFFFFFE0]  }
0x1c2: {  	v10 =	vld [tilespmem:s0+$0xFFFFFFF0]  }
0x1c3: {  	v11 =	vld [tilespmem:s0+$0x0]  }
0x1c4: {  	v12 =	vld [tilespmem:s0+$0x10]  }
0x1c5: {  	v13 =	vld [tilespmem:s0+$0x20]  }
0x1c6: {  	v14 =	vld [tilespmem:s0+$0x30]  }
0x1c7: {  	v15 =	vld [tilespmem:s0+$0x40];
	v3 =	vmul.f32 $2.560000000e+02, v3  }
0x1c8: {  	v16 =	vld [tilespmem:s0+$0x50];
	v4 =	vmul.f32 $2.560000000e+02, v4;
	v5 =	vmul.f32 $2.560000000e+02, v5  }
0x1c9: {  	v17 =	vld [tilespmem:s0+$0x60];
	v6 =	vmul.f32 $2.560000000e+02, v6;
	v7 =	vmul.f32 $2.560000000e+02, v7  }
0x1ca: {  	v18 =	vld [tilespmem:s0+$0xFFFFFF80];
	v8 =	vmul.f32 $2.560000000e+02, v8;
	v9 =	vmul.f32 $2.560000000e+02, v9  }
0x1cb: {  	v10 =	vmul.f32 $2.560000000e+02, v10;
	v11 =	vmul.f32 $2.560000000e+02, v11  }
0x1cc: {  	v12 =	vmul.f32 $2.560000000e+02, v12;
	v13 =	vmul.f32 $2.560000000e+02, v13  }
0x1cd: {  	v14 =	vmul.f32 $2.560000000e+02, v14;
	v15 =	vmul.f32 $2.560000000e+02, v15  }
0x1ce: {  	v16 =	vmul.f32 $2.560000000e+02, v16;
	v17 =	vmul.f32 $2.560000000e+02, v17  }
0x1cf: {  	v18 =	vmul.f32 $2.560000000e+02, v18;
	v3 =	vtrunc.f32 v3  }
0x1d0: {  	v4 =	vtrunc.f32 v4;
	v5 =	vtrunc.f32 v5  }
0x1d1: {  	v6 =	vtrunc.f32 v6;
	v7 =	vtrunc.f32 v7  }
0x1d2: {  	v8 =	vtrunc.f32 v8;
	v9 =	vtrunc.f32 v9  }
0x1d3: {  	v10 =	vtrunc.f32 v10;
	v11 =	vtrunc.f32 v11  }
0x1d4: {  	v12 =	vtrunc.f32 v12;
	v13 =	vtrunc.f32 v13  }
0x1d5: {  	v14 =	vtrunc.f32 v14;
	v15 =	vtrunc.f32 v15  }
0x1d6: {  	v16 =	vtrunc.f32 v16;
	v17 =	vtrunc.f32 v17  }
0x1d7: {  	v18 =	vtrunc.f32 v18;
	v3 =	vcvt.f32.s32 v3  }
0x1d8: {  	v4 =	vcvt.f32.s32 v4;
	v18 =	vcvt.f32.s32 v18  }
0x1d9: {  	v5 =	vcvt.f32.s32 v5;
	v6 =	vcvt.f32.s32 v6  }
0x1da: {  	v7 =	vcvt.f32.s32 v7;
	v20 =	vcvt.f32.s32 v9  }
0x1db: {  	v21 =	vcvt.f32.s32 v10;
	v11 =	vcvt.f32.s32 v11  }
0x1dc: {  	v22 =	vcvt.f32.s32 v12;
	v23 =	vcvt.f32.s32 v13;
	v3 =	vmin.u32 v3, $0xFF  }
0x1dd: {  	v24 =	vcvt.f32.s32 v14;
	v10 =	vcvt.f32.s32 v16;
	v19 =	vadd.s32 v1, v3  }
0x1de: {  	v9 =	vcvt.f32.s32 v17;
	v5 =	vmin.u32 v5, $0xFF;
	v6 =	vmin.u32 v6, $0xFF  }
0x1df: {  	v7 =	vmin.u32 v7, $0xFF;
	v17 =	vmin.u32 v20, $0xFF;
	v13 =	vmin.u32 v11, $0xFF  }
0x1e0: {  	v3 =	vmin.u32 v4, $0xFF;
	v4 =	vmin.u32 v18, $0xFF;
	v18 =	vcvt.f32.s32 v8  }
0x1e1: {  	v16 =	vmin.u32 v22, $0xFF;
	v14 =	vmin.u32 v23, $0xFF;
	v8 =	vcvt.f32.s32 v15  }
0x1e2: {  	s1 =	simm.s32 $0x180;
	s0 =	simm.s32 $0x0;
	v11 =	vmin.u32 v24, $0xFF;
	v15 =	vmin.u32 v21, $0xFF;
	v12 =	vmin.u32 v18, $0xFF;
	[tilespmem:v19+s24+$0x0] =	vst.idx.add.s32.msk $0xffff, v2  }
.LBB2_12:
0x1e3: {  	v18 =	vld [tilespmem:s1+$0x70];
	s0 =	sadd.s32 $0x10, s0;
	v8 =	vmin.u32 v8, $0xFF;
	v10 =	vmin.u32 v10, $0xFF;
	v9 =	vmin.u32 v9, $0xFF  }
0x1e4: {  	v4 =	vadd.s32 v1, v4;
	v3 =	vadd.s32 v1, v3;
	v5 =	vadd.s32 v1, v5;
	v19 =	vld [tilespmem:s1+$0xFFFFFF90];
	p0 =	slt.u32 s0, $0x7F0  }
0x1e5: {  	v6 =	vadd.s32 v1, v6;
	v7 =	vadd.s32 v1, v7;
	v12 =	vadd.s32 v1, v12;
	v20 =	vld [tilespmem:s1+$0xFFFFFFA0]  }
0x1e6: {  	v17 =	vadd.s32 v1, v17;
	v15 =	vadd.s32 v1, v15;
	v13 =	vadd.s32 v1, v13;
	v21 =	vld [tilespmem:s1+$0xFFFFFFB0]  }
0x1e7: {  	v16 =	vadd.s32 v1, v16;
	v14 =	vadd.s32 v1, v14;
	v11 =	vadd.s32 v1, v11;
	v22 =	vld [tilespmem:s1+$0xFFFFFFC0]  }
0x1e8: {  	v24 =	vadd.s32 v1, v8;
	v25 =	vadd.s32 v1, v10;
	v23 =	vld [tilespmem:s1+$0xFFFFFFD0];
	v18 =	vmul.f32 $2.560000000e+02, v18  }
0x1e9: {  	v8 =	vmul.f32 $2.560000000e+02, v19;
	v10 =	vld [tilespmem:s1+$0xFFFFFFE0];
	v19 =	vadd.s32 v1, v9  }
0x1ea: {  	v9 =	vmul.f32 $2.560000000e+02, v20;
	v20 =	vld [tilespmem:s1+$0xFFFFFFF0];
	v18 =	vtrunc.f32 v18  }
0x1eb: {  	v21 =	vmul.f32 $2.560000000e+02, v21;
	v26 =	vld [tilespmem:s1+$0x0];
	v18 =	vcvt.f32.s32 v18  }
0x1ec: {  	v8 =	vtrunc.f32 v8;
	v22 =	vmul.f32 $2.560000000e+02, v22;
	v27 =	vld [tilespmem:s1+$0x10]  }
0x1ed: {  	v9 =	vtrunc.f32 v9;
	v23 =	vmul.f32 $2.560000000e+02, v23;
	v28 =	vld [tilespmem:s1+$0x20];
	v18 =	vmin.u32 v18, $0xFF  }
0x1ee: {  	v21 =	vtrunc.f32 v21;
	v10 =	vmul.f32 $2.560000000e+02, v10;
	v29 =	vld [tilespmem:s1+$0x30];
	v18 =	vadd.s32 v1, v18  }
0x1ef: {  	v22 =	vtrunc.f32 v22;
	v20 =	vmul.f32 $2.560000000e+02, v20;
	v30 =	vld [tilespmem:s1+$0x40]  }
0x1f0: {  	v23 =	vtrunc.f32 v23;
	v26 =	vmul.f32 $2.560000000e+02, v26;
	v31 =	vld [tilespmem:s1+$0x50]  }
0x1f1: {  	v10 =	vtrunc.f32 v10;
	v27 =	vmul.f32 $2.560000000e+02, v27;
	v32 =	vld [tilespmem:s1+$0x60]  }
0x1f2: {  	v20 =	vtrunc.f32 v20;
	v33 =	vld [tilespmem:s1+$0xFFFFFF80];
	v28 =	vmul.f32 $2.560000000e+02, v28  }
0x1f3: {  	v26 =	vtrunc.f32 v26;
	v29 =	vmul.f32 $2.560000000e+02, v29;
	[tilespmem:v18+s24+$0x0] =	vst.idx.add.s32.msk $0xffff, v2  }
0x1f4: {  	v18 =	vtrunc.f32 v27;
	v27 =	vmul.f32 $2.560000000e+02, v30;
	[tilespmem:v4+s24+$0x0] =	vst.idx.add.s32.msk $0xffff, v2  }
0x1f5: {  	v28 =	vtrunc.f32 v28;
	v4 =	vmul.f32 $2.560000000e+02, v31;
	[tilespmem:v3+s24+$0x0] =	vst.idx.add.s32.msk $0xffff, v2  }
0x1f6: {  	v29 =	vtrunc.f32 v29;
	v3 =	vmul.f32 $2.560000000e+02, v32;
	[tilespmem:v5+s24+$0x0] =	vst.idx.add.s32.msk $0xffff, v2  }
0x1f7: {  	v27 =	vtrunc.f32 v27;
	v5 =	vmul.f32 $2.560000000e+02, v33;
	[tilespmem:v6+s24+$0x0] =	vst.idx.add.s32.msk $0xffff, v2  }
0x1f8: {  	v30 =	vtrunc.f32 v4;
	v31 =	vtrunc.f32 v3;
	[tilespmem:v7+s24+$0x0] =	vst.idx.add.s32.msk $0xffff, v2  }
0x1f9: {  	v4 =	vcvt.f32.s32 v8;
	v3 =	vtrunc.f32 v5;
	[tilespmem:v12+s24+$0x0] =	vst.idx.add.s32.msk $0xffff, v2  }
0x1fa: {  	v6 =	vcvt.f32.s32 v9;
	v5 =	vcvt.f32.s32 v3;
	[tilespmem:v17+s24+$0x0] =	vst.idx.add.s32.msk $0xffff, v2  }
0x1fb: {  	v8 =	vcvt.f32.s32 v22;
	v7 =	vcvt.f32.s32 v21;
	v3 =	vmin.u32 v4, $0xFF;
	[tilespmem:v15+s24+$0x0] =	vst.idx.add.s32.msk $0xffff, v2  }
0x1fc: {  	v9 =	vcvt.f32.s32 v23;
	v15 =	vcvt.f32.s32 v10;
	v4 =	vmin.u32 v5, $0xFF;
	[tilespmem:v13+s24+$0x0] =	vst.idx.add.s32.msk $0xffff, v2  }
0x1fd: {  	v5 =	vmin.u32 v6, $0xFF;
	v13 =	vcvt.f32.s32 v20;
	v20 =	vcvt.f32.s32 v26;
	[tilespmem:v16+s24+$0x0] =	vst.idx.add.s32.msk $0xffff, v2  }
.Ltmp5:
0x1fe: {  	v6 =	vmin.u32 v7, $0xFF;
	v16 =	vcvt.f32.s32 v18;
	v18 =	vcvt.f32.s32 v28;
	[tilespmem:v14+s24+$0x0] =	vst.idx.add.s32.msk $0xffff, v2;
	(pc) =	sbr.rel @p0 .LBB2_12-.Ltmp5, $4  }
0x1ff: {  	v21 =	vcvt.f32.s32 v29;
	v7 =	vmin.u32 v8, $0xFF;
	v8 =	vcvt.f32.s32 v27;
	[tilespmem:v11+s24+$0x0] =	vst.idx.add.s32.msk $0xffff, v2  }
0x200: {  	v12 =	vmin.u32 v9, $0xFF;
	v9 =	vcvt.f32.s32 v31;
	v10 =	vcvt.f32.s32 v30;
	[tilespmem:v24+s24+$0x0] =	vst.idx.add.s32.msk $0xffff, v2  }
0x201: {  	v17 =	vmin.u32 v15, $0xFF;
	v15 =	vmin.u32 v13, $0xFF;
	v13 =	vmin.u32 v20, $0xFF;
	[tilespmem:v25+s24+$0x0] =	vst.idx.add.s32.msk $0xffff, v2  }
0x202: {  	s1 =	sadd.s32 $0x100, s1;
	v16 =	vmin.u32 v16, $0xFF;
	v14 =	vmin.u32 v18, $0xFF;
	v11 =	vmin.u32 v21, $0xFF;
	[tilespmem:v19+s24+$0x0] =	vst.idx.add.s32.msk $0xffff, v2  }
0x203: {  	v4 =	vadd.s32 v1, v4  }
0x204: {  	v3 =	vadd.s32 v1, v3  }
0x205: {  	v5 =	vadd.s32 v1, v5  }
0x206: {  	v6 =	vadd.s32 v1, v6  }
0x207: {  	v7 =	vadd.s32 v1, v7  }
0x208: {  	v12 =	vadd.s32 v1, v12;
	[tilespmem:v4+s24+$0x0] =	vst.idx.add.s32.msk $0xffff, v2  }
0x209: {  	v11 =	vadd.s32 v1, v11;
	[tilespmem:v3+s24+$0x0] =	vst.idx.add.s32.msk $0xffff, v2  }
0x20a: {  	v4 =	vadd.s32 v1, v17;
	[tilespmem:v5+s24+$0x0] =	vst.idx.add.s32.msk $0xffff, v2  }
0x20b: {  	v8 =	vmin.u32 v8, $0xFF;
	v3 =	vadd.s32 v1, v15;
	[tilespmem:v6+s24+$0x0] =	vst.idx.add.s32.msk $0xffff, v2  }
0x20c: {  	v8 =	vadd.s32 v1, v8;
	[tilespmem:v7+s24+$0x0] =	vst.idx.add.s32.msk $0xffff, v2  }
0x20d: {  	v5 =	vadd.s32 v1, v13;
	[tilespmem:v12+s24+$0x0] =	vst.idx.add.s32.msk $0xffff, v2  }
0x20e: {  	v6 =	vadd.s32 v1, v16;
	[tilespmem:v11+s24+$0x0] =	vst.idx.add.s32.msk $0xffff, v2  }
0x20f: {  	v7 =	vadd.s32 v1, v14;
	[tilespmem:v4+s24+$0x0] =	vst.idx.add.s32.msk $0xffff, v2;
	v4 =	vmin.u32 v10, $0xFF  }
0x210: {  	[tilespmem:v3+s24+$0x0] =	vst.idx.add.s32.msk $0xffff, v2;
	v3 =	vmin.u32 v9, $0xFF;
	v4 =	vadd.s32 v1, v4  }
0x211: {  	[tilespmem:v8+s24+$0x0] =	vst.idx.add.s32.msk $0xffff, v2;
	v3 =	vadd.s32 v1, v3  }
0x212: {  	[tilespmem:v5+s24+$0x0] =	vst.idx.add.s32.msk $0xffff, v2  }
0x213: {  	[tilespmem:v6+s24+$0x0] =	vst.idx.add.s32.msk $0xffff, v2  }
0x214: {  	[tilespmem:v7+s24+$0x0] =	vst.idx.add.s32.msk $0xffff, v2  }
0x215: {  	[tilespmem:v4+s24+$0x0] =	vst.idx.add.s32.msk $0xffff, v2  }
0x216: {  	[tilespmem:v3+s24+$0x0] =	vst.idx.add.s32.msk $0xffff, v2  }
0x217: {  	_ =	swait.ge [sflag:s25], $0x8000  }
0x218: {  	[sflag:s25] =	ssyncset.done $0x0  }
0x219: {  	s0 =	simm.s32 $0x8080;
	[sflag:s25] =	ssyncadd.s32 $0xFFFF8000  }
0x21a: {  	[tilespmem:s2], [sflag:$0x1] =	stream.linear.gather [hbm4b:s9+s2], $0x8000, $0x38;
	[tilespmem:$0x12400] =	vst v63  }
0x21b: {  	v3 =	vld [tilespmem:s0+$0x70]  }
0x21c: {  	v4 =	vld [tilespmem:s0+$0xFFFFFF90]  }
0x21d: {  	v5 =	vld [tilespmem:s0+$0xFFFFFFA0]  }
0x21e: {  	v6 =	vld [tilespmem:s0+$0xFFFFFFB0]  }
0x21f: {  	v7 =	vld [tilespmem:s0+$0xFFFFFFC0]  }
0x220: {  	v8 =	vld [tilespmem:s0+$0xFFFFFFD0]  }
0x221: {  	v9 =	vld [tilespmem:s0+$0xFFFFFFE0]  }
0x222: {  	v10 =	vld [tilespmem:s0+$0xFFFFFFF0]  }
0x223: {  	v11 =	vld [tilespmem:s0+$0x0]  }
0x224: {  	v12 =	vld [tilespmem:s0+$0x10]  }
0x225: {  	v13 =	vld [tilespmem:s0+$0x20]  }
0x226: {  	v14 =	vld [tilespmem:s0+$0x30]  }
0x227: {  	v15 =	vld [tilespmem:s0+$0x40];
	v3 =	vmul.f32 $2.560000000e+02, v3  }
0x228: {  	v16 =	vld [tilespmem:s0+$0x50];
	v4 =	vmul.f32 $2.560000000e+02, v4;
	v5 =	vmul.f32 $2.560000000e+02, v5  }
0x229: {  	v17 =	vld [tilespmem:s0+$0x60];
	v6 =	vmul.f32 $2.560000000e+02, v6;
	v7 =	vmul.f32 $2.560000000e+02, v7  }
0x22a: {  	v18 =	vld [tilespmem:s0+$0xFFFFFF80];
	v8 =	vmul.f32 $2.560000000e+02, v8;
	v9 =	vmul.f32 $2.560000000e+02, v9  }
0x22b: {  	v10 =	vmul.f32 $2.560000000e+02, v10;
	v11 =	vmul.f32 $2.560000000e+02, v11  }
0x22c: {  	v12 =	vmul.f32 $2.560000000e+02, v12;
	v13 =	vmul.f32 $2.560000000e+02, v13  }
0x22d: {  	v14 =	vmul.f32 $2.560000000e+02, v14;
	v15 =	vmul.f32 $2.560000000e+02, v15  }
0x22e: {  	v16 =	vmul.f32 $2.560000000e+02, v16;
	v17 =	vmul.f32 $2.560000000e+02, v17  }
0x22f: {  	v18 =	vmul.f32 $2.560000000e+02, v18;
	v3 =	vtrunc.f32 v3  }
0x230: {  	v4 =	vtrunc.f32 v4;
	v5 =	vtrunc.f32 v5  }
0x231: {  	v6 =	vtrunc.f32 v6;
	v7 =	vtrunc.f32 v7  }
0x232: {  	v8 =	vtrunc.f32 v8;
	v9 =	vtrunc.f32 v9  }
0x233: {  	v10 =	vtrunc.f32 v10;
	v11 =	vtrunc.f32 v11  }
0x234: {  	v12 =	vtrunc.f32 v12;
	v13 =	vtrunc.f32 v13  }
0x235: {  	v14 =	vtrunc.f32 v14;
	v15 =	vtrunc.f32 v15  }
0x236: {  	v16 =	vtrunc.f32 v16;
	v17 =	vtrunc.f32 v17  }
0x237: {  	v18 =	vtrunc.f32 v18;
	v3 =	vcvt.f32.s32 v3  }
0x238: {  	v4 =	vcvt.f32.s32 v4;
	v18 =	vcvt.f32.s32 v18  }
0x239: {  	v5 =	vcvt.f32.s32 v5;
	v6 =	vcvt.f32.s32 v6  }
0x23a: {  	v7 =	vcvt.f32.s32 v7;
	v20 =	vcvt.f32.s32 v9  }
0x23b: {  	v21 =	vcvt.f32.s32 v10;
	v11 =	vcvt.f32.s32 v11  }
0x23c: {  	v22 =	vcvt.f32.s32 v12;
	v23 =	vcvt.f32.s32 v13;
	v3 =	vmin.u32 v3, $0xFF  }
0x23d: {  	v24 =	vcvt.f32.s32 v14;
	v10 =	vcvt.f32.s32 v16;
	v19 =	vadd.s32 v1, v3  }
0x23e: {  	v9 =	vcvt.f32.s32 v17;
	v5 =	vmin.u32 v5, $0xFF;
	v6 =	vmin.u32 v6, $0xFF  }
0x23f: {  	v7 =	vmin.u32 v7, $0xFF;
	v17 =	vmin.u32 v20, $0xFF;
	v13 =	vmin.u32 v11, $0xFF  }
0x240: {  	v3 =	vmin.u32 v4, $0xFF;
	v4 =	vmin.u32 v18, $0xFF;
	v18 =	vcvt.f32.s32 v8  }
0x241: {  	v16 =	vmin.u32 v22, $0xFF;
	v14 =	vmin.u32 v23, $0xFF;
	v8 =	vcvt.f32.s32 v15  }
0x242: {  	s1 =	simm.s32 $0x8180;
	s0 =	simm.s32 $0x0;
	v11 =	vmin.u32 v24, $0xFF;
	v15 =	vmin.u32 v21, $0xFF;
	v12 =	vmin.u32 v18, $0xFF;
	[tilespmem:v19+s24+$0x0] =	vst.idx.add.s32.msk $0xffff, v2  }
.LBB2_14:
0x243: {  	v18 =	vld [tilespmem:s1+$0x70];
	s0 =	sadd.s32 $0x10, s0;
	v8 =	vmin.u32 v8, $0xFF;
	v10 =	vmin.u32 v10, $0xFF;
	v9 =	vmin.u32 v9, $0xFF  }
0x244: {  	v4 =	vadd.s32 v1, v4;
	v3 =	vadd.s32 v1, v3;
	v5 =	vadd.s32 v1, v5;
	v19 =	vld [tilespmem:s1+$0xFFFFFF90];
	p0 =	slt.u32 s0, $0x7F0  }
0x245: {  	v6 =	vadd.s32 v1, v6;
	v7 =	vadd.s32 v1, v7;
	v12 =	vadd.s32 v1, v12;
	v20 =	vld [tilespmem:s1+$0xFFFFFFA0]  }
0x246: {  	v17 =	vadd.s32 v1, v17;
	v15 =	vadd.s32 v1, v15;
	v13 =	vadd.s32 v1, v13;
	v21 =	vld [tilespmem:s1+$0xFFFFFFB0]  }
0x247: {  	v16 =	vadd.s32 v1, v16;
	v14 =	vadd.s32 v1, v14;
	v11 =	vadd.s32 v1, v11;
	v22 =	vld [tilespmem:s1+$0xFFFFFFC0]  }
0x248: {  	v24 =	vadd.s32 v1, v8;
	v25 =	vadd.s32 v1, v10;
	v23 =	vld [tilespmem:s1+$0xFFFFFFD0];
	v18 =	vmul.f32 $2.560000000e+02, v18  }
0x249: {  	v8 =	vmul.f32 $2.560000000e+02, v19;
	v10 =	vld [tilespmem:s1+$0xFFFFFFE0];
	v19 =	vadd.s32 v1, v9  }
0x24a: {  	v9 =	vmul.f32 $2.560000000e+02, v20;
	v20 =	vld [tilespmem:s1+$0xFFFFFFF0];
	v18 =	vtrunc.f32 v18  }
0x24b: {  	v21 =	vmul.f32 $2.560000000e+02, v21;
	v26 =	vld [tilespmem:s1+$0x0];
	v18 =	vcvt.f32.s32 v18  }
0x24c: {  	v8 =	vtrunc.f32 v8;
	v22 =	vmul.f32 $2.560000000e+02, v22;
	v27 =	vld [tilespmem:s1+$0x10]  }
0x24d: {  	v9 =	vtrunc.f32 v9;
	v23 =	vmul.f32 $2.560000000e+02, v23;
	v28 =	vld [tilespmem:s1+$0x20];
	v18 =	vmin.u32 v18, $0xFF  }
0x24e: {  	v21 =	vtrunc.f32 v21;
	v10 =	vmul.f32 $2.560000000e+02, v10;
	v29 =	vld [tilespmem:s1+$0x30];
	v18 =	vadd.s32 v1, v18  }
0x24f: {  	v22 =	vtrunc.f32 v22;
	v20 =	vmul.f32 $2.560000000e+02, v20;
	v30 =	vld [tilespmem:s1+$0x40]  }
0x250: {  	v23 =	vtrunc.f32 v23;
	v26 =	vmul.f32 $2.560000000e+02, v26;
	v31 =	vld [tilespmem:s1+$0x50]  }
0x251: {  	v10 =	vtrunc.f32 v10;
	v27 =	vmul.f32 $2.560000000e+02, v27;
	v32 =	vld [tilespmem:s1+$0x60]  }
0x252: {  	v20 =	vtrunc.f32 v20;
	v33 =	vld [tilespmem:s1+$0xFFFFFF80];
	v28 =	vmul.f32 $2.560000000e+02, v28  }
0x253: {  	v26 =	vtrunc.f32 v26;
	v29 =	vmul.f32 $2.560000000e+02, v29;
	[tilespmem:v18+s24+$0x0] =	vst.idx.add.s32.msk $0xffff, v2  }
0x254: {  	v18 =	vtrunc.f32 v27;
	v27 =	vmul.f32 $2.560000000e+02, v30;
	[tilespmem:v4+s24+$0x0] =	vst.idx.add.s32.msk $0xffff, v2  }
0x255: {  	v28 =	vtrunc.f32 v28;
	v4 =	vmul.f32 $2.560000000e+02, v31;
	[tilespmem:v3+s24+$0x0] =	vst.idx.add.s32.msk $0xffff, v2  }
0x256: {  	v29 =	vtrunc.f32 v29;
	v3 =	vmul.f32 $2.560000000e+02, v32;
	[tilespmem:v5+s24+$0x0] =	vst.idx.add.s32.msk $0xffff, v2  }
0x257: {  	v27 =	vtrunc.f32 v27;
	v5 =	vmul.f32 $2.560000000e+02, v33;
	[tilespmem:v6+s24+$0x0] =	vst.idx.add.s32.msk $0xffff, v2  }
0x258: {  	v30 =	vtrunc.f32 v4;
	v31 =	vtrunc.f32 v3;
	[tilespmem:v7+s24+$0x0] =	vst.idx.add.s32.msk $0xffff, v2  }
0x259: {  	v4 =	vcvt.f32.s32 v8;
	v3 =	vtrunc.f32 v5;
	[tilespmem:v12+s24+$0x0] =	vst.idx.add.s32.msk $0xffff, v2  }
0x25a: {  	v6 =	vcvt.f32.s32 v9;
	v5 =	vcvt.f32.s32 v3;
	[tilespmem:v17+s24+$0x0] =	vst.idx.add.s32.msk $0xffff, v2  }
0x25b: {  	v8 =	vcvt.f32.s32 v22;
	v7 =	vcvt.f32.s32 v21;
	v3 =	vmin.u32 v4, $0xFF;
	[tilespmem:v15+s24+$0x0] =	vst.idx.add.s32.msk $0xffff, v2  }
0x25c: {  	v9 =	vcvt.f32.s32 v23;
	v15 =	vcvt.f32.s32 v10;
	v4 =	vmin.u32 v5, $0xFF;
	[tilespmem:v13+s24+$0x0] =	vst.idx.add.s32.msk $0xffff, v2  }
0x25d: {  	v5 =	vmin.u32 v6, $0xFF;
	v13 =	vcvt.f32.s32 v20;
	v20 =	vcvt.f32.s32 v26;
	[tilespmem:v16+s24+$0x0] =	vst.idx.add.s32.msk $0xffff, v2  }
.Ltmp6:
0x25e: {  	v6 =	vmin.u32 v7, $0xFF;
	v16 =	vcvt.f32.s32 v18;
	v18 =	vcvt.f32.s32 v28;
	[tilespmem:v14+s24+$0x0] =	vst.idx.add.s32.msk $0xffff, v2;
	(pc) =	sbr.rel @p0 .LBB2_14-.Ltmp6, $4  }
0x25f: {  	v21 =	vcvt.f32.s32 v29;
	v7 =	vmin.u32 v8, $0xFF;
	v8 =	vcvt.f32.s32 v27;
	[tilespmem:v11+s24+$0x0] =	vst.idx.add.s32.msk $0xffff, v2  }
0x260: {  	v12 =	vmin.u32 v9, $0xFF;
	v9 =	vcvt.f32.s32 v31;
	v10 =	vcvt.f32.s32 v30;
	[tilespmem:v24+s24+$0x0] =	vst.idx.add.s32.msk $0xffff, v2  }
0x261: {  	v17 =	vmin.u32 v15, $0xFF;
	v15 =	vmin.u32 v13, $0xFF;
	v13 =	vmin.u32 v20, $0xFF;
	[tilespmem:v25+s24+$0x0] =	vst.idx.add.s32.msk $0xffff, v2  }
0x262: {  	s1 =	sadd.s32 $0x100, s1;
	v16 =	vmin.u32 v16, $0xFF;
	v14 =	vmin.u32 v18, $0xFF;
	v11 =	vmin.u32 v21, $0xFF;
	[tilespmem:v19+s24+$0x0] =	vst.idx.add.s32.msk $0xffff, v2  }
0x263: {  	v4 =	vadd.s32 v1, v4  }
0x264: {  	v3 =	vadd.s32 v1, v3  }
0x265: {  	v5 =	vadd.s32 v1, v5  }
0x266: {  	v6 =	vadd.s32 v1, v6  }
0x267: {  	v7 =	vadd.s32 v1, v7  }
0x268: {  	v12 =	vadd.s32 v1, v12;
	[tilespmem:v4+s24+$0x0] =	vst.idx.add.s32.msk $0xffff, v2  }
0x269: {  	v11 =	vadd.s32 v1, v11;
	[tilespmem:v3+s24+$0x0] =	vst.idx.add.s32.msk $0xffff, v2  }
0x26a: {  	v4 =	vadd.s32 v1, v17;
	[tilespmem:v5+s24+$0x0] =	vst.idx.add.s32.msk $0xffff, v2  }
0x26b: {  	v8 =	vmin.u32 v8, $0xFF;
	v3 =	vadd.s32 v1, v15;
	[tilespmem:v6+s24+$0x0] =	vst.idx.add.s32.msk $0xffff, v2  }
0x26c: {  	v8 =	vadd.s32 v1, v8;
	[tilespmem:v7+s24+$0x0] =	vst.idx.add.s32.msk $0xffff, v2  }
0x26d: {  	v5 =	vadd.s32 v1, v13;
	[tilespmem:v12+s24+$0x0] =	vst.idx.add.s32.msk $0xffff, v2  }
0x26e: {  	v6 =	vadd.s32 v1, v16;
	[tilespmem:v11+s24+$0x0] =	vst.idx.add.s32.msk $0xffff, v2  }
0x26f: {  	v7 =	vadd.s32 v1, v14;
	[tilespmem:v4+s24+$0x0] =	vst.idx.add.s32.msk $0xffff, v2;
	v4 =	vmin.u32 v10, $0xFF  }
0x270: {  	[tilespmem:v3+s24+$0x0] =	vst.idx.add.s32.msk $0xffff, v2;
	v3 =	vmin.u32 v9, $0xFF;
	v4 =	vadd.s32 v1, v4  }
0x271: {  	[tilespmem:v8+s24+$0x0] =	vst.idx.add.s32.msk $0xffff, v2;
	v3 =	vadd.s32 v1, v3  }
0x272: {  	[tilespmem:v5+s24+$0x0] =	vst.idx.add.s32.msk $0xffff, v2  }
0x273: {  	[tilespmem:v6+s24+$0x0] =	vst.idx.add.s32.msk $0xffff, v2  }
0x274: {  	[tilespmem:v7+s24+$0x0] =	vst.idx.add.s32.msk $0xffff, v2  }
0x275: {  	[tilespmem:v4+s24+$0x0] =	vst.idx.add.s32.msk $0xffff, v2  }
0x276: {  	[tilespmem:v3+s24+$0x0] =	vst.idx.add.s32.msk $0xffff, v2  }
0x277: {  	_ =	swait.ge [sflag:s22], $0x8000  }
0x278: {  	[sflag:s22] =	ssyncset.done $0x0  }
0x279: {  	s0 =	simm.s32 $0x80;
	[sflag:s22] =	ssyncadd.s32 $0xFFFF8000  }
0x27a: {  	[tilespmem:s23], [sflag:$0x2] =	stream.linear.gather [hbm4b:s10+s2], $0x8000, $0x38;
	[tilespmem:$0x12400] =	vst v63  }
0x27b: {  	v3 =	vld [tilespmem:s0+$0x70]  }
0x27c: {  	v4 =	vld [tilespmem:s0+$0xFFFFFF90]  }
0x27d: {  	v5 =	vld [tilespmem:s0+$0xFFFFFFA0]  }
0x27e: {  	v6 =	vld [tilespmem:s0+$0xFFFFFFB0]  }
0x27f: {  	v7 =	vld [tilespmem:s0+$0xFFFFFFC0]  }
0x280: {  	v8 =	vld [tilespmem:s0+$0xFFFFFFD0]  }
0x281: {  	v9 =	vld [tilespmem:s0+$0xFFFFFFE0]  }
0x282: {  	v10 =	vld [tilespmem:s0+$0xFFFFFFF0]  }
0x283: {  	v11 =	vld [tilespmem:s0+$0x0]  }
0x284: {  	v12 =	vld [tilespmem:s0+$0x10]  }
0x285: {  	v13 =	vld [tilespmem:s0+$0x20]  }
0x286: {  	v14 =	vld [tilespmem:s0+$0x30]  }
0x287: {  	v15 =	vld [tilespmem:s0+$0x40];
	v3 =	vmul.f32 $2.560000000e+02, v3  }
0x288: {  	v16 =	vld [tilespmem:s0+$0x50];
	v4 =	vmul.f32 $2.560000000e+02, v4;
	v5 =	vmul.f32 $2.560000000e+02, v5  }
0x289: {  	v17 =	vld [tilespmem:s0+$0x60];
	v6 =	vmul.f32 $2.560000000e+02, v6;
	v7 =	vmul.f32 $2.560000000e+02, v7  }
0x28a: {  	v18 =	vld [tilespmem:s0+$0xFFFFFF80];
	v8 =	vmul.f32 $2.560000000e+02, v8;
	v9 =	vmul.f32 $2.560000000e+02, v9  }
0x28b: {  	v10 =	vmul.f32 $2.560000000e+02, v10;
	v11 =	vmul.f32 $2.560000000e+02, v11  }
0x28c: {  	v12 =	vmul.f32 $2.560000000e+02, v12;
	v13 =	vmul.f32 $2.560000000e+02, v13  }
0x28d: {  	v14 =	vmul.f32 $2.560000000e+02, v14;
	v15 =	vmul.f32 $2.560000000e+02, v15  }
0x28e: {  	v16 =	vmul.f32 $2.560000000e+02, v16;
	v17 =	vmul.f32 $2.560000000e+02, v17  }
0x28f: {  	v18 =	vmul.f32 $2.560000000e+02, v18;
	v3 =	vtrunc.f32 v3  }
0x290: {  	v4 =	vtrunc.f32 v4;
	v5 =	vtrunc.f32 v5  }
0x291: {  	v6 =	vtrunc.f32 v6;
	v7 =	vtrunc.f32 v7  }
0x292: {  	v8 =	vtrunc.f32 v8;
	v9 =	vtrunc.f32 v9  }
0x293: {  	v10 =	vtrunc.f32 v10;
	v11 =	vtrunc.f32 v11  }
0x294: {  	v12 =	vtrunc.f32 v12;
	v13 =	vtrunc.f32 v13  }
0x295: {  	v14 =	vtrunc.f32 v14;
	v15 =	vtrunc.f32 v15  }
0x296: {  	v16 =	vtrunc.f32 v16;
	v17 =	vtrunc.f32 v17  }
0x297: {  	v18 =	vtrunc.f32 v18;
	v3 =	vcvt.f32.s32 v3  }
0x298: {  	v4 =	vcvt.f32.s32 v4;
	v18 =	vcvt.f32.s32 v18  }
0x299: {  	v5 =	vcvt.f32.s32 v5;
	v6 =	vcvt.f32.s32 v6  }
0x29a: {  	v7 =	vcvt.f32.s32 v7;
	v20 =	vcvt.f32.s32 v9  }
0x29b: {  	v21 =	vcvt.f32.s32 v10;
	v11 =	vcvt.f32.s32 v11  }
0x29c: {  	v22 =	vcvt.f32.s32 v12;
	v23 =	vcvt.f32.s32 v13;
	v3 =	vmin.u32 v3, $0xFF  }
0x29d: {  	v24 =	vcvt.f32.s32 v14;
	v10 =	vcvt.f32.s32 v16;
	v19 =	vadd.s32 v1, v3  }
0x29e: {  	v9 =	vcvt.f32.s32 v17;
	v5 =	vmin.u32 v5, $0xFF;
	v6 =	vmin.u32 v6, $0xFF  }
0x29f: {  	v7 =	vmin.u32 v7, $0xFF;
	v17 =	vmin.u32 v20, $0xFF;
	v13 =	vmin.u32 v11, $0xFF  }
0x2a0: {  	v3 =	vmin.u32 v4, $0xFF;
	v4 =	vmin.u32 v18, $0xFF;
	v18 =	vcvt.f32.s32 v8  }
0x2a1: {  	v16 =	vmin.u32 v22, $0xFF;
	v14 =	vmin.u32 v23, $0xFF;
	v8 =	vcvt.f32.s32 v15  }
0x2a2: {  	s1 =	simm.s32 $0x180;
	s0 =	simm.s32 $0x0;
	v11 =	vmin.u32 v24, $0xFF;
	v15 =	vmin.u32 v21, $0xFF;
	v12 =	vmin.u32 v18, $0xFF;
	[tilespmem:v19+s24+$0x0] =	vst.idx.add.s32.msk $0xffff, v2  }
.LBB2_16:
0x2a3: {  	v18 =	vld [tilespmem:s1+$0x70];
	s0 =	sadd.s32 $0x10, s0;
	v8 =	vmin.u32 v8, $0xFF;
	v10 =	vmin.u32 v10, $0xFF;
	v9 =	vmin.u32 v9, $0xFF  }
0x2a4: {  	v4 =	vadd.s32 v1, v4;
	v3 =	vadd.s32 v1, v3;
	v5 =	vadd.s32 v1, v5;
	v19 =	vld [tilespmem:s1+$0xFFFFFF90];
	p0 =	slt.u32 s0, $0x7F0  }
0x2a5: {  	v6 =	vadd.s32 v1, v6;
	v7 =	vadd.s32 v1, v7;
	v12 =	vadd.s32 v1, v12;
	v20 =	vld [tilespmem:s1+$0xFFFFFFA0]  }
0x2a6: {  	v17 =	vadd.s32 v1, v17;
	v15 =	vadd.s32 v1, v15;
	v13 =	vadd.s32 v1, v13;
	v21 =	vld [tilespmem:s1+$0xFFFFFFB0]  }
0x2a7: {  	v16 =	vadd.s32 v1, v16;
	v14 =	vadd.s32 v1, v14;
	v11 =	vadd.s32 v1, v11;
	v22 =	vld [tilespmem:s1+$0xFFFFFFC0]  }
0x2a8: {  	v24 =	vadd.s32 v1, v8;
	v25 =	vadd.s32 v1, v10;
	v23 =	vld [tilespmem:s1+$0xFFFFFFD0];
	v18 =	vmul.f32 $2.560000000e+02, v18  }
0x2a9: {  	v8 =	vmul.f32 $2.560000000e+02, v19;
	v10 =	vld [tilespmem:s1+$0xFFFFFFE0];
	v19 =	vadd.s32 v1, v9  }
0x2aa: {  	v9 =	vmul.f32 $2.560000000e+02, v20;
	v20 =	vld [tilespmem:s1+$0xFFFFFFF0];
	v18 =	vtrunc.f32 v18  }
0x2ab: {  	v21 =	vmul.f32 $2.560000000e+02, v21;
	v26 =	vld [tilespmem:s1+$0x0];
	v18 =	vcvt.f32.s32 v18  }
0x2ac: {  	v8 =	vtrunc.f32 v8;
	v22 =	vmul.f32 $2.560000000e+02, v22;
	v27 =	vld [tilespmem:s1+$0x10]  }
0x2ad: {  	v9 =	vtrunc.f32 v9;
	v23 =	vmul.f32 $2.560000000e+02, v23;
	v28 =	vld [tilespmem:s1+$0x20];
	v18 =	vmin.u32 v18, $0xFF  }
0x2ae: {  	v21 =	vtrunc.f32 v21;
	v10 =	vmul.f32 $2.560000000e+02, v10;
	v29 =	vld [tilespmem:s1+$0x30];
	v18 =	vadd.s32 v1, v18  }
0x2af: {  	v22 =	vtrunc.f32 v22;
	v20 =	vmul.f32 $2.560000000e+02, v20;
	v30 =	vld [tilespmem:s1+$0x40]  }
0x2b0: {  	v23 =	vtrunc.f32 v23;
	v26 =	vmul.f32 $2.560000000e+02, v26;
	v31 =	vld [tilespmem:s1+$0x50]  }
0x2b1: {  	v10 =	vtrunc.f32 v10;
	v27 =	vmul.f32 $2.560000000e+02, v27;
	v32 =	vld [tilespmem:s1+$0x60]  }
0x2b2: {  	v20 =	vtrunc.f32 v20;
	v33 =	vld [tilespmem:s1+$0xFFFFFF80];
	v28 =	vmul.f32 $2.560000000e+02, v28  }
0x2b3: {  	v26 =	vtrunc.f32 v26;
	v29 =	vmul.f32 $2.560000000e+02, v29;
	[tilespmem:v18+s24+$0x0] =	vst.idx.add.s32.msk $0xffff, v2  }
0x2b4: {  	v18 =	vtrunc.f32 v27;
	v27 =	vmul.f32 $2.560000000e+02, v30;
	[tilespmem:v4+s24+$0x0] =	vst.idx.add.s32.msk $0xffff, v2  }
0x2b5: {  	v28 =	vtrunc.f32 v28;
	v4 =	vmul.f32 $2.560000000e+02, v31;
	[tilespmem:v3+s24+$0x0] =	vst.idx.add.s32.msk $0xffff, v2  }
0x2b6: {  	v29 =	vtrunc.f32 v29;
	v3 =	vmul.f32 $2.560000000e+02, v32;
	[tilespmem:v5+s24+$0x0] =	vst.idx.add.s32.msk $0xffff, v2  }
0x2b7: {  	v27 =	vtrunc.f32 v27;
	v5 =	vmul.f32 $2.560000000e+02, v33;
	[tilespmem:v6+s24+$0x0] =	vst.idx.add.s32.msk $0xffff, v2  }
0x2b8: {  	v30 =	vtrunc.f32 v4;
	v31 =	vtrunc.f32 v3;
	[tilespmem:v7+s24+$0x0] =	vst.idx.add.s32.msk $0xffff, v2  }
0x2b9: {  	v4 =	vcvt.f32.s32 v8;
	v3 =	vtrunc.f32 v5;
	[tilespmem:v12+s24+$0x0] =	vst.idx.add.s32.msk $0xffff, v2  }
0x2ba: {  	v6 =	vcvt.f32.s32 v9;
	v5 =	vcvt.f32.s32 v3;
	[tilespmem:v17+s24+$0x0] =	vst.idx.add.s32.msk $0xffff, v2  }
0x2bb: {  	v8 =	vcvt.f32.s32 v22;
	v7 =	vcvt.f32.s32 v21;
	v3 =	vmin.u32 v4, $0xFF;
	[tilespmem:v15+s24+$0x0] =	vst.idx.add.s32.msk $0xffff, v2  }
0x2bc: {  	v9 =	vcvt.f32.s32 v23;
	v15 =	vcvt.f32.s32 v10;
	v4 =	vmin.u32 v5, $0xFF;
	[tilespmem:v13+s24+$0x0] =	vst.idx.add.s32.msk $0xffff, v2  }
0x2bd: {  	v5 =	vmin.u32 v6, $0xFF;
	v13 =	vcvt.f32.s32 v20;
	v20 =	vcvt.f32.s32 v26;
	[tilespmem:v16+s24+$0x0] =	vst.idx.add.s32.msk $0xffff, v2  }
.Ltmp7:
0x2be: {  	v6 =	vmin.u32 v7, $0xFF;
	v16 =	vcvt.f32.s32 v18;
	v18 =	vcvt.f32.s32 v28;
	[tilespmem:v14+s24+$0x0] =	vst.idx.add.s32.msk $0xffff, v2;
	(pc) =	sbr.rel @p0 .LBB2_16-.Ltmp7, $4  }
0x2bf: {  	v21 =	vcvt.f32.s32 v29;
	v7 =	vmin.u32 v8, $0xFF;
	v8 =	vcvt.f32.s32 v27;
	[tilespmem:v11+s24+$0x0] =	vst.idx.add.s32.msk $0xffff, v2  }
0x2c0: {  	v12 =	vmin.u32 v9, $0xFF;
	v9 =	vcvt.f32.s32 v31;
	v10 =	vcvt.f32.s32 v30;
	[tilespmem:v24+s24+$0x0] =	vst.idx.add.s32.msk $0xffff, v2  }
0x2c1: {  	v17 =	vmin.u32 v15, $0xFF;
	v15 =	vmin.u32 v13, $0xFF;
	v13 =	vmin.u32 v20, $0xFF;
	[tilespmem:v25+s24+$0x0] =	vst.idx.add.s32.msk $0xffff, v2  }
0x2c2: {  	s1 =	sadd.s32 $0x100, s1;
	v16 =	vmin.u32 v16, $0xFF;
	v14 =	vmin.u32 v18, $0xFF;
	v11 =	vmin.u32 v21, $0xFF;
	[tilespmem:v19+s24+$0x0] =	vst.idx.add.s32.msk $0xffff, v2  }
0x2c3: {  	v4 =	vadd.s32 v1, v4  }
0x2c4: {  	v3 =	vadd.s32 v1, v3  }
0x2c5: {  	v5 =	vadd.s32 v1, v5  }
0x2c6: {  	v6 =	vadd.s32 v1, v6  }
0x2c7: {  	v7 =	vadd.s32 v1, v7  }
0x2c8: {  	v12 =	vadd.s32 v1, v12;
	[tilespmem:v4+s24+$0x0] =	vst.idx.add.s32.msk $0xffff, v2  }
0x2c9: {  	v11 =	vadd.s32 v1, v11;
	[tilespmem:v3+s24+$0x0] =	vst.idx.add.s32.msk $0xffff, v2  }
0x2ca: {  	v4 =	vadd.s32 v1, v17;
	[tilespmem:v5+s24+$0x0] =	vst.idx.add.s32.msk $0xffff, v2  }
0x2cb: {  	v8 =	vmin.u32 v8, $0xFF;
	v3 =	vadd.s32 v1, v15;
	[tilespmem:v6+s24+$0x0] =	vst.idx.add.s32.msk $0xffff, v2  }
0x2cc: {  	v8 =	vadd.s32 v1, v8;
	[tilespmem:v7+s24+$0x0] =	vst.idx.add.s32.msk $0xffff, v2  }
0x2cd: {  	v5 =	vadd.s32 v1, v13;
	[tilespmem:v12+s24+$0x0] =	vst.idx.add.s32.msk $0xffff, v2  }
0x2ce: {  	v6 =	vadd.s32 v1, v16;
	[tilespmem:v11+s24+$0x0] =	vst.idx.add.s32.msk $0xffff, v2  }
0x2cf: {  	v7 =	vadd.s32 v1, v14;
	[tilespmem:v4+s24+$0x0] =	vst.idx.add.s32.msk $0xffff, v2;
	v4 =	vmin.u32 v10, $0xFF  }
0x2d0: {  	[tilespmem:v3+s24+$0x0] =	vst.idx.add.s32.msk $0xffff, v2;
	v3 =	vmin.u32 v9, $0xFF;
	v4 =	vadd.s32 v1, v4  }
0x2d1: {  	[tilespmem:v8+s24+$0x0] =	vst.idx.add.s32.msk $0xffff, v2;
	v3 =	vadd.s32 v1, v3  }
0x2d2: {  	[tilespmem:v5+s24+$0x0] =	vst.idx.add.s32.msk $0xffff, v2  }
0x2d3: {  	[tilespmem:v6+s24+$0x0] =	vst.idx.add.s32.msk $0xffff, v2  }
0x2d4: {  	[tilespmem:v7+s24+$0x0] =	vst.idx.add.s32.msk $0xffff, v2  }
0x2d5: {  	[tilespmem:v4+s24+$0x0] =	vst.idx.add.s32.msk $0xffff, v2  }
0x2d6: {  	[tilespmem:v3+s24+$0x0] =	vst.idx.add.s32.msk $0xffff, v2  }
0x2d7: {  	_ =	swait.ge [sflag:s25], $0x8000  }
0x2d8: {  	[sflag:s25] =	ssyncset.done $0x0  }
0x2d9: {  	s0 =	simm.s32 $0x8080;
	[sflag:s25] =	ssyncadd.s32 $0xFFFF8000  }
0x2da: {  	[tilespmem:s2], [sflag:$0x1] =	stream.linear.gather [hbm4b:s11+s2], $0x8000, $0x38;
	[tilespmem:$0x12400] =	vst v63  }
0x2db: {  	v3 =	vld [tilespmem:s0+$0x70]  }
0x2dc: {  	v4 =	vld [tilespmem:s0+$0xFFFFFF90]  }
0x2dd: {  	v5 =	vld [tilespmem:s0+$0xFFFFFFA0]  }
0x2de: {  	v6 =	vld [tilespmem:s0+$0xFFFFFFB0]  }
0x2df: {  	v7 =	vld [tilespmem:s0+$0xFFFFFFC0]  }
0x2e0: {  	v8 =	vld [tilespmem:s0+$0xFFFFFFD0]  }
0x2e1: {  	v9 =	vld [tilespmem:s0+$0xFFFFFFE0]  }
0x2e2: {  	v10 =	vld [tilespmem:s0+$0xFFFFFFF0]  }
0x2e3: {  	v11 =	vld [tilespmem:s0+$0x0]  }
0x2e4: {  	v12 =	vld [tilespmem:s0+$0x10]  }
0x2e5: {  	v13 =	vld [tilespmem:s0+$0x20]  }
0x2e6: {  	v14 =	vld [tilespmem:s0+$0x30]  }
0x2e7: {  	v15 =	vld [tilespmem:s0+$0x40];
	v3 =	vmul.f32 $2.560000000e+02, v3  }
0x2e8: {  	v16 =	vld [tilespmem:s0+$0x50];
	v4 =	vmul.f32 $2.560000000e+02, v4;
	v5 =	vmul.f32 $2.560000000e+02, v5  }
0x2e9: {  	v17 =	vld [tilespmem:s0+$0x60];
	v6 =	vmul.f32 $2.560000000e+02, v6;
	v7 =	vmul.f32 $2.560000000e+02, v7  }
0x2ea: {  	v18 =	vld [tilespmem:s0+$0xFFFFFF80];
	v8 =	vmul.f32 $2.560000000e+02, v8;
	v9 =	vmul.f32 $2.560000000e+02, v9  }
0x2eb: {  	v10 =	vmul.f32 $2.560000000e+02, v10;
	v11 =	vmul.f32 $2.560000000e+02, v11  }
0x2ec: {  	v12 =	vmul.f32 $2.560000000e+02, v12;
	v13 =	vmul.f32 $2.560000000e+02, v13  }
0x2ed: {  	v14 =	vmul.f32 $2.560000000e+02, v14;
	v15 =	vmul.f32 $2.560000000e+02, v15  }
0x2ee: {  	v16 =	vmul.f32 $2.560000000e+02, v16;
	v17 =	vmul.f32 $2.560000000e+02, v17  }
0x2ef: {  	v18 =	vmul.f32 $2.560000000e+02, v18;
	v3 =	vtrunc.f32 v3  }
0x2f0: {  	v4 =	vtrunc.f32 v4;
	v5 =	vtrunc.f32 v5  }
0x2f1: {  	v6 =	vtrunc.f32 v6;
	v7 =	vtrunc.f32 v7  }
0x2f2: {  	v8 =	vtrunc.f32 v8;
	v9 =	vtrunc.f32 v9  }
0x2f3: {  	v10 =	vtrunc.f32 v10;
	v11 =	vtrunc.f32 v11  }
0x2f4: {  	v12 =	vtrunc.f32 v12;
	v13 =	vtrunc.f32 v13  }
0x2f5: {  	v14 =	vtrunc.f32 v14;
	v15 =	vtrunc.f32 v15  }
0x2f6: {  	v16 =	vtrunc.f32 v16;
	v17 =	vtrunc.f32 v17  }
0x2f7: {  	v18 =	vtrunc.f32 v18;
	v3 =	vcvt.f32.s32 v3  }
0x2f8: {  	v4 =	vcvt.f32.s32 v4;
	v18 =	vcvt.f32.s32 v18  }
0x2f9: {  	v5 =	vcvt.f32.s32 v5;
	v6 =	vcvt.f32.s32 v6  }
0x2fa: {  	v7 =	vcvt.f32.s32 v7;
	v20 =	vcvt.f32.s32 v9  }
0x2fb: {  	v21 =	vcvt.f32.s32 v10;
	v11 =	vcvt.f32.s32 v11  }
0x2fc: {  	v22 =	vcvt.f32.s32 v12;
	v23 =	vcvt.f32.s32 v13;
	v3 =	vmin.u32 v3, $0xFF  }
0x2fd: {  	v24 =	vcvt.f32.s32 v14;
	v10 =	vcvt.f32.s32 v16;
	v19 =	vadd.s32 v1, v3  }
0x2fe: {  	v9 =	vcvt.f32.s32 v17;
	v5 =	vmin.u32 v5, $0xFF;
	v6 =	vmin.u32 v6, $0xFF  }
0x2ff: {  	v7 =	vmin.u32 v7, $0xFF;
	v17 =	vmin.u32 v20, $0xFF;
	v13 =	vmin.u32 v11, $0xFF  }
0x300: {  	v3 =	vmin.u32 v4, $0xFF;
	v4 =	vmin.u32 v18, $0xFF;
	v18 =	vcvt.f32.s32 v8  }
0x301: {  	v16 =	vmin.u32 v22, $0xFF;
	v14 =	vmin.u32 v23, $0xFF;
	v8 =	vcvt.f32.s32 v15  }
0x302: {  	s1 =	simm.s32 $0x8180;
	s0 =	simm.s32 $0x0;
	v11 =	vmin.u32 v24, $0xFF;
	v15 =	vmin.u32 v21, $0xFF;
	v12 =	vmin.u32 v18, $0xFF;
	[tilespmem:v19+s24+$0x0] =	vst.idx.add.s32.msk $0xffff, v2  }
.LBB2_18:
0x303: {  	v18 =	vld [tilespmem:s1+$0x70];
	s0 =	sadd.s32 $0x10, s0;
	v8 =	vmin.u32 v8, $0xFF;
	v10 =	vmin.u32 v10, $0xFF;
	v9 =	vmin.u32 v9, $0xFF  }
0x304: {  	v4 =	vadd.s32 v1, v4;
	v3 =	vadd.s32 v1, v3;
	v5 =	vadd.s32 v1, v5;
	v19 =	vld [tilespmem:s1+$0xFFFFFF90];
	p0 =	slt.u32 s0, $0x7F0  }
0x305: {  	v6 =	vadd.s32 v1, v6;
	v7 =	vadd.s32 v1, v7;
	v12 =	vadd.s32 v1, v12;
	v20 =	vld [tilespmem:s1+$0xFFFFFFA0]  }
0x306: {  	v17 =	vadd.s32 v1, v17;
	v15 =	vadd.s32 v1, v15;
	v13 =	vadd.s32 v1, v13;
	v21 =	vld [tilespmem:s1+$0xFFFFFFB0]  }
0x307: {  	v16 =	vadd.s32 v1, v16;
	v14 =	vadd.s32 v1, v14;
	v11 =	vadd.s32 v1, v11;
	v22 =	vld [tilespmem:s1+$0xFFFFFFC0]  }
0x308: {  	v24 =	vadd.s32 v1, v8;
	v25 =	vadd.s32 v1, v10;
	v23 =	vld [tilespmem:s1+$0xFFFFFFD0];
	v18 =	vmul.f32 $2.560000000e+02, v18  }
0x309: {  	v8 =	vmul.f32 $2.560000000e+02, v19;
	v10 =	vld [tilespmem:s1+$0xFFFFFFE0];
	v19 =	vadd.s32 v1, v9  }
0x30a: {  	v9 =	vmul.f32 $2.560000000e+02, v20;
	v20 =	vld [tilespmem:s1+$0xFFFFFFF0];
	v18 =	vtrunc.f32 v18  }
0x30b: {  	v21 =	vmul.f32 $2.560000000e+02, v21;
	v26 =	vld [tilespmem:s1+$0x0];
	v18 =	vcvt.f32.s32 v18  }
0x30c: {  	v8 =	vtrunc.f32 v8;
	v22 =	vmul.f32 $2.560000000e+02, v22;
	v27 =	vld [tilespmem:s1+$0x10]  }
0x30d: {  	v9 =	vtrunc.f32 v9;
	v23 =	vmul.f32 $2.560000000e+02, v23;
	v28 =	vld [tilespmem:s1+$0x20];
	v18 =	vmin.u32 v18, $0xFF  }
0x30e: {  	v21 =	vtrunc.f32 v21;
	v10 =	vmul.f32 $2.560000000e+02, v10;
	v29 =	vld [tilespmem:s1+$0x30];
	v18 =	vadd.s32 v1, v18  }
0x30f: {  	v22 =	vtrunc.f32 v22;
	v20 =	vmul.f32 $2.560000000e+02, v20;
	v30 =	vld [tilespmem:s1+$0x40]  }
0x310: {  	v23 =	vtrunc.f32 v23;
	v26 =	vmul.f32 $2.560000000e+02, v26;
	v31 =	vld [tilespmem:s1+$0x50]  }
0x311: {  	v10 =	vtrunc.f32 v10;
	v27 =	vmul.f32 $2.560000000e+02, v27;
	v32 =	vld [tilespmem:s1+$0x60]  }
0x312: {  	v20 =	vtrunc.f32 v20;
	v33 =	vld [tilespmem:s1+$0xFFFFFF80];
	v28 =	vmul.f32 $2.560000000e+02, v28  }
0x313: {  	v26 =	vtrunc.f32 v26;
	v29 =	vmul.f32 $2.560000000e+02, v29;
	[tilespmem:v18+s24+$0x0] =	vst.idx.add.s32.msk $0xffff, v2  }
0x314: {  	v18 =	vtrunc.f32 v27;
	v27 =	vmul.f32 $2.560000000e+02, v30;
	[tilespmem:v4+s24+$0x0] =	vst.idx.add.s32.msk $0xffff, v2  }
0x315: {  	v28 =	vtrunc.f32 v28;
	v4 =	vmul.f32 $2.560000000e+02, v31;
	[tilespmem:v3+s24+$0x0] =	vst.idx.add.s32.msk $0xffff, v2  }
0x316: {  	v29 =	vtrunc.f32 v29;
	v3 =	vmul.f32 $2.560000000e+02, v32;
	[tilespmem:v5+s24+$0x0] =	vst.idx.add.s32.msk $0xffff, v2  }
0x317: {  	v27 =	vtrunc.f32 v27;
	v5 =	vmul.f32 $2.560000000e+02, v33;
	[tilespmem:v6+s24+$0x0] =	vst.idx.add.s32.msk $0xffff, v2  }
0x318: {  	v30 =	vtrunc.f32 v4;
	v31 =	vtrunc.f32 v3;
	[tilespmem:v7+s24+$0x0] =	vst.idx.add.s32.msk $0xffff, v2  }
0x319: {  	v4 =	vcvt.f32.s32 v8;
	v3 =	vtrunc.f32 v5;
	[tilespmem:v12+s24+$0x0] =	vst.idx.add.s32.msk $0xffff, v2  }
0x31a: {  	v6 =	vcvt.f32.s32 v9;
	v5 =	vcvt.f32.s32 v3;
	[tilespmem:v17+s24+$0x0] =	vst.idx.add.s32.msk $0xffff, v2  }
0x31b: {  	v8 =	vcvt.f32.s32 v22;
	v7 =	vcvt.f32.s32 v21;
	v3 =	vmin.u32 v4, $0xFF;
	[tilespmem:v15+s24+$0x0] =	vst.idx.add.s32.msk $0xffff, v2  }
0x31c: {  	v9 =	vcvt.f32.s32 v23;
	v15 =	vcvt.f32.s32 v10;
	v4 =	vmin.u32 v5, $0xFF;
	[tilespmem:v13+s24+$0x0] =	vst.idx.add.s32.msk $0xffff, v2  }
0x31d: {  	v5 =	vmin.u32 v6, $0xFF;
	v13 =	vcvt.f32.s32 v20;
	v20 =	vcvt.f32.s32 v26;
	[tilespmem:v16+s24+$0x0] =	vst.idx.add.s32.msk $0xffff, v2  }
.Ltmp8:
0x31e: {  	v6 =	vmin.u32 v7, $0xFF;
	v16 =	vcvt.f32.s32 v18;
	v18 =	vcvt.f32.s32 v28;
	[tilespmem:v14+s24+$0x0] =	vst.idx.add.s32.msk $0xffff, v2;
	(pc) =	sbr.rel @p0 .LBB2_18-.Ltmp8, $4  }
0x31f: {  	v21 =	vcvt.f32.s32 v29;
	v7 =	vmin.u32 v8, $0xFF;
	v8 =	vcvt.f32.s32 v27;
	[tilespmem:v11+s24+$0x0] =	vst.idx.add.s32.msk $0xffff, v2  }
0x320: {  	v12 =	vmin.u32 v9, $0xFF;
	v9 =	vcvt.f32.s32 v31;
	v10 =	vcvt.f32.s32 v30;
	[tilespmem:v24+s24+$0x0] =	vst.idx.add.s32.msk $0xffff, v2  }
0x321: {  	v17 =	vmin.u32 v15, $0xFF;
	v15 =	vmin.u32 v13, $0xFF;
	v13 =	vmin.u32 v20, $0xFF;
	[tilespmem:v25+s24+$0x0] =	vst.idx.add.s32.msk $0xffff, v2  }
0x322: {  	s1 =	sadd.s32 $0x100, s1;
	v16 =	vmin.u32 v16, $0xFF;
	v14 =	vmin.u32 v18, $0xFF;
	v11 =	vmin.u32 v21, $0xFF;
	[tilespmem:v19+s24+$0x0] =	vst.idx.add.s32.msk $0xffff, v2  }
0x323: {  	v4 =	vadd.s32 v1, v4  }
0x324: {  	v3 =	vadd.s32 v1, v3  }
0x325: {  	v5 =	vadd.s32 v1, v5  }
0x326: {  	v6 =	vadd.s32 v1, v6  }
0x327: {  	v7 =	vadd.s32 v1, v7  }
0x328: {  	v12 =	vadd.s32 v1, v12;
	[tilespmem:v4+s24+$0x0] =	vst.idx.add.s32.msk $0xffff, v2  }
0x329: {  	v11 =	vadd.s32 v1, v11;
	[tilespmem:v3+s24+$0x0] =	vst.idx.add.s32.msk $0xffff, v2  }
0x32a: {  	v4 =	vadd.s32 v1, v17;
	[tilespmem:v5+s24+$0x0] =	vst.idx.add.s32.msk $0xffff, v2  }
0x32b: {  	v8 =	vmin.u32 v8, $0xFF;
	v3 =	vadd.s32 v1, v15;
	[tilespmem:v6+s24+$0x0] =	vst.idx.add.s32.msk $0xffff, v2  }
0x32c: {  	v8 =	vadd.s32 v1, v8;
	[tilespmem:v7+s24+$0x0] =	vst.idx.add.s32.msk $0xffff, v2  }
0x32d: {  	v5 =	vadd.s32 v1, v13;
	[tilespmem:v12+s24+$0x0] =	vst.idx.add.s32.msk $0xffff, v2  }
0x32e: {  	v6 =	vadd.s32 v1, v16;
	[tilespmem:v11+s24+$0x0] =	vst.idx.add.s32.msk $0xffff, v2  }
0x32f: {  	v7 =	vadd.s32 v1, v14;
	[tilespmem:v4+s24+$0x0] =	vst.idx.add.s32.msk $0xffff, v2;
	v4 =	vmin.u32 v10, $0xFF  }
0x330: {  	[tilespmem:v3+s24+$0x0] =	vst.idx.add.s32.msk $0xffff, v2;
	v3 =	vmin.u32 v9, $0xFF;
	v4 =	vadd.s32 v1, v4  }
0x331: {  	[tilespmem:v8+s24+$0x0] =	vst.idx.add.s32.msk $0xffff, v2;
	v3 =	vadd.s32 v1, v3  }
0x332: {  	[tilespmem:v5+s24+$0x0] =	vst.idx.add.s32.msk $0xffff, v2  }
0x333: {  	[tilespmem:v6+s24+$0x0] =	vst.idx.add.s32.msk $0xffff, v2  }
0x334: {  	[tilespmem:v7+s24+$0x0] =	vst.idx.add.s32.msk $0xffff, v2  }
0x335: {  	[tilespmem:v4+s24+$0x0] =	vst.idx.add.s32.msk $0xffff, v2  }
0x336: {  	[tilespmem:v3+s24+$0x0] =	vst.idx.add.s32.msk $0xffff, v2  }
0x337: {  	_ =	swait.ge [sflag:s22], $0x8000  }
0x338: {  	[sflag:s22] =	ssyncset.done $0x0  }
0x339: {  	s0 =	simm.s32 $0x80;
	[sflag:s22] =	ssyncadd.s32 $0xFFFF8000  }
0x33a: {  	[tilespmem:s23], [sflag:$0x2] =	stream.linear.gather [hbm4b:s12+s2], $0x8000, $0x38;
	[tilespmem:$0x12400] =	vst v63  }
0x33b: {  	v3 =	vld [tilespmem:s0+$0x70]  }
0x33c: {  	v4 =	vld [tilespmem:s0+$0xFFFFFF90]  }
0x33d: {  	v5 =	vld [tilespmem:s0+$0xFFFFFFA0]  }
0x33e: {  	v6 =	vld [tilespmem:s0+$0xFFFFFFB0]  }
0x33f: {  	v7 =	vld [tilespmem:s0+$0xFFFFFFC0]  }
0x340: {  	v8 =	vld [tilespmem:s0+$0xFFFFFFD0]  }
0x341: {  	v9 =	vld [tilespmem:s0+$0xFFFFFFE0]  }
0x342: {  	v10 =	vld [tilespmem:s0+$0xFFFFFFF0]  }
0x343: {  	v11 =	vld [tilespmem:s0+$0x0]  }
0x344: {  	v12 =	vld [tilespmem:s0+$0x10]  }
0x345: {  	v13 =	vld [tilespmem:s0+$0x20]  }
0x346: {  	v14 =	vld [tilespmem:s0+$0x30]  }
0x347: {  	v15 =	vld [tilespmem:s0+$0x40];
	v3 =	vmul.f32 $2.560000000e+02, v3  }
0x348: {  	v16 =	vld [tilespmem:s0+$0x50];
	v4 =	vmul.f32 $2.560000000e+02, v4;
	v5 =	vmul.f32 $2.560000000e+02, v5  }
0x349: {  	v17 =	vld [tilespmem:s0+$0x60];
	v6 =	vmul.f32 $2.560000000e+02, v6;
	v7 =	vmul.f32 $2.560000000e+02, v7  }
0x34a: {  	v18 =	vld [tilespmem:s0+$0xFFFFFF80];
	v8 =	vmul.f32 $2.560000000e+02, v8;
	v9 =	vmul.f32 $2.560000000e+02, v9  }
0x34b: {  	v10 =	vmul.f32 $2.560000000e+02, v10;
	v11 =	vmul.f32 $2.560000000e+02, v11  }
0x34c: {  	v12 =	vmul.f32 $2.560000000e+02, v12;
	v13 =	vmul.f32 $2.560000000e+02, v13  }
0x34d: {  	v14 =	vmul.f32 $2.560000000e+02, v14;
	v15 =	vmul.f32 $2.560000000e+02, v15  }
0x34e: {  	v16 =	vmul.f32 $2.560000000e+02, v16;
	v17 =	vmul.f32 $2.560000000e+02, v17  }
0x34f: {  	v18 =	vmul.f32 $2.560000000e+02, v18;
	v3 =	vtrunc.f32 v3  }
0x350: {  	v4 =	vtrunc.f32 v4;
	v5 =	vtrunc.f32 v5  }
0x351: {  	v6 =	vtrunc.f32 v6;
	v7 =	vtrunc.f32 v7  }
0x352: {  	v8 =	vtrunc.f32 v8;
	v9 =	vtrunc.f32 v9  }
0x353: {  	v10 =	vtrunc.f32 v10;
	v11 =	vtrunc.f32 v11  }
0x354: {  	v12 =	vtrunc.f32 v12;
	v13 =	vtrunc.f32 v13  }
0x355: {  	v14 =	vtrunc.f32 v14;
	v15 =	vtrunc.f32 v15  }
0x356: {  	v16 =	vtrunc.f32 v16;
	v17 =	vtrunc.f32 v17  }
0x357: {  	v18 =	vtrunc.f32 v18;
	v3 =	vcvt.f32.s32 v3  }
0x358: {  	v4 =	vcvt.f32.s32 v4;
	v18 =	vcvt.f32.s32 v18  }
0x359: {  	v5 =	vcvt.f32.s32 v5;
	v6 =	vcvt.f32.s32 v6  }
0x35a: {  	v7 =	vcvt.f32.s32 v7;
	v20 =	vcvt.f32.s32 v9  }
0x35b: {  	v21 =	vcvt.f32.s32 v10;
	v11 =	vcvt.f32.s32 v11  }
0x35c: {  	v22 =	vcvt.f32.s32 v12;
	v23 =	vcvt.f32.s32 v13;
	v3 =	vmin.u32 v3, $0xFF  }
0x35d: {  	v24 =	vcvt.f32.s32 v14;
	v10 =	vcvt.f32.s32 v16;
	v19 =	vadd.s32 v1, v3  }
0x35e: {  	v9 =	vcvt.f32.s32 v17;
	v5 =	vmin.u32 v5, $0xFF;
	v6 =	vmin.u32 v6, $0xFF  }
0x35f: {  	v7 =	vmin.u32 v7, $0xFF;
	v17 =	vmin.u32 v20, $0xFF;
	v13 =	vmin.u32 v11, $0xFF  }
0x360: {  	v3 =	vmin.u32 v4, $0xFF;
	v4 =	vmin.u32 v18, $0xFF;
	v18 =	vcvt.f32.s32 v8  }
0x361: {  	v16 =	vmin.u32 v22, $0xFF;
	v14 =	vmin.u32 v23, $0xFF;
	v8 =	vcvt.f32.s32 v15  }
0x362: {  	s1 =	simm.s32 $0x180;
	s0 =	simm.s32 $0x0;
	v11 =	vmin.u32 v24, $0xFF;
	v15 =	vmin.u32 v21, $0xFF;
	v12 =	vmin.u32 v18, $0xFF;
	[tilespmem:v19+s26+$0x0] =	vst.idx.add.s32.msk $0xffff, v2  }
.LBB2_20:
0x363: {  	v18 =	vld [tilespmem:s1+$0x70];
	s0 =	sadd.s32 $0x10, s0;
	v8 =	vmin.u32 v8, $0xFF;
	v10 =	vmin.u32 v10, $0xFF;
	v9 =	vmin.u32 v9, $0xFF  }
0x364: {  	v4 =	vadd.s32 v1, v4;
	v3 =	vadd.s32 v1, v3;
	v5 =	vadd.s32 v1, v5;
	v19 =	vld [tilespmem:s1+$0xFFFFFF90];
	p0 =	slt.u32 s0, $0x7F0  }
0x365: {  	v6 =	vadd.s32 v1, v6;
	v7 =	vadd.s32 v1, v7;
	v12 =	vadd.s32 v1, v12;
	v20 =	vld [tilespmem:s1+$0xFFFFFFA0]  }
0x366: {  	v17 =	vadd.s32 v1, v17;
	v15 =	vadd.s32 v1, v15;
	v13 =	vadd.s32 v1, v13;
	v21 =	vld [tilespmem:s1+$0xFFFFFFB0]  }
0x367: {  	v16 =	vadd.s32 v1, v16;
	v14 =	vadd.s32 v1, v14;
	v11 =	vadd.s32 v1, v11;
	v22 =	vld [tilespmem:s1+$0xFFFFFFC0]  }
0x368: {  	v24 =	vadd.s32 v1, v8;
	v25 =	vadd.s32 v1, v10;
	v23 =	vld [tilespmem:s1+$0xFFFFFFD0];
	v18 =	vmul.f32 $2.560000000e+02, v18  }
0x369: {  	v8 =	vmul.f32 $2.560000000e+02, v19;
	v10 =	vld [tilespmem:s1+$0xFFFFFFE0];
	v19 =	vadd.s32 v1, v9  }
0x36a: {  	v9 =	vmul.f32 $2.560000000e+02, v20;
	v20 =	vld [tilespmem:s1+$0xFFFFFFF0];
	v18 =	vtrunc.f32 v18  }
0x36b: {  	v21 =	vmul.f32 $2.560000000e+02, v21;
	v26 =	vld [tilespmem:s1+$0x0];
	v18 =	vcvt.f32.s32 v18  }
0x36c: {  	v8 =	vtrunc.f32 v8;
	v22 =	vmul.f32 $2.560000000e+02, v22;
	v27 =	vld [tilespmem:s1+$0x10]  }
0x36d: {  	v9 =	vtrunc.f32 v9;
	v23 =	vmul.f32 $2.560000000e+02, v23;
	v28 =	vld [tilespmem:s1+$0x20];
	v18 =	vmin.u32 v18, $0xFF  }
0x36e: {  	v21 =	vtrunc.f32 v21;
	v10 =	vmul.f32 $2.560000000e+02, v10;
	v29 =	vld [tilespmem:s1+$0x30];
	v18 =	vadd.s32 v1, v18  }
0x36f: {  	v22 =	vtrunc.f32 v22;
	v20 =	vmul.f32 $2.560000000e+02, v20;
	v30 =	vld [tilespmem:s1+$0x40]  }
0x370: {  	v23 =	vtrunc.f32 v23;
	v26 =	vmul.f32 $2.560000000e+02, v26;
	v31 =	vld [tilespmem:s1+$0x50]  }
0x371: {  	v10 =	vtrunc.f32 v10;
	v27 =	vmul.f32 $2.560000000e+02, v27;
	v32 =	vld [tilespmem:s1+$0x60]  }
0x372: {  	v20 =	vtrunc.f32 v20;
	v33 =	vld [tilespmem:s1+$0xFFFFFF80];
	v28 =	vmul.f32 $2.560000000e+02, v28  }
0x373: {  	v26 =	vtrunc.f32 v26;
	v29 =	vmul.f32 $2.560000000e+02, v29;
	[tilespmem:v18+s26+$0x0] =	vst.idx.add.s32.msk $0xffff, v2  }
0x374: {  	v18 =	vtrunc.f32 v27;
	v27 =	vmul.f32 $2.560000000e+02, v30;
	[tilespmem:v4+s26+$0x0] =	vst.idx.add.s32.msk $0xffff, v2  }
0x375: {  	v28 =	vtrunc.f32 v28;
	v4 =	vmul.f32 $2.560000000e+02, v31;
	[tilespmem:v3+s26+$0x0] =	vst.idx.add.s32.msk $0xffff, v2  }
0x376: {  	v29 =	vtrunc.f32 v29;
	v3 =	vmul.f32 $2.560000000e+02, v32;
	[tilespmem:v5+s26+$0x0] =	vst.idx.add.s32.msk $0xffff, v2  }
0x377: {  	v27 =	vtrunc.f32 v27;
	v5 =	vmul.f32 $2.560000000e+02, v33;
	[tilespmem:v6+s26+$0x0] =	vst.idx.add.s32.msk $0xffff, v2  }
0x378: {  	v30 =	vtrunc.f32 v4;
	v31 =	vtrunc.f32 v3;
	[tilespmem:v7+s26+$0x0] =	vst.idx.add.s32.msk $0xffff, v2  }
0x379: {  	v4 =	vcvt.f32.s32 v8;
	v3 =	vtrunc.f32 v5;
	[tilespmem:v12+s26+$0x0] =	vst.idx.add.s32.msk $0xffff, v2  }
0x37a: {  	v6 =	vcvt.f32.s32 v9;
	v5 =	vcvt.f32.s32 v3;
	[tilespmem:v17+s26+$0x0] =	vst.idx.add.s32.msk $0xffff, v2  }
0x37b: {  	v8 =	vcvt.f32.s32 v22;
	v7 =	vcvt.f32.s32 v21;
	v3 =	vmin.u32 v4, $0xFF;
	[tilespmem:v15+s26+$0x0] =	vst.idx.add.s32.msk $0xffff, v2  }
0x37c: {  	v9 =	vcvt.f32.s32 v23;
	v15 =	vcvt.f32.s32 v10;
	v4 =	vmin.u32 v5, $0xFF;
	[tilespmem:v13+s26+$0x0] =	vst.idx.add.s32.msk $0xffff, v2  }
0x37d: {  	v5 =	vmin.u32 v6, $0xFF;
	v13 =	vcvt.f32.s32 v20;
	v20 =	vcvt.f32.s32 v26;
	[tilespmem:v16+s26+$0x0] =	vst.idx.add.s32.msk $0xffff, v2  }
.Ltmp9:
0x37e: {  	v6 =	vmin.u32 v7, $0xFF;
	v16 =	vcvt.f32.s32 v18;
	v18 =	vcvt.f32.s32 v28;
	[tilespmem:v14+s26+$0x0] =	vst.idx.add.s32.msk $0xffff, v2;
	(pc) =	sbr.rel @p0 .LBB2_20-.Ltmp9, $4  }
0x37f: {  	v21 =	vcvt.f32.s32 v29;
	v7 =	vmin.u32 v8, $0xFF;
	v8 =	vcvt.f32.s32 v27;
	[tilespmem:v11+s26+$0x0] =	vst.idx.add.s32.msk $0xffff, v2  }
0x380: {  	v12 =	vmin.u32 v9, $0xFF;
	v9 =	vcvt.f32.s32 v31;
	v10 =	vcvt.f32.s32 v30;
	[tilespmem:v24+s26+$0x0] =	vst.idx.add.s32.msk $0xffff, v2  }
0x381: {  	v17 =	vmin.u32 v15, $0xFF;
	v15 =	vmin.u32 v13, $0xFF;
	v13 =	vmin.u32 v20, $0xFF;
	[tilespmem:v25+s26+$0x0] =	vst.idx.add.s32.msk $0xffff, v2  }
0x382: {  	s1 =	sadd.s32 $0x100, s1;
	v16 =	vmin.u32 v16, $0xFF;
	v14 =	vmin.u32 v18, $0xFF;
	v11 =	vmin.u32 v21, $0xFF;
	[tilespmem:v19+s26+$0x0] =	vst.idx.add.s32.msk $0xffff, v2  }
0x383: {  	v4 =	vadd.s32 v1, v4  }
0x384: {  	v3 =	vadd.s32 v1, v3  }
0x385: {  	v5 =	vadd.s32 v1, v5  }
0x386: {  	v6 =	vadd.s32 v1, v6  }
0x387: {  	v7 =	vadd.s32 v1, v7  }
0x388: {  	v12 =	vadd.s32 v1, v12;
	[tilespmem:v4+s26+$0x0] =	vst.idx.add.s32.msk $0xffff, v2  }
0x389: {  	v11 =	vadd.s32 v1, v11;
	[tilespmem:v3+s26+$0x0] =	vst.idx.add.s32.msk $0xffff, v2  }
0x38a: {  	v4 =	vadd.s32 v1, v17;
	[tilespmem:v5+s26+$0x0] =	vst.idx.add.s32.msk $0xffff, v2  }
0x38b: {  	v8 =	vmin.u32 v8, $0xFF;
	v3 =	vadd.s32 v1, v15;
	[tilespmem:v6+s26+$0x0] =	vst.idx.add.s32.msk $0xffff, v2  }
0x38c: {  	v8 =	vadd.s32 v1, v8;
	[tilespmem:v7+s26+$0x0] =	vst.idx.add.s32.msk $0xffff, v2  }
0x38d: {  	v5 =	vadd.s32 v1, v13;
	[tilespmem:v12+s26+$0x0] =	vst.idx.add.s32.msk $0xffff, v2  }
0x38e: {  	v6 =	vadd.s32 v1, v16;
	[tilespmem:v11+s26+$0x0] =	vst.idx.add.s32.msk $0xffff, v2  }
0x38f: {  	v7 =	vadd.s32 v1, v14;
	[tilespmem:v4+s26+$0x0] =	vst.idx.add.s32.msk $0xffff, v2;
	v4 =	vmin.u32 v10, $0xFF  }
0x390: {  	[tilespmem:v3+s26+$0x0] =	vst.idx.add.s32.msk $0xffff, v2;
	v3 =	vmin.u32 v9, $0xFF;
	v4 =	vadd.s32 v1, v4  }
0x391: {  	[tilespmem:v8+s26+$0x0] =	vst.idx.add.s32.msk $0xffff, v2;
	v3 =	vadd.s32 v1, v3  }
0x392: {  	[tilespmem:v5+s26+$0x0] =	vst.idx.add.s32.msk $0xffff, v2  }
0x393: {  	[tilespmem:v6+s26+$0x0] =	vst.idx.add.s32.msk $0xffff, v2  }
0x394: {  	[tilespmem:v7+s26+$0x0] =	vst.idx.add.s32.msk $0xffff, v2  }
0x395: {  	[tilespmem:v4+s26+$0x0] =	vst.idx.add.s32.msk $0xffff, v2  }
0x396: {  	[tilespmem:v3+s26+$0x0] =	vst.idx.add.s32.msk $0xffff, v2  }
0x397: {  	_ =	swait.ge [sflag:s25], $0x8000  }
0x398: {  	[sflag:s25] =	ssyncset.done $0x0  }
0x399: {  	s0 =	simm.s32 $0x8080;
	[sflag:s25] =	ssyncadd.s32 $0xFFFF8000  }
0x39a: {  	[tilespmem:s2], [sflag:$0x1] =	stream.linear.gather [hbm4b:s13+s2], $0x8000, $0x38;
	[tilespmem:$0x12400] =	vst v63  }
0x39b: {  	v3 =	vld [tilespmem:s0+$0x70]  }
0x39c: {  	v4 =	vld [tilespmem:s0+$0xFFFFFF90]  }
0x39d: {  	v5 =	vld [tilespmem:s0+$0xFFFFFFA0]  }
0x39e: {  	v6 =	vld [tilespmem:s0+$0xFFFFFFB0]  }
0x39f: {  	v7 =	vld [tilespmem:s0+$0xFFFFFFC0]  }
0x3a0: {  	v8 =	vld [tilespmem:s0+$0xFFFFFFD0]  }
0x3a1: {  	v9 =	vld [tilespmem:s0+$0xFFFFFFE0]  }
0x3a2: {  	v10 =	vld [tilespmem:s0+$0xFFFFFFF0]  }
0x3a3: {  	v11 =	vld [tilespmem:s0+$0x0]  }
0x3a4: {  	v12 =	vld [tilespmem:s0+$0x10]  }
0x3a5: {  	v13 =	vld [tilespmem:s0+$0x20]  }
0x3a6: {  	v14 =	vld [tilespmem:s0+$0x30]  }
0x3a7: {  	v15 =	vld [tilespmem:s0+$0x40];
	v3 =	vmul.f32 $2.560000000e+02, v3  }
0x3a8: {  	v16 =	vld [tilespmem:s0+$0x50];
	v4 =	vmul.f32 $2.560000000e+02, v4;
	v5 =	vmul.f32 $2.560000000e+02, v5  }
0x3a9: {  	v17 =	vld [tilespmem:s0+$0x60];
	v6 =	vmul.f32 $2.560000000e+02, v6;
	v7 =	vmul.f32 $2.560000000e+02, v7  }
0x3aa: {  	v18 =	vld [tilespmem:s0+$0xFFFFFF80];
	v8 =	vmul.f32 $2.560000000e+02, v8;
	v9 =	vmul.f32 $2.560000000e+02, v9  }
0x3ab: {  	v10 =	vmul.f32 $2.560000000e+02, v10;
	v11 =	vmul.f32 $2.560000000e+02, v11  }
0x3ac: {  	v12 =	vmul.f32 $2.560000000e+02, v12;
	v13 =	vmul.f32 $2.560000000e+02, v13  }
0x3ad: {  	v14 =	vmul.f32 $2.560000000e+02, v14;
	v15 =	vmul.f32 $2.560000000e+02, v15  }
0x3ae: {  	v16 =	vmul.f32 $2.560000000e+02, v16;
	v17 =	vmul.f32 $2.560000000e+02, v17  }
0x3af: {  	v18 =	vmul.f32 $2.560000000e+02, v18;
	v3 =	vtrunc.f32 v3  }
0x3b0: {  	v4 =	vtrunc.f32 v4;
	v5 =	vtrunc.f32 v5  }
0x3b1: {  	v6 =	vtrunc.f32 v6;
	v7 =	vtrunc.f32 v7  }
0x3b2: {  	v8 =	vtrunc.f32 v8;
	v9 =	vtrunc.f32 v9  }
0x3b3: {  	v10 =	vtrunc.f32 v10;
	v11 =	vtrunc.f32 v11  }
0x3b4: {  	v12 =	vtrunc.f32 v12;
	v13 =	vtrunc.f32 v13  }
0x3b5: {  	v14 =	vtrunc.f32 v14;
	v15 =	vtrunc.f32 v15  }
0x3b6: {  	v16 =	vtrunc.f32 v16;
	v17 =	vtrunc.f32 v17  }
0x3b7: {  	v18 =	vtrunc.f32 v18;
	v3 =	vcvt.f32.s32 v3  }
0x3b8: {  	v4 =	vcvt.f32.s32 v4;
	v18 =	vcvt.f32.s32 v18  }
0x3b9: {  	v5 =	vcvt.f32.s32 v5;
	v6 =	vcvt.f32.s32 v6  }
0x3ba: {  	v7 =	vcvt.f32.s32 v7;
	v20 =	vcvt.f32.s32 v9  }
0x3bb: {  	v21 =	vcvt.f32.s32 v10;
	v11 =	vcvt.f32.s32 v11  }
0x3bc: {  	v22 =	vcvt.f32.s32 v12;
	v23 =	vcvt.f32.s32 v13;
	v3 =	vmin.u32 v3, $0xFF  }
0x3bd: {  	v24 =	vcvt.f32.s32 v14;
	v10 =	vcvt.f32.s32 v16;
	v19 =	vadd.s32 v1, v3  }
0x3be: {  	v9 =	vcvt.f32.s32 v17;
	v5 =	vmin.u32 v5, $0xFF;
	v6 =	vmin.u32 v6, $0xFF  }
0x3bf: {  	v7 =	vmin.u32 v7, $0xFF;
	v17 =	vmin.u32 v20, $0xFF;
	v13 =	vmin.u32 v11, $0xFF  }
0x3c0: {  	v3 =	vmin.u32 v4, $0xFF;
	v4 =	vmin.u32 v18, $0xFF;
	v18 =	vcvt.f32.s32 v8  }
0x3c1: {  	v16 =	vmin.u32 v22, $0xFF;
	v14 =	vmin.u32 v23, $0xFF;
	v8 =	vcvt.f32.s32 v15  }
0x3c2: {  	s1 =	simm.s32 $0x8180;
	s0 =	simm.s32 $0x0;
	v11 =	vmin.u32 v24, $0xFF;
	v15 =	vmin.u32 v21, $0xFF;
	v12 =	vmin.u32 v18, $0xFF;
	[tilespmem:v19+s26+$0x0] =	vst.idx.add.s32.msk $0xffff, v2  }
.LBB2_22:
0x3c3: {  	v18 =	vld [tilespmem:s1+$0x70];
	s0 =	sadd.s32 $0x10, s0;
	v8 =	vmin.u32 v8, $0xFF;
	v10 =	vmin.u32 v10, $0xFF;
	v9 =	vmin.u32 v9, $0xFF  }
0x3c4: {  	v4 =	vadd.s32 v1, v4;
	v3 =	vadd.s32 v1, v3;
	v5 =	vadd.s32 v1, v5;
	v19 =	vld [tilespmem:s1+$0xFFFFFF90];
	p0 =	slt.u32 s0, $0x7F0  }
0x3c5: {  	v6 =	vadd.s32 v1, v6;
	v7 =	vadd.s32 v1, v7;
	v12 =	vadd.s32 v1, v12;
	v20 =	vld [tilespmem:s1+$0xFFFFFFA0]  }
0x3c6: {  	v17 =	vadd.s32 v1, v17;
	v15 =	vadd.s32 v1, v15;
	v13 =	vadd.s32 v1, v13;
	v21 =	vld [tilespmem:s1+$0xFFFFFFB0]  }
0x3c7: {  	v16 =	vadd.s32 v1, v16;
	v14 =	vadd.s32 v1, v14;
	v11 =	vadd.s32 v1, v11;
	v22 =	vld [tilespmem:s1+$0xFFFFFFC0]  }
0x3c8: {  	v24 =	vadd.s32 v1, v8;
	v25 =	vadd.s32 v1, v10;
	v23 =	vld [tilespmem:s1+$0xFFFFFFD0];
	v18 =	vmul.f32 $2.560000000e+02, v18  }
0x3c9: {  	v8 =	vmul.f32 $2.560000000e+02, v19;
	v10 =	vld [tilespmem:s1+$0xFFFFFFE0];
	v19 =	vadd.s32 v1, v9  }
0x3ca: {  	v9 =	vmul.f32 $2.560000000e+02, v20;
	v20 =	vld [tilespmem:s1+$0xFFFFFFF0];
	v18 =	vtrunc.f32 v18  }
0x3cb: {  	v21 =	vmul.f32 $2.560000000e+02, v21;
	v26 =	vld [tilespmem:s1+$0x0];
	v18 =	vcvt.f32.s32 v18  }
0x3cc: {  	v8 =	vtrunc.f32 v8;
	v22 =	vmul.f32 $2.560000000e+02, v22;
	v27 =	vld [tilespmem:s1+$0x10]  }
0x3cd: {  	v9 =	vtrunc.f32 v9;
	v23 =	vmul.f32 $2.560000000e+02, v23;
	v28 =	vld [tilespmem:s1+$0x20];
	v18 =	vmin.u32 v18, $0xFF  }
0x3ce: {  	v21 =	vtrunc.f32 v21;
	v10 =	vmul.f32 $2.560000000e+02, v10;
	v29 =	vld [tilespmem:s1+$0x30];
	v18 =	vadd.s32 v1, v18  }
0x3cf: {  	v22 =	vtrunc.f32 v22;
	v20 =	vmul.f32 $2.560000000e+02, v20;
	v30 =	vld [tilespmem:s1+$0x40]  }
0x3d0: {  	v23 =	vtrunc.f32 v23;
	v26 =	vmul.f32 $2.560000000e+02, v26;
	v31 =	vld [tilespmem:s1+$0x50]  }
0x3d1: {  	v10 =	vtrunc.f32 v10;
	v27 =	vmul.f32 $2.560000000e+02, v27;
	v32 =	vld [tilespmem:s1+$0x60]  }
0x3d2: {  	v20 =	vtrunc.f32 v20;
	v33 =	vld [tilespmem:s1+$0xFFFFFF80];
	v28 =	vmul.f32 $2.560000000e+02, v28  }
0x3d3: {  	v26 =	vtrunc.f32 v26;
	v29 =	vmul.f32 $2.560000000e+02, v29;
	[tilespmem:v18+s26+$0x0] =	vst.idx.add.s32.msk $0xffff, v2  }
0x3d4: {  	v18 =	vtrunc.f32 v27;
	v27 =	vmul.f32 $2.560000000e+02, v30;
	[tilespmem:v4+s26+$0x0] =	vst.idx.add.s32.msk $0xffff, v2  }
0x3d5: {  	v28 =	vtrunc.f32 v28;
	v4 =	vmul.f32 $2.560000000e+02, v31;
	[tilespmem:v3+s26+$0x0] =	vst.idx.add.s32.msk $0xffff, v2  }
0x3d6: {  	v29 =	vtrunc.f32 v29;
	v3 =	vmul.f32 $2.560000000e+02, v32;
	[tilespmem:v5+s26+$0x0] =	vst.idx.add.s32.msk $0xffff, v2  }
0x3d7: {  	v27 =	vtrunc.f32 v27;
	v5 =	vmul.f32 $2.560000000e+02, v33;
	[tilespmem:v6+s26+$0x0] =	vst.idx.add.s32.msk $0xffff, v2  }
0x3d8: {  	v30 =	vtrunc.f32 v4;
	v31 =	vtrunc.f32 v3;
	[tilespmem:v7+s26+$0x0] =	vst.idx.add.s32.msk $0xffff, v2  }
0x3d9: {  	v4 =	vcvt.f32.s32 v8;
	v3 =	vtrunc.f32 v5;
	[tilespmem:v12+s26+$0x0] =	vst.idx.add.s32.msk $0xffff, v2  }
0x3da: {  	v6 =	vcvt.f32.s32 v9;
	v5 =	vcvt.f32.s32 v3;
	[tilespmem:v17+s26+$0x0] =	vst.idx.add.s32.msk $0xffff, v2  }
0x3db: {  	v8 =	vcvt.f32.s32 v22;
	v7 =	vcvt.f32.s32 v21;
	v3 =	vmin.u32 v4, $0xFF;
	[tilespmem:v15+s26+$0x0] =	vst.idx.add.s32.msk $0xffff, v2  }
0x3dc: {  	v9 =	vcvt.f32.s32 v23;
	v15 =	vcvt.f32.s32 v10;
	v4 =	vmin.u32 v5, $0xFF;
	[tilespmem:v13+s26+$0x0] =	vst.idx.add.s32.msk $0xffff, v2  }
0x3dd: {  	v5 =	vmin.u32 v6, $0xFF;
	v13 =	vcvt.f32.s32 v20;
	v20 =	vcvt.f32.s32 v26;
	[tilespmem:v16+s26+$0x0] =	vst.idx.add.s32.msk $0xffff, v2  }
.Ltmp10:
0x3de: {  	v6 =	vmin.u32 v7, $0xFF;
	v16 =	vcvt.f32.s32 v18;
	v18 =	vcvt.f32.s32 v28;
	[tilespmem:v14+s26+$0x0] =	vst.idx.add.s32.msk $0xffff, v2;
	(pc) =	sbr.rel @p0 .LBB2_22-.Ltmp10, $4  }
0x3df: {  	v21 =	vcvt.f32.s32 v29;
	v7 =	vmin.u32 v8, $0xFF;
	v8 =	vcvt.f32.s32 v27;
	[tilespmem:v11+s26+$0x0] =	vst.idx.add.s32.msk $0xffff, v2  }
0x3e0: {  	v12 =	vmin.u32 v9, $0xFF;
	v9 =	vcvt.f32.s32 v31;
	v10 =	vcvt.f32.s32 v30;
	[tilespmem:v24+s26+$0x0] =	vst.idx.add.s32.msk $0xffff, v2  }
0x3e1: {  	v17 =	vmin.u32 v15, $0xFF;
	v15 =	vmin.u32 v13, $0xFF;
	v13 =	vmin.u32 v20, $0xFF;
	[tilespmem:v25+s26+$0x0] =	vst.idx.add.s32.msk $0xffff, v2  }
0x3e2: {  	s1 =	sadd.s32 $0x100, s1;
	v16 =	vmin.u32 v16, $0xFF;
	v14 =	vmin.u32 v18, $0xFF;
	v11 =	vmin.u32 v21, $0xFF;
	[tilespmem:v19+s26+$0x0] =	vst.idx.add.s32.msk $0xffff, v2  }
0x3e3: {  	v4 =	vadd.s32 v1, v4  }
0x3e4: {  	v3 =	vadd.s32 v1, v3  }
0x3e5: {  	v5 =	vadd.s32 v1, v5  }
0x3e6: {  	v6 =	vadd.s32 v1, v6  }
0x3e7: {  	v7 =	vadd.s32 v1, v7  }
0x3e8: {  	v12 =	vadd.s32 v1, v12;
	[tilespmem:v4+s26+$0x0] =	vst.idx.add.s32.msk $0xffff, v2  }
0x3e9: {  	v11 =	vadd.s32 v1, v11;
	[tilespmem:v3+s26+$0x0] =	vst.idx.add.s32.msk $0xffff, v2  }
0x3ea: {  	v4 =	vadd.s32 v1, v17;
	[tilespmem:v5+s26+$0x0] =	vst.idx.add.s32.msk $0xffff, v2  }
0x3eb: {  	v8 =	vmin.u32 v8, $0xFF;
	v3 =	vadd.s32 v1, v15;
	[tilespmem:v6+s26+$0x0] =	vst.idx.add.s32.msk $0xffff, v2  }
0x3ec: {  	v8 =	vadd.s32 v1, v8;
	[tilespmem:v7+s26+$0x0] =	vst.idx.add.s32.msk $0xffff, v2  }
0x3ed: {  	v5 =	vadd.s32 v1, v13;
	[tilespmem:v12+s26+$0x0] =	vst.idx.add.s32.msk $0xffff, v2  }
0x3ee: {  	v6 =	vadd.s32 v1, v16;
	[tilespmem:v11+s26+$0x0] =	vst.idx.add.s32.msk $0xffff, v2  }
0x3ef: {  	v7 =	vadd.s32 v1, v14;
	[tilespmem:v4+s26+$0x0] =	vst.idx.add.s32.msk $0xffff, v2;
	v4 =	vmin.u32 v10, $0xFF  }
0x3f0: {  	[tilespmem:v3+s26+$0x0] =	vst.idx.add.s32.msk $0xffff, v2;
	v3 =	vmin.u32 v9, $0xFF;
	v4 =	vadd.s32 v1, v4  }
0x3f1: {  	[tilespmem:v8+s26+$0x0] =	vst.idx.add.s32.msk $0xffff, v2;
	v3 =	vadd.s32 v1, v3  }
0x3f2: {  	[tilespmem:v5+s26+$0x0] =	vst.idx.add.s32.msk $0xffff, v2  }
0x3f3: {  	[tilespmem:v6+s26+$0x0] =	vst.idx.add.s32.msk $0xffff, v2  }
0x3f4: {  	[tilespmem:v7+s26+$0x0] =	vst.idx.add.s32.msk $0xffff, v2  }
0x3f5: {  	[tilespmem:v4+s26+$0x0] =	vst.idx.add.s32.msk $0xffff, v2  }
0x3f6: {  	[tilespmem:v3+s26+$0x0] =	vst.idx.add.s32.msk $0xffff, v2  }
0x3f7: {  	_ =	swait.ge [sflag:s22], $0x8000  }
0x3f8: {  	[sflag:s22] =	ssyncset.done $0x0  }
0x3f9: {  	s0 =	simm.s32 $0x80;
	[sflag:s22] =	ssyncadd.s32 $0xFFFF8000  }
0x3fa: {  	[tilespmem:s23], [sflag:$0x2] =	stream.linear.gather [hbm4b:s14+s2], $0x8000, $0x38;
	[tilespmem:$0x12400] =	vst v63  }
0x3fb: {  	v3 =	vld [tilespmem:s0+$0x70]  }
0x3fc: {  	v4 =	vld [tilespmem:s0+$0xFFFFFF90]  }
0x3fd: {  	v5 =	vld [tilespmem:s0+$0xFFFFFFA0]  }
0x3fe: {  	v6 =	vld [tilespmem:s0+$0xFFFFFFB0]  }
0x3ff: {  	v7 =	vld [tilespmem:s0+$0xFFFFFFC0]  }
0x400: {  	v8 =	vld [tilespmem:s0+$0xFFFFFFD0]  }
0x401: {  	v9 =	vld [tilespmem:s0+$0xFFFFFFE0]  }
0x402: {  	v10 =	vld [tilespmem:s0+$0xFFFFFFF0]  }
0x403: {  	v11 =	vld [tilespmem:s0+$0x0]  }
0x404: {  	v12 =	vld [tilespmem:s0+$0x10]  }
0x405: {  	v13 =	vld [tilespmem:s0+$0x20]  }
0x406: {  	v14 =	vld [tilespmem:s0+$0x30]  }
0x407: {  	v15 =	vld [tilespmem:s0+$0x40];
	v3 =	vmul.f32 $2.560000000e+02, v3  }
0x408: {  	v16 =	vld [tilespmem:s0+$0x50];
	v4 =	vmul.f32 $2.560000000e+02, v4;
	v5 =	vmul.f32 $2.560000000e+02, v5  }
0x409: {  	v17 =	vld [tilespmem:s0+$0x60];
	v6 =	vmul.f32 $2.560000000e+02, v6;
	v7 =	vmul.f32 $2.560000000e+02, v7  }
0x40a: {  	v18 =	vld [tilespmem:s0+$0xFFFFFF80];
	v8 =	vmul.f32 $2.560000000e+02, v8;
	v9 =	vmul.f32 $2.560000000e+02, v9  }
0x40b: {  	v10 =	vmul.f32 $2.560000000e+02, v10;
	v11 =	vmul.f32 $2.560000000e+02, v11  }
0x40c: {  	v12 =	vmul.f32 $2.560000000e+02, v12;
	v13 =	vmul.f32 $2.560000000e+02, v13  }
0x40d: {  	v14 =	vmul.f32 $2.560000000e+02, v14;
	v15 =	vmul.f32 $2.560000000e+02, v15  }
0x40e: {  	v16 =	vmul.f32 $2.560000000e+02, v16;
	v17 =	vmul.f32 $2.560000000e+02, v17  }
0x40f: {  	v18 =	vmul.f32 $2.560000000e+02, v18;
	v3 =	vtrunc.f32 v3  }
0x410: {  	v4 =	vtrunc.f32 v4;
	v5 =	vtrunc.f32 v5  }
0x411: {  	v6 =	vtrunc.f32 v6;
	v7 =	vtrunc.f32 v7  }
0x412: {  	v8 =	vtrunc.f32 v8;
	v9 =	vtrunc.f32 v9  }
0x413: {  	v10 =	vtrunc.f32 v10;
	v11 =	vtrunc.f32 v11  }
0x414: {  	v12 =	vtrunc.f32 v12;
	v13 =	vtrunc.f32 v13  }
0x415: {  	v14 =	vtrunc.f32 v14;
	v15 =	vtrunc.f32 v15  }
0x416: {  	v16 =	vtrunc.f32 v16;
	v17 =	vtrunc.f32 v17  }
0x417: {  	v18 =	vtrunc.f32 v18;
	v3 =	vcvt.f32.s32 v3  }
0x418: {  	v4 =	vcvt.f32.s32 v4;
	v18 =	vcvt.f32.s32 v18  }
0x419: {  	v5 =	vcvt.f32.s32 v5;
	v6 =	vcvt.f32.s32 v6  }
0x41a: {  	v7 =	vcvt.f32.s32 v7;
	v20 =	vcvt.f32.s32 v9  }
0x41b: {  	v21 =	vcvt.f32.s32 v10;
	v11 =	vcvt.f32.s32 v11  }
0x41c: {  	v22 =	vcvt.f32.s32 v12;
	v23 =	vcvt.f32.s32 v13;
	v3 =	vmin.u32 v3, $0xFF  }
0x41d: {  	v24 =	vcvt.f32.s32 v14;
	v10 =	vcvt.f32.s32 v16;
	v19 =	vadd.s32 v1, v3  }
0x41e: {  	v9 =	vcvt.f32.s32 v17;
	v5 =	vmin.u32 v5, $0xFF;
	v6 =	vmin.u32 v6, $0xFF  }
0x41f: {  	v7 =	vmin.u32 v7, $0xFF;
	v17 =	vmin.u32 v20, $0xFF;
	v13 =	vmin.u32 v11, $0xFF  }
0x420: {  	v3 =	vmin.u32 v4, $0xFF;
	v4 =	vmin.u32 v18, $0xFF;
	v18 =	vcvt.f32.s32 v8  }
0x421: {  	v16 =	vmin.u32 v22, $0xFF;
	v14 =	vmin.u32 v23, $0xFF;
	v8 =	vcvt.f32.s32 v15  }
0x422: {  	s1 =	simm.s32 $0x180;
	s0 =	simm.s32 $0x0;
	v11 =	vmin.u32 v24, $0xFF;
	v15 =	vmin.u32 v21, $0xFF;
	v12 =	vmin.u32 v18, $0xFF;
	[tilespmem:v19+s26+$0x0] =	vst.idx.add.s32.msk $0xffff, v2  }
.LBB2_24:
0x423: {  	v18 =	vld [tilespmem:s1+$0x70];
	s0 =	sadd.s32 $0x10, s0;
	v8 =	vmin.u32 v8, $0xFF;
	v10 =	vmin.u32 v10, $0xFF;
	v9 =	vmin.u32 v9, $0xFF  }
0x424: {  	v4 =	vadd.s32 v1, v4;
	v3 =	vadd.s32 v1, v3;
	v5 =	vadd.s32 v1, v5;
	v19 =	vld [tilespmem:s1+$0xFFFFFF90];
	p0 =	slt.u32 s0, $0x7F0  }
0x425: {  	v6 =	vadd.s32 v1, v6;
	v7 =	vadd.s32 v1, v7;
	v12 =	vadd.s32 v1, v12;
	v20 =	vld [tilespmem:s1+$0xFFFFFFA0]  }
0x426: {  	v17 =	vadd.s32 v1, v17;
	v15 =	vadd.s32 v1, v15;
	v13 =	vadd.s32 v1, v13;
	v21 =	vld [tilespmem:s1+$0xFFFFFFB0]  }
0x427: {  	v16 =	vadd.s32 v1, v16;
	v14 =	vadd.s32 v1, v14;
	v11 =	vadd.s32 v1, v11;
	v22 =	vld [tilespmem:s1+$0xFFFFFFC0]  }
0x428: {  	v24 =	vadd.s32 v1, v8;
	v25 =	vadd.s32 v1, v10;
	v23 =	vld [tilespmem:s1+$0xFFFFFFD0];
	v18 =	vmul.f32 $2.560000000e+02, v18  }
0x429: {  	v8 =	vmul.f32 $2.560000000e+02, v19;
	v10 =	vld [tilespmem:s1+$0xFFFFFFE0];
	v19 =	vadd.s32 v1, v9  }
0x42a: {  	v9 =	vmul.f32 $2.560000000e+02, v20;
	v20 =	vld [tilespmem:s1+$0xFFFFFFF0];
	v18 =	vtrunc.f32 v18  }
0x42b: {  	v21 =	vmul.f32 $2.560000000e+02, v21;
	v26 =	vld [tilespmem:s1+$0x0];
	v18 =	vcvt.f32.s32 v18  }
0x42c: {  	v8 =	vtrunc.f32 v8;
	v22 =	vmul.f32 $2.560000000e+02, v22;
	v27 =	vld [tilespmem:s1+$0x10]  }
0x42d: {  	v9 =	vtrunc.f32 v9;
	v23 =	vmul.f32 $2.560000000e+02, v23;
	v28 =	vld [tilespmem:s1+$0x20];
	v18 =	vmin.u32 v18, $0xFF  }
0x42e: {  	v21 =	vtrunc.f32 v21;
	v10 =	vmul.f32 $2.560000000e+02, v10;
	v29 =	vld [tilespmem:s1+$0x30];
	v18 =	vadd.s32 v1, v18  }
0x42f: {  	v22 =	vtrunc.f32 v22;
	v20 =	vmul.f32 $2.560000000e+02, v20;
	v30 =	vld [tilespmem:s1+$0x40]  }
0x430: {  	v23 =	vtrunc.f32 v23;
	v26 =	vmul.f32 $2.560000000e+02, v26;
	v31 =	vld [tilespmem:s1+$0x50]  }
0x431: {  	v10 =	vtrunc.f32 v10;
	v27 =	vmul.f32 $2.560000000e+02, v27;
	v32 =	vld [tilespmem:s1+$0x60]  }
0x432: {  	v20 =	vtrunc.f32 v20;
	v33 =	vld [tilespmem:s1+$0xFFFFFF80];
	v28 =	vmul.f32 $2.560000000e+02, v28  }
0x433: {  	v26 =	vtrunc.f32 v26;
	v29 =	vmul.f32 $2.560000000e+02, v29;
	[tilespmem:v18+s26+$0x0] =	vst.idx.add.s32.msk $0xffff, v2  }
0x434: {  	v18 =	vtrunc.f32 v27;
	v27 =	vmul.f32 $2.560000000e+02, v30;
	[tilespmem:v4+s26+$0x0] =	vst.idx.add.s32.msk $0xffff, v2  }
0x435: {  	v28 =	vtrunc.f32 v28;
	v4 =	vmul.f32 $2.560000000e+02, v31;
	[tilespmem:v3+s26+$0x0] =	vst.idx.add.s32.msk $0xffff, v2  }
0x436: {  	v29 =	vtrunc.f32 v29;
	v3 =	vmul.f32 $2.560000000e+02, v32;
	[tilespmem:v5+s26+$0x0] =	vst.idx.add.s32.msk $0xffff, v2  }
0x437: {  	v27 =	vtrunc.f32 v27;
	v5 =	vmul.f32 $2.560000000e+02, v33;
	[tilespmem:v6+s26+$0x0] =	vst.idx.add.s32.msk $0xffff, v2  }
0x438: {  	v30 =	vtrunc.f32 v4;
	v31 =	vtrunc.f32 v3;
	[tilespmem:v7+s26+$0x0] =	vst.idx.add.s32.msk $0xffff, v2  }
0x439: {  	v4 =	vcvt.f32.s32 v8;
	v3 =	vtrunc.f32 v5;
	[tilespmem:v12+s26+$0x0] =	vst.idx.add.s32.msk $0xffff, v2  }
0x43a: {  	v6 =	vcvt.f32.s32 v9;
	v5 =	vcvt.f32.s32 v3;
	[tilespmem:v17+s26+$0x0] =	vst.idx.add.s32.msk $0xffff, v2  }
0x43b: {  	v8 =	vcvt.f32.s32 v22;
	v7 =	vcvt.f32.s32 v21;
	v3 =	vmin.u32 v4, $0xFF;
	[tilespmem:v15+s26+$0x0] =	vst.idx.add.s32.msk $0xffff, v2  }
0x43c: {  	v9 =	vcvt.f32.s32 v23;
	v15 =	vcvt.f32.s32 v10;
	v4 =	vmin.u32 v5, $0xFF;
	[tilespmem:v13+s26+$0x0] =	vst.idx.add.s32.msk $0xffff, v2  }
0x43d: {  	v5 =	vmin.u32 v6, $0xFF;
	v13 =	vcvt.f32.s32 v20;
	v20 =	vcvt.f32.s32 v26;
	[tilespmem:v16+s26+$0x0] =	vst.idx.add.s32.msk $0xffff, v2  }
.Ltmp11:
0x43e: {  	v6 =	vmin.u32 v7, $0xFF;
	v16 =	vcvt.f32.s32 v18;
	v18 =	vcvt.f32.s32 v28;
	[tilespmem:v14+s26+$0x0] =	vst.idx.add.s32.msk $0xffff, v2;
	(pc) =	sbr.rel @p0 .LBB2_24-.Ltmp11, $4  }
0x43f: {  	v21 =	vcvt.f32.s32 v29;
	v7 =	vmin.u32 v8, $0xFF;
	v8 =	vcvt.f32.s32 v27;
	[tilespmem:v11+s26+$0x0] =	vst.idx.add.s32.msk $0xffff, v2  }
0x440: {  	v12 =	vmin.u32 v9, $0xFF;
	v9 =	vcvt.f32.s32 v31;
	v10 =	vcvt.f32.s32 v30;
	[tilespmem:v24+s26+$0x0] =	vst.idx.add.s32.msk $0xffff, v2  }
0x441: {  	v17 =	vmin.u32 v15, $0xFF;
	v15 =	vmin.u32 v13, $0xFF;
	v13 =	vmin.u32 v20, $0xFF;
	[tilespmem:v25+s26+$0x0] =	vst.idx.add.s32.msk $0xffff, v2  }
0x442: {  	s1 =	sadd.s32 $0x100, s1;
	v16 =	vmin.u32 v16, $0xFF;
	v14 =	vmin.u32 v18, $0xFF;
	v11 =	vmin.u32 v21, $0xFF;
	[tilespmem:v19+s26+$0x0] =	vst.idx.add.s32.msk $0xffff, v2  }
0x443: {  	v4 =	vadd.s32 v1, v4  }
0x444: {  	v3 =	vadd.s32 v1, v3  }
0x445: {  	v5 =	vadd.s32 v1, v5  }
0x446: {  	v6 =	vadd.s32 v1, v6  }
0x447: {  	v7 =	vadd.s32 v1, v7  }
0x448: {  	v12 =	vadd.s32 v1, v12;
	[tilespmem:v4+s26+$0x0] =	vst.idx.add.s32.msk $0xffff, v2  }
0x449: {  	v11 =	vadd.s32 v1, v11;
	[tilespmem:v3+s26+$0x0] =	vst.idx.add.s32.msk $0xffff, v2  }
0x44a: {  	v4 =	vadd.s32 v1, v17;
	[tilespmem:v5+s26+$0x0] =	vst.idx.add.s32.msk $0xffff, v2  }
0x44b: {  	v8 =	vmin.u32 v8, $0xFF;
	v3 =	vadd.s32 v1, v15;
	[tilespmem:v6+s26+$0x0] =	vst.idx.add.s32.msk $0xffff, v2  }
0x44c: {  	v8 =	vadd.s32 v1, v8;
	[tilespmem:v7+s26+$0x0] =	vst.idx.add.s32.msk $0xffff, v2  }
0x44d: {  	v5 =	vadd.s32 v1, v13;
	[tilespmem:v12+s26+$0x0] =	vst.idx.add.s32.msk $0xffff, v2  }
0x44e: {  	v6 =	vadd.s32 v1, v16;
	[tilespmem:v11+s26+$0x0] =	vst.idx.add.s32.msk $0xffff, v2  }
0x44f: {  	v7 =	vadd.s32 v1, v14;
	[tilespmem:v4+s26+$0x0] =	vst.idx.add.s32.msk $0xffff, v2;
	v4 =	vmin.u32 v10, $0xFF  }
0x450: {  	[tilespmem:v3+s26+$0x0] =	vst.idx.add.s32.msk $0xffff, v2;
	v3 =	vmin.u32 v9, $0xFF;
	v4 =	vadd.s32 v1, v4  }
0x451: {  	[tilespmem:v8+s26+$0x0] =	vst.idx.add.s32.msk $0xffff, v2;
	v3 =	vadd.s32 v1, v3  }
0x452: {  	[tilespmem:v5+s26+$0x0] =	vst.idx.add.s32.msk $0xffff, v2  }
0x453: {  	[tilespmem:v6+s26+$0x0] =	vst.idx.add.s32.msk $0xffff, v2  }
0x454: {  	[tilespmem:v7+s26+$0x0] =	vst.idx.add.s32.msk $0xffff, v2  }
0x455: {  	[tilespmem:v4+s26+$0x0] =	vst.idx.add.s32.msk $0xffff, v2  }
0x456: {  	[tilespmem:v3+s26+$0x0] =	vst.idx.add.s32.msk $0xffff, v2  }
0x457: {  	_ =	swait.ge [sflag:s25], $0x8000  }
0x458: {  	[sflag:s25] =	ssyncset.done $0x0  }
0x459: {  	s0 =	simm.s32 $0x8080;
	[sflag:s25] =	ssyncadd.s32 $0xFFFF8000  }
0x45a: {  	[tilespmem:s2], [sflag:$0x1] =	stream.linear.gather [hbm4b:s15+s2], $0x8000, $0x38;
	[tilespmem:$0x12400] =	vst v63  }
0x45b: {  	v3 =	vld [tilespmem:s0+$0x70]  }
0x45c: {  	v4 =	vld [tilespmem:s0+$0xFFFFFF90]  }
0x45d: {  	v5 =	vld [tilespmem:s0+$0xFFFFFFA0]  }
0x45e: {  	v6 =	vld [tilespmem:s0+$0xFFFFFFB0]  }
0x45f: {  	v7 =	vld [tilespmem:s0+$0xFFFFFFC0]  }
0x460: {  	v8 =	vld [tilespmem:s0+$0xFFFFFFD0]  }
0x461: {  	v9 =	vld [tilespmem:s0+$0xFFFFFFE0]  }
0x462: {  	v10 =	vld [tilespmem:s0+$0xFFFFFFF0]  }
0x463: {  	v11 =	vld [tilespmem:s0+$0x0]  }
0x464: {  	v12 =	vld [tilespmem:s0+$0x10]  }
0x465: {  	v13 =	vld [tilespmem:s0+$0x20]  }
0x466: {  	v14 =	vld [tilespmem:s0+$0x30]  }
0x467: {  	v15 =	vld [tilespmem:s0+$0x40];
	v3 =	vmul.f32 $2.560000000e+02, v3  }
0x468: {  	v16 =	vld [tilespmem:s0+$0x50];
	v4 =	vmul.f32 $2.560000000e+02, v4;
	v5 =	vmul.f32 $2.560000000e+02, v5  }
0x469: {  	v17 =	vld [tilespmem:s0+$0x60];
	v6 =	vmul.f32 $2.560000000e+02, v6;
	v7 =	vmul.f32 $2.560000000e+02, v7  }
0x46a: {  	v18 =	vld [tilespmem:s0+$0xFFFFFF80];
	v8 =	vmul.f32 $2.560000000e+02, v8;
	v9 =	vmul.f32 $2.560000000e+02, v9  }
0x46b: {  	v10 =	vmul.f32 $2.560000000e+02, v10;
	v11 =	vmul.f32 $2.560000000e+02, v11  }
0x46c: {  	v12 =	vmul.f32 $2.560000000e+02, v12;
	v13 =	vmul.f32 $2.560000000e+02, v13  }
0x46d: {  	v14 =	vmul.f32 $2.560000000e+02, v14;
	v15 =	vmul.f32 $2.560000000e+02, v15  }
0x46e: {  	v16 =	vmul.f32 $2.560000000e+02, v16;
	v17 =	vmul.f32 $2.560000000e+02, v17  }
0x46f: {  	v18 =	vmul.f32 $2.560000000e+02, v18;
	v3 =	vtrunc.f32 v3  }
0x470: {  	v4 =	vtrunc.f32 v4;
	v5 =	vtrunc.f32 v5  }
0x471: {  	v6 =	vtrunc.f32 v6;
	v7 =	vtrunc.f32 v7  }
0x472: {  	v8 =	vtrunc.f32 v8;
	v9 =	vtrunc.f32 v9  }
0x473: {  	v10 =	vtrunc.f32 v10;
	v11 =	vtrunc.f32 v11  }
0x474: {  	v12 =	vtrunc.f32 v12;
	v13 =	vtrunc.f32 v13  }
0x475: {  	v14 =	vtrunc.f32 v14;
	v15 =	vtrunc.f32 v15  }
0x476: {  	v16 =	vtrunc.f32 v16;
	v17 =	vtrunc.f32 v17  }
0x477: {  	v18 =	vtrunc.f32 v18;
	v3 =	vcvt.f32.s32 v3  }
0x478: {  	v4 =	vcvt.f32.s32 v4;
	v18 =	vcvt.f32.s32 v18  }
0x479: {  	v5 =	vcvt.f32.s32 v5;
	v6 =	vcvt.f32.s32 v6  }
0x47a: {  	v7 =	vcvt.f32.s32 v7;
	v20 =	vcvt.f32.s32 v9  }
0x47b: {  	v21 =	vcvt.f32.s32 v10;
	v11 =	vcvt.f32.s32 v11  }
0x47c: {  	v22 =	vcvt.f32.s32 v12;
	v23 =	vcvt.f32.s32 v13;
	v3 =	vmin.u32 v3, $0xFF  }
0x47d: {  	v24 =	vcvt.f32.s32 v14;
	v10 =	vcvt.f32.s32 v16;
	v19 =	vadd.s32 v1, v3  }
0x47e: {  	v9 =	vcvt.f32.s32 v17;
	v5 =	vmin.u32 v5, $0xFF;
	v6 =	vmin.u32 v6, $0xFF  }
0x47f: {  	v7 =	vmin.u32 v7, $0xFF;
	v17 =	vmin.u32 v20, $0xFF;
	v13 =	vmin.u32 v11, $0xFF  }
0x480: {  	v3 =	vmin.u32 v4, $0xFF;
	v4 =	vmin.u32 v18, $0xFF;
	v18 =	vcvt.f32.s32 v8  }
0x481: {  	v16 =	vmin.u32 v22, $0xFF;
	v14 =	vmin.u32 v23, $0xFF;
	v8 =	vcvt.f32.s32 v15  }
0x482: {  	s1 =	simm.s32 $0x8180;
	s0 =	simm.s32 $0x0;
	v11 =	vmin.u32 v24, $0xFF;
	v15 =	vmin.u32 v21, $0xFF;
	v12 =	vmin.u32 v18, $0xFF;
	[tilespmem:v19+s26+$0x0] =	vst.idx.add.s32.msk $0xffff, v2  }
.LBB2_26:
0x483: {  	v18 =	vld [tilespmem:s1+$0x70];
	s0 =	sadd.s32 $0x10, s0;
	v8 =	vmin.u32 v8, $0xFF;
	v10 =	vmin.u32 v10, $0xFF;
	v9 =	vmin.u32 v9, $0xFF  }
0x484: {  	v4 =	vadd.s32 v1, v4;
	v3 =	vadd.s32 v1, v3;
	v5 =	vadd.s32 v1, v5;
	v19 =	vld [tilespmem:s1+$0xFFFFFF90];
	p0 =	slt.u32 s0, $0x7F0  }
0x485: {  	v6 =	vadd.s32 v1, v6;
	v7 =	vadd.s32 v1, v7;
	v12 =	vadd.s32 v1, v12;
	v20 =	vld [tilespmem:s1+$0xFFFFFFA0]  }
0x486: {  	v17 =	vadd.s32 v1, v17;
	v15 =	vadd.s32 v1, v15;
	v13 =	vadd.s32 v1, v13;
	v21 =	vld [tilespmem:s1+$0xFFFFFFB0]  }
0x487: {  	v16 =	vadd.s32 v1, v16;
	v14 =	vadd.s32 v1, v14;
	v11 =	vadd.s32 v1, v11;
	v22 =	vld [tilespmem:s1+$0xFFFFFFC0]  }
0x488: {  	v24 =	vadd.s32 v1, v8;
	v25 =	vadd.s32 v1, v10;
	v23 =	vld [tilespmem:s1+$0xFFFFFFD0];
	v18 =	vmul.f32 $2.560000000e+02, v18  }
0x489: {  	v8 =	vmul.f32 $2.560000000e+02, v19;
	v10 =	vld [tilespmem:s1+$0xFFFFFFE0];
	v19 =	vadd.s32 v1, v9  }
0x48a: {  	v9 =	vmul.f32 $2.560000000e+02, v20;
	v20 =	vld [tilespmem:s1+$0xFFFFFFF0];
	v18 =	vtrunc.f32 v18  }
0x48b: {  	v21 =	vmul.f32 $2.560000000e+02, v21;
	v26 =	vld [tilespmem:s1+$0x0];
	v18 =	vcvt.f32.s32 v18  }
0x48c: {  	v8 =	vtrunc.f32 v8;
	v22 =	vmul.f32 $2.560000000e+02, v22;
	v27 =	vld [tilespmem:s1+$0x10]  }
0x48d: {  	v9 =	vtrunc.f32 v9;
	v23 =	vmul.f32 $2.560000000e+02, v23;
	v28 =	vld [tilespmem:s1+$0x20];
	v18 =	vmin.u32 v18, $0xFF  }
0x48e: {  	v21 =	vtrunc.f32 v21;
	v10 =	vmul.f32 $2.560000000e+02, v10;
	v29 =	vld [tilespmem:s1+$0x30];
	v18 =	vadd.s32 v1, v18  }
0x48f: {  	v22 =	vtrunc.f32 v22;
	v20 =	vmul.f32 $2.560000000e+02, v20;
	v30 =	vld [tilespmem:s1+$0x40]  }
0x490: {  	v23 =	vtrunc.f32 v23;
	v26 =	vmul.f32 $2.560000000e+02, v26;
	v31 =	vld [tilespmem:s1+$0x50]  }
0x491: {  	v10 =	vtrunc.f32 v10;
	v27 =	vmul.f32 $2.560000000e+02, v27;
	v32 =	vld [tilespmem:s1+$0x60]  }
0x492: {  	v20 =	vtrunc.f32 v20;
	v33 =	vld [tilespmem:s1+$0xFFFFFF80];
	v28 =	vmul.f32 $2.560000000e+02, v28  }
0x493: {  	v26 =	vtrunc.f32 v26;
	v29 =	vmul.f32 $2.560000000e+02, v29;
	[tilespmem:v18+s26+$0x0] =	vst.idx.add.s32.msk $0xffff, v2  }
0x494: {  	v18 =	vtrunc.f32 v27;
	v27 =	vmul.f32 $2.560000000e+02, v30;
	[tilespmem:v4+s26+$0x0] =	vst.idx.add.s32.msk $0xffff, v2  }
0x495: {  	v28 =	vtrunc.f32 v28;
	v4 =	vmul.f32 $2.560000000e+02, v31;
	[tilespmem:v3+s26+$0x0] =	vst.idx.add.s32.msk $0xffff, v2  }
0x496: {  	v29 =	vtrunc.f32 v29;
	v3 =	vmul.f32 $2.560000000e+02, v32;
	[tilespmem:v5+s26+$0x0] =	vst.idx.add.s32.msk $0xffff, v2  }
0x497: {  	v27 =	vtrunc.f32 v27;
	v5 =	vmul.f32 $2.560000000e+02, v33;
	[tilespmem:v6+s26+$0x0] =	vst.idx.add.s32.msk $0xffff, v2  }
0x498: {  	v30 =	vtrunc.f32 v4;
	v31 =	vtrunc.f32 v3;
	[tilespmem:v7+s26+$0x0] =	vst.idx.add.s32.msk $0xffff, v2  }
0x499: {  	v4 =	vcvt.f32.s32 v8;
	v3 =	vtrunc.f32 v5;
	[tilespmem:v12+s26+$0x0] =	vst.idx.add.s32.msk $0xffff, v2  }
0x49a: {  	v6 =	vcvt.f32.s32 v9;
	v5 =	vcvt.f32.s32 v3;
	[tilespmem:v17+s26+$0x0] =	vst.idx.add.s32.msk $0xffff, v2  }
0x49b: {  	v8 =	vcvt.f32.s32 v22;
	v7 =	vcvt.f32.s32 v21;
	v3 =	vmin.u32 v4, $0xFF;
	[tilespmem:v15+s26+$0x0] =	vst.idx.add.s32.msk $0xffff, v2  }
0x49c: {  	v9 =	vcvt.f32.s32 v23;
	v15 =	vcvt.f32.s32 v10;
	v4 =	vmin.u32 v5, $0xFF;
	[tilespmem:v13+s26+$0x0] =	vst.idx.add.s32.msk $0xffff, v2  }
0x49d: {  	v5 =	vmin.u32 v6, $0xFF;
	v13 =	vcvt.f32.s32 v20;
	v20 =	vcvt.f32.s32 v26;
	[tilespmem:v16+s26+$0x0] =	vst.idx.add.s32.msk $0xffff, v2  }
.Ltmp12:
0x49e: {  	v6 =	vmin.u32 v7, $0xFF;
	v16 =	vcvt.f32.s32 v18;
	v18 =	vcvt.f32.s32 v28;
	[tilespmem:v14+s26+$0x0] =	vst.idx.add.s32.msk $0xffff, v2;
	(pc) =	sbr.rel @p0 .LBB2_26-.Ltmp12, $4  }
0x49f: {  	v21 =	vcvt.f32.s32 v29;
	v7 =	vmin.u32 v8, $0xFF;
	v8 =	vcvt.f32.s32 v27;
	[tilespmem:v11+s26+$0x0] =	vst.idx.add.s32.msk $0xffff, v2  }
0x4a0: {  	v12 =	vmin.u32 v9, $0xFF;
	v9 =	vcvt.f32.s32 v31;
	v10 =	vcvt.f32.s32 v30;
	[tilespmem:v24+s26+$0x0] =	vst.idx.add.s32.msk $0xffff, v2  }
0x4a1: {  	v17 =	vmin.u32 v15, $0xFF;
	v15 =	vmin.u32 v13, $0xFF;
	v13 =	vmin.u32 v20, $0xFF;
	[tilespmem:v25+s26+$0x0] =	vst.idx.add.s32.msk $0xffff, v2  }
0x4a2: {  	s1 =	sadd.s32 $0x100, s1;
	v16 =	vmin.u32 v16, $0xFF;
	v14 =	vmin.u32 v18, $0xFF;
	v11 =	vmin.u32 v21, $0xFF;
	[tilespmem:v19+s26+$0x0] =	vst.idx.add.s32.msk $0xffff, v2  }
0x4a3: {  	v4 =	vadd.s32 v1, v4  }
0x4a4: {  	v3 =	vadd.s32 v1, v3  }
0x4a5: {  	v5 =	vadd.s32 v1, v5  }
0x4a6: {  	v6 =	vadd.s32 v1, v6  }
0x4a7: {  	v7 =	vadd.s32 v1, v7  }
0x4a8: {  	v12 =	vadd.s32 v1, v12;
	[tilespmem:v4+s26+$0x0] =	vst.idx.add.s32.msk $0xffff, v2  }
0x4a9: {  	v11 =	vadd.s32 v1, v11;
	[tilespmem:v3+s26+$0x0] =	vst.idx.add.s32.msk $0xffff, v2  }
0x4aa: {  	v4 =	vadd.s32 v1, v17;
	[tilespmem:v5+s26+$0x0] =	vst.idx.add.s32.msk $0xffff, v2  }
0x4ab: {  	v8 =	vmin.u32 v8, $0xFF;
	v3 =	vadd.s32 v1, v15;
	[tilespmem:v6+s26+$0x0] =	vst.idx.add.s32.msk $0xffff, v2  }
0x4ac: {  	v8 =	vadd.s32 v1, v8;
	[tilespmem:v7+s26+$0x0] =	vst.idx.add.s32.msk $0xffff, v2  }
0x4ad: {  	v5 =	vadd.s32 v1, v13;
	[tilespmem:v12+s26+$0x0] =	vst.idx.add.s32.msk $0xffff, v2  }
0x4ae: {  	v6 =	vadd.s32 v1, v16;
	[tilespmem:v11+s26+$0x0] =	vst.idx.add.s32.msk $0xffff, v2  }
0x4af: {  	v7 =	vadd.s32 v1, v14;
	[tilespmem:v4+s26+$0x0] =	vst.idx.add.s32.msk $0xffff, v2;
	v4 =	vmin.u32 v10, $0xFF  }
0x4b0: {  	[tilespmem:v3+s26+$0x0] =	vst.idx.add.s32.msk $0xffff, v2;
	v3 =	vmin.u32 v9, $0xFF;
	v4 =	vadd.s32 v1, v4  }
0x4b1: {  	[tilespmem:v8+s26+$0x0] =	vst.idx.add.s32.msk $0xffff, v2;
	v3 =	vadd.s32 v1, v3  }
0x4b2: {  	[tilespmem:v5+s26+$0x0] =	vst.idx.add.s32.msk $0xffff, v2  }
0x4b3: {  	[tilespmem:v6+s26+$0x0] =	vst.idx.add.s32.msk $0xffff, v2  }
0x4b4: {  	[tilespmem:v7+s26+$0x0] =	vst.idx.add.s32.msk $0xffff, v2  }
0x4b5: {  	[tilespmem:v4+s26+$0x0] =	vst.idx.add.s32.msk $0xffff, v2  }
0x4b6: {  	[tilespmem:v3+s26+$0x0] =	vst.idx.add.s32.msk $0xffff, v2  }
0x4b7: {  	_ =	swait.ge [sflag:s22], $0x8000  }
0x4b8: {  	[sflag:s22] =	ssyncset.done $0x0  }
0x4b9: {  	s0 =	simm.s32 $0x80;
	[sflag:s22] =	ssyncadd.s32 $0xFFFF8000  }
0x4ba: {  	[tilespmem:s23], [sflag:$0x2] =	stream.linear.gather [hbm4b:s16+s2], $0x8000, $0x38;
	[tilespmem:$0x12400] =	vst v63  }
0x4bb: {  	v3 =	vld [tilespmem:s0+$0x70]  }
0x4bc: {  	v4 =	vld [tilespmem:s0+$0xFFFFFF90]  }
0x4bd: {  	v5 =	vld [tilespmem:s0+$0xFFFFFFA0]  }
0x4be: {  	v6 =	vld [tilespmem:s0+$0xFFFFFFB0]  }
0x4bf: {  	v7 =	vld [tilespmem:s0+$0xFFFFFFC0]  }
0x4c0: {  	v8 =	vld [tilespmem:s0+$0xFFFFFFD0]  }
0x4c1: {  	v9 =	vld [tilespmem:s0+$0xFFFFFFE0]  }
0x4c2: {  	v10 =	vld [tilespmem:s0+$0xFFFFFFF0]  }
0x4c3: {  	v11 =	vld [tilespmem:s0+$0x0]  }
0x4c4: {  	v12 =	vld [tilespmem:s0+$0x10]  }
0x4c5: {  	v13 =	vld [tilespmem:s0+$0x20]  }
0x4c6: {  	v14 =	vld [tilespmem:s0+$0x30]  }
0x4c7: {  	v15 =	vld [tilespmem:s0+$0x40];
	v3 =	vmul.f32 $2.560000000e+02, v3  }
0x4c8: {  	v16 =	vld [tilespmem:s0+$0x50];
	v4 =	vmul.f32 $2.560000000e+02, v4;
	v5 =	vmul.f32 $2.560000000e+02, v5  }
0x4c9: {  	v17 =	vld [tilespmem:s0+$0x60];
	v6 =	vmul.f32 $2.560000000e+02, v6;
	v7 =	vmul.f32 $2.560000000e+02, v7  }
0x4ca: {  	v18 =	vld [tilespmem:s0+$0xFFFFFF80];
	v8 =	vmul.f32 $2.560000000e+02, v8;
	v9 =	vmul.f32 $2.560000000e+02, v9  }
0x4cb: {  	v10 =	vmul.f32 $2.560000000e+02, v10;
	v11 =	vmul.f32 $2.560000000e+02, v11  }
0x4cc: {  	v12 =	vmul.f32 $2.560000000e+02, v12;
	v13 =	vmul.f32 $2.560000000e+02, v13  }
0x4cd: {  	v14 =	vmul.f32 $2.560000000e+02, v14;
	v15 =	vmul.f32 $2.560000000e+02, v15  }
0x4ce: {  	v16 =	vmul.f32 $2.560000000e+02, v16;
	v17 =	vmul.f32 $2.560000000e+02, v17  }
0x4cf: {  	v18 =	vmul.f32 $2.560000000e+02, v18;
	v3 =	vtrunc.f32 v3  }
0x4d0: {  	v4 =	vtrunc.f32 v4;
	v5 =	vtrunc.f32 v5  }
0x4d1: {  	v6 =	vtrunc.f32 v6;
	v7 =	vtrunc.f32 v7  }
0x4d2: {  	v8 =	vtrunc.f32 v8;
	v9 =	vtrunc.f32 v9  }
0x4d3: {  	v10 =	vtrunc.f32 v10;
	v11 =	vtrunc.f32 v11  }
0x4d4: {  	v12 =	vtrunc.f32 v12;
	v13 =	vtrunc.f32 v13  }
0x4d5: {  	v14 =	vtrunc.f32 v14;
	v15 =	vtrunc.f32 v15  }
0x4d6: {  	v16 =	vtrunc.f32 v16;
	v17 =	vtrunc.f32 v17  }
0x4d7: {  	v18 =	vtrunc.f32 v18;
	v3 =	vcvt.f32.s32 v3  }
0x4d8: {  	v4 =	vcvt.f32.s32 v4;
	v18 =	vcvt.f32.s32 v18  }
0x4d9: {  	v5 =	vcvt.f32.s32 v5;
	v6 =	vcvt.f32.s32 v6  }
0x4da: {  	v7 =	vcvt.f32.s32 v7;
	v20 =	vcvt.f32.s32 v9  }
0x4db: {  	v21 =	vcvt.f32.s32 v10;
	v11 =	vcvt.f32.s32 v11  }
0x4dc: {  	v22 =	vcvt.f32.s32 v12;
	v23 =	vcvt.f32.s32 v13;
	v3 =	vmin.u32 v3, $0xFF  }
0x4dd: {  	v24 =	vcvt.f32.s32 v14;
	v10 =	vcvt.f32.s32 v16;
	v19 =	vadd.s32 v1, v3  }
0x4de: {  	v9 =	vcvt.f32.s32 v17;
	v5 =	vmin.u32 v5, $0xFF;
	v6 =	vmin.u32 v6, $0xFF  }
0x4df: {  	v7 =	vmin.u32 v7, $0xFF;
	v17 =	vmin.u32 v20, $0xFF;
	v13 =	vmin.u32 v11, $0xFF  }
0x4e0: {  	v3 =	vmin.u32 v4, $0xFF;
	v4 =	vmin.u32 v18, $0xFF;
	v18 =	vcvt.f32.s32 v8  }
0x4e1: {  	v16 =	vmin.u32 v22, $0xFF;
	v14 =	vmin.u32 v23, $0xFF;
	v8 =	vcvt.f32.s32 v15  }
0x4e2: {  	s1 =	simm.s32 $0x180;
	s0 =	simm.s32 $0x0;
	v11 =	vmin.u32 v24, $0xFF;
	v15 =	vmin.u32 v21, $0xFF;
	v12 =	vmin.u32 v18, $0xFF;
	[tilespmem:v19+s26+$0x0] =	vst.idx.add.s32.msk $0xffff, v2  }
.LBB2_28:
0x4e3: {  	v18 =	vld [tilespmem:s1+$0x70];
	s0 =	sadd.s32 $0x10, s0;
	v8 =	vmin.u32 v8, $0xFF;
	v10 =	vmin.u32 v10, $0xFF;
	v9 =	vmin.u32 v9, $0xFF  }
0x4e4: {  	v4 =	vadd.s32 v1, v4;
	v3 =	vadd.s32 v1, v3;
	v5 =	vadd.s32 v1, v5;
	v19 =	vld [tilespmem:s1+$0xFFFFFF90];
	p0 =	slt.u32 s0, $0x7F0  }
0x4e5: {  	v6 =	vadd.s32 v1, v6;
	v7 =	vadd.s32 v1, v7;
	v12 =	vadd.s32 v1, v12;
	v20 =	vld [tilespmem:s1+$0xFFFFFFA0]  }
0x4e6: {  	v17 =	vadd.s32 v1, v17;
	v15 =	vadd.s32 v1, v15;
	v13 =	vadd.s32 v1, v13;
	v21 =	vld [tilespmem:s1+$0xFFFFFFB0]  }
0x4e7: {  	v16 =	vadd.s32 v1, v16;
	v14 =	vadd.s32 v1, v14;
	v11 =	vadd.s32 v1, v11;
	v22 =	vld [tilespmem:s1+$0xFFFFFFC0]  }
0x4e8: {  	v24 =	vadd.s32 v1, v8;
	v25 =	vadd.s32 v1, v10;
	v23 =	vld [tilespmem:s1+$0xFFFFFFD0];
	v18 =	vmul.f32 $2.560000000e+02, v18  }
0x4e9: {  	v8 =	vmul.f32 $2.560000000e+02, v19;
	v10 =	vld [tilespmem:s1+$0xFFFFFFE0];
	v19 =	vadd.s32 v1, v9  }
0x4ea: {  	v9 =	vmul.f32 $2.560000000e+02, v20;
	v20 =	vld [tilespmem:s1+$0xFFFFFFF0];
	v18 =	vtrunc.f32 v18  }
0x4eb: {  	v21 =	vmul.f32 $2.560000000e+02, v21;
	v26 =	vld [tilespmem:s1+$0x0];
	v18 =	vcvt.f32.s32 v18  }
0x4ec: {  	v8 =	vtrunc.f32 v8;
	v22 =	vmul.f32 $2.560000000e+02, v22;
	v27 =	vld [tilespmem:s1+$0x10]  }
0x4ed: {  	v9 =	vtrunc.f32 v9;
	v23 =	vmul.f32 $2.560000000e+02, v23;
	v28 =	vld [tilespmem:s1+$0x20];
	v18 =	vmin.u32 v18, $0xFF  }
0x4ee: {  	v21 =	vtrunc.f32 v21;
	v10 =	vmul.f32 $2.560000000e+02, v10;
	v29 =	vld [tilespmem:s1+$0x30];
	v18 =	vadd.s32 v1, v18  }
0x4ef: {  	v22 =	vtrunc.f32 v22;
	v20 =	vmul.f32 $2.560000000e+02, v20;
	v30 =	vld [tilespmem:s1+$0x40]  }
0x4f0: {  	v23 =	vtrunc.f32 v23;
	v26 =	vmul.f32 $2.560000000e+02, v26;
	v31 =	vld [tilespmem:s1+$0x50]  }
0x4f1: {  	v10 =	vtrunc.f32 v10;
	v27 =	vmul.f32 $2.560000000e+02, v27;
	v32 =	vld [tilespmem:s1+$0x60]  }
0x4f2: {  	v20 =	vtrunc.f32 v20;
	v33 =	vld [tilespmem:s1+$0xFFFFFF80];
	v28 =	vmul.f32 $2.560000000e+02, v28  }
0x4f3: {  	v26 =	vtrunc.f32 v26;
	v29 =	vmul.f32 $2.560000000e+02, v29;
	[tilespmem:v18+s26+$0x0] =	vst.idx.add.s32.msk $0xffff, v2  }
0x4f4: {  	v18 =	vtrunc.f32 v27;
	v27 =	vmul.f32 $2.560000000e+02, v30;
	[tilespmem:v4+s26+$0x0] =	vst.idx.add.s32.msk $0xffff, v2  }
0x4f5: {  	v28 =	vtrunc.f32 v28;
	v4 =	vmul.f32 $2.560000000e+02, v31;
	[tilespmem:v3+s26+$0x0] =	vst.idx.add.s32.msk $0xffff, v2  }
0x4f6: {  	v29 =	vtrunc.f32 v29;
	v3 =	vmul.f32 $2.560000000e+02, v32;
	[tilespmem:v5+s26+$0x0] =	vst.idx.add.s32.msk $0xffff, v2  }
0x4f7: {  	v27 =	vtrunc.f32 v27;
	v5 =	vmul.f32 $2.560000000e+02, v33;
	[tilespmem:v6+s26+$0x0] =	vst.idx.add.s32.msk $0xffff, v2  }
0x4f8: {  	v30 =	vtrunc.f32 v4;
	v31 =	vtrunc.f32 v3;
	[tilespmem:v7+s26+$0x0] =	vst.idx.add.s32.msk $0xffff, v2  }
0x4f9: {  	v4 =	vcvt.f32.s32 v8;
	v3 =	vtrunc.f32 v5;
	[tilespmem:v12+s26+$0x0] =	vst.idx.add.s32.msk $0xffff, v2  }
0x4fa: {  	v6 =	vcvt.f32.s32 v9;
	v5 =	vcvt.f32.s32 v3;
	[tilespmem:v17+s26+$0x0] =	vst.idx.add.s32.msk $0xffff, v2  }
0x4fb: {  	v8 =	vcvt.f32.s32 v22;
	v7 =	vcvt.f32.s32 v21;
	v3 =	vmin.u32 v4, $0xFF;
	[tilespmem:v15+s26+$0x0] =	vst.idx.add.s32.msk $0xffff, v2  }
0x4fc: {  	v9 =	vcvt.f32.s32 v23;
	v15 =	vcvt.f32.s32 v10;
	v4 =	vmin.u32 v5, $0xFF;
	[tilespmem:v13+s26+$0x0] =	vst.idx.add.s32.msk $0xffff, v2  }
0x4fd: {  	v5 =	vmin.u32 v6, $0xFF;
	v13 =	vcvt.f32.s32 v20;
	v20 =	vcvt.f32.s32 v26;
	[tilespmem:v16+s26+$0x0] =	vst.idx.add.s32.msk $0xffff, v2  }
.Ltmp13:
0x4fe: {  	v6 =	vmin.u32 v7, $0xFF;
	v16 =	vcvt.f32.s32 v18;
	v18 =	vcvt.f32.s32 v28;
	[tilespmem:v14+s26+$0x0] =	vst.idx.add.s32.msk $0xffff, v2;
	(pc) =	sbr.rel @p0 .LBB2_28-.Ltmp13, $4  }
0x4ff: {  	v21 =	vcvt.f32.s32 v29;
	v7 =	vmin.u32 v8, $0xFF;
	v8 =	vcvt.f32.s32 v27;
	[tilespmem:v11+s26+$0x0] =	vst.idx.add.s32.msk $0xffff, v2  }
0x500: {  	v12 =	vmin.u32 v9, $0xFF;
	v9 =	vcvt.f32.s32 v31;
	v10 =	vcvt.f32.s32 v30;
	[tilespmem:v24+s26+$0x0] =	vst.idx.add.s32.msk $0xffff, v2  }
0x501: {  	v17 =	vmin.u32 v15, $0xFF;
	v15 =	vmin.u32 v13, $0xFF;
	v13 =	vmin.u32 v20, $0xFF;
	[tilespmem:v25+s26+$0x0] =	vst.idx.add.s32.msk $0xffff, v2  }
0x502: {  	s1 =	sadd.s32 $0x100, s1;
	v16 =	vmin.u32 v16, $0xFF;
	v14 =	vmin.u32 v18, $0xFF;
	v11 =	vmin.u32 v21, $0xFF;
	[tilespmem:v19+s26+$0x0] =	vst.idx.add.s32.msk $0xffff, v2  }
0x503: {  	v4 =	vadd.s32 v1, v4  }
0x504: {  	v3 =	vadd.s32 v1, v3  }
0x505: {  	v5 =	vadd.s32 v1, v5  }
0x506: {  	v6 =	vadd.s32 v1, v6  }
0x507: {  	v7 =	vadd.s32 v1, v7  }
0x508: {  	v12 =	vadd.s32 v1, v12;
	[tilespmem:v4+s26+$0x0] =	vst.idx.add.s32.msk $0xffff, v2  }
0x509: {  	v11 =	vadd.s32 v1, v11;
	[tilespmem:v3+s26+$0x0] =	vst.idx.add.s32.msk $0xffff, v2  }
0x50a: {  	v4 =	vadd.s32 v1, v17;
	[tilespmem:v5+s26+$0x0] =	vst.idx.add.s32.msk $0xffff, v2  }
0x50b: {  	v8 =	vmin.u32 v8, $0xFF;
	v3 =	vadd.s32 v1, v15;
	[tilespmem:v6+s26+$0x0] =	vst.idx.add.s32.msk $0xffff, v2  }
0x50c: {  	v8 =	vadd.s32 v1, v8;
	[tilespmem:v7+s26+$0x0] =	vst.idx.add.s32.msk $0xffff, v2  }
0x50d: {  	v5 =	vadd.s32 v1, v13;
	[tilespmem:v12+s26+$0x0] =	vst.idx.add.s32.msk $0xffff, v2  }
0x50e: {  	v6 =	vadd.s32 v1, v16;
	[tilespmem:v11+s26+$0x0] =	vst.idx.add.s32.msk $0xffff, v2  }
0x50f: {  	v7 =	vadd.s32 v1, v14;
	[tilespmem:v4+s26+$0x0] =	vst.idx.add.s32.msk $0xffff, v2;
	v4 =	vmin.u32 v10, $0xFF  }
0x510: {  	[tilespmem:v3+s26+$0x0] =	vst.idx.add.s32.msk $0xffff, v2;
	v3 =	vmin.u32 v9, $0xFF;
	v4 =	vadd.s32 v1, v4  }
0x511: {  	[tilespmem:v8+s26+$0x0] =	vst.idx.add.s32.msk $0xffff, v2;
	v3 =	vadd.s32 v1, v3  }
0x512: {  	[tilespmem:v5+s26+$0x0] =	vst.idx.add.s32.msk $0xffff, v2  }
0x513: {  	[tilespmem:v6+s26+$0x0] =	vst.idx.add.s32.msk $0xffff, v2  }
0x514: {  	[tilespmem:v7+s26+$0x0] =	vst.idx.add.s32.msk $0xffff, v2  }
0x515: {  	[tilespmem:v4+s26+$0x0] =	vst.idx.add.s32.msk $0xffff, v2  }
0x516: {  	[tilespmem:v3+s26+$0x0] =	vst.idx.add.s32.msk $0xffff, v2  }
0x517: {  	_ =	swait.ge [sflag:s25], $0x8000  }
0x518: {  	[sflag:s25] =	ssyncset.done $0x0  }
0x519: {  	s0 =	simm.s32 $0x8080;
	[sflag:s25] =	ssyncadd.s32 $0xFFFF8000  }
0x51a: {  	[tilespmem:s2], [sflag:$0x1] =	stream.linear.gather [hbm4b:s17+s2], $0x8000, $0x38;
	[tilespmem:$0x12400] =	vst v63  }
0x51b: {  	v3 =	vld [tilespmem:s0+$0x70]  }
0x51c: {  	v4 =	vld [tilespmem:s0+$0xFFFFFF90]  }
0x51d: {  	v5 =	vld [tilespmem:s0+$0xFFFFFFA0]  }
0x51e: {  	v6 =	vld [tilespmem:s0+$0xFFFFFFB0]  }
0x51f: {  	v7 =	vld [tilespmem:s0+$0xFFFFFFC0]  }
0x520: {  	v8 =	vld [tilespmem:s0+$0xFFFFFFD0]  }
0x521: {  	v9 =	vld [tilespmem:s0+$0xFFFFFFE0]  }
0x522: {  	v10 =	vld [tilespmem:s0+$0xFFFFFFF0]  }
0x523: {  	v11 =	vld [tilespmem:s0+$0x0]  }
0x524: {  	v12 =	vld [tilespmem:s0+$0x10]  }
0x525: {  	v13 =	vld [tilespmem:s0+$0x20]  }
0x526: {  	v14 =	vld [tilespmem:s0+$0x30]  }
0x527: {  	v15 =	vld [tilespmem:s0+$0x40];
	v3 =	vmul.f32 $2.560000000e+02, v3  }
0x528: {  	v16 =	vld [tilespmem:s0+$0x50];
	v4 =	vmul.f32 $2.560000000e+02, v4;
	v5 =	vmul.f32 $2.560000000e+02, v5  }
0x529: {  	v17 =	vld [tilespmem:s0+$0x60];
	v6 =	vmul.f32 $2.560000000e+02, v6;
	v7 =	vmul.f32 $2.560000000e+02, v7  }
0x52a: {  	v18 =	vld [tilespmem:s0+$0xFFFFFF80];
	v8 =	vmul.f32 $2.560000000e+02, v8;
	v9 =	vmul.f32 $2.560000000e+02, v9  }
0x52b: {  	v10 =	vmul.f32 $2.560000000e+02, v10;
	v11 =	vmul.f32 $2.560000000e+02, v11  }
0x52c: {  	v12 =	vmul.f32 $2.560000000e+02, v12;
	v13 =	vmul.f32 $2.560000000e+02, v13  }
0x52d: {  	v14 =	vmul.f32 $2.560000000e+02, v14;
	v15 =	vmul.f32 $2.560000000e+02, v15  }
0x52e: {  	v16 =	vmul.f32 $2.560000000e+02, v16;
	v17 =	vmul.f32 $2.560000000e+02, v17  }
0x52f: {  	v18 =	vmul.f32 $2.560000000e+02, v18;
	v3 =	vtrunc.f32 v3  }
0x530: {  	v4 =	vtrunc.f32 v4;
	v5 =	vtrunc.f32 v5  }
0x531: {  	v6 =	vtrunc.f32 v6;
	v7 =	vtrunc.f32 v7  }
0x532: {  	v8 =	vtrunc.f32 v8;
	v9 =	vtrunc.f32 v9  }
0x533: {  	v10 =	vtrunc.f32 v10;
	v11 =	vtrunc.f32 v11  }
0x534: {  	v12 =	vtrunc.f32 v12;
	v13 =	vtrunc.f32 v13  }
0x535: {  	v14 =	vtrunc.f32 v14;
	v15 =	vtrunc.f32 v15  }
0x536: {  	v16 =	vtrunc.f32 v16;
	v17 =	vtrunc.f32 v17  }
0x537: {  	v18 =	vtrunc.f32 v18;
	v3 =	vcvt.f32.s32 v3  }
0x538: {  	v4 =	vcvt.f32.s32 v4;
	v18 =	vcvt.f32.s32 v18  }
0x539: {  	v5 =	vcvt.f32.s32 v5;
	v6 =	vcvt.f32.s32 v6  }
0x53a: {  	v7 =	vcvt.f32.s32 v7;
	v20 =	vcvt.f32.s32 v9  }
0x53b: {  	v21 =	vcvt.f32.s32 v10;
	v11 =	vcvt.f32.s32 v11  }
0x53c: {  	v22 =	vcvt.f32.s32 v12;
	v23 =	vcvt.f32.s32 v13;
	v3 =	vmin.u32 v3, $0xFF  }
0x53d: {  	v24 =	vcvt.f32.s32 v14;
	v10 =	vcvt.f32.s32 v16;
	v19 =	vadd.s32 v1, v3  }
0x53e: {  	v9 =	vcvt.f32.s32 v17;
	v5 =	vmin.u32 v5, $0xFF;
	v6 =	vmin.u32 v6, $0xFF  }
0x53f: {  	v7 =	vmin.u32 v7, $0xFF;
	v17 =	vmin.u32 v20, $0xFF;
	v13 =	vmin.u32 v11, $0xFF  }
0x540: {  	v3 =	vmin.u32 v4, $0xFF;
	v4 =	vmin.u32 v18, $0xFF;
	v18 =	vcvt.f32.s32 v8  }
0x541: {  	v16 =	vmin.u32 v22, $0xFF;
	v14 =	vmin.u32 v23, $0xFF;
	v8 =	vcvt.f32.s32 v15  }
0x542: {  	s1 =	simm.s32 $0x8180;
	s0 =	simm.s32 $0x0;
	v11 =	vmin.u32 v24, $0xFF;
	v15 =	vmin.u32 v21, $0xFF;
	v12 =	vmin.u32 v18, $0xFF;
	[tilespmem:v19+s26+$0x0] =	vst.idx.add.s32.msk $0xffff, v2  }
.LBB2_30:
0x543: {  	v18 =	vld [tilespmem:s1+$0x70];
	s0 =	sadd.s32 $0x10, s0;
	v8 =	vmin.u32 v8, $0xFF;
	v10 =	vmin.u32 v10, $0xFF;
	v9 =	vmin.u32 v9, $0xFF  }
0x544: {  	v4 =	vadd.s32 v1, v4;
	v3 =	vadd.s32 v1, v3;
	v5 =	vadd.s32 v1, v5;
	v19 =	vld [tilespmem:s1+$0xFFFFFF90];
	p0 =	slt.u32 s0, $0x7F0  }
0x545: {  	v6 =	vadd.s32 v1, v6;
	v7 =	vadd.s32 v1, v7;
	v12 =	vadd.s32 v1, v12;
	v20 =	vld [tilespmem:s1+$0xFFFFFFA0]  }
0x546: {  	v17 =	vadd.s32 v1, v17;
	v15 =	vadd.s32 v1, v15;
	v13 =	vadd.s32 v1, v13;
	v21 =	vld [tilespmem:s1+$0xFFFFFFB0]  }
0x547: {  	v16 =	vadd.s32 v1, v16;
	v14 =	vadd.s32 v1, v14;
	v11 =	vadd.s32 v1, v11;
	v22 =	vld [tilespmem:s1+$0xFFFFFFC0]  }
0x548: {  	v24 =	vadd.s32 v1, v8;
	v25 =	vadd.s32 v1, v10;
	v23 =	vld [tilespmem:s1+$0xFFFFFFD0];
	v18 =	vmul.f32 $2.560000000e+02, v18  }
0x549: {  	v8 =	vmul.f32 $2.560000000e+02, v19;
	v10 =	vld [tilespmem:s1+$0xFFFFFFE0];
	v19 =	vadd.s32 v1, v9  }
0x54a: {  	v9 =	vmul.f32 $2.560000000e+02, v20;
	v20 =	vld [tilespmem:s1+$0xFFFFFFF0];
	v18 =	vtrunc.f32 v18  }
0x54b: {  	v21 =	vmul.f32 $2.560000000e+02, v21;
	v26 =	vld [tilespmem:s1+$0x0];
	v18 =	vcvt.f32.s32 v18  }
0x54c: {  	v8 =	vtrunc.f32 v8;
	v22 =	vmul.f32 $2.560000000e+02, v22;
	v27 =	vld [tilespmem:s1+$0x10]  }
0x54d: {  	v9 =	vtrunc.f32 v9;
	v23 =	vmul.f32 $2.560000000e+02, v23;
	v28 =	vld [tilespmem:s1+$0x20];
	v18 =	vmin.u32 v18, $0xFF  }
0x54e: {  	v21 =	vtrunc.f32 v21;
	v10 =	vmul.f32 $2.560000000e+02, v10;
	v29 =	vld [tilespmem:s1+$0x30];
	v18 =	vadd.s32 v1, v18  }
0x54f: {  	v22 =	vtrunc.f32 v22;
	v20 =	vmul.f32 $2.560000000e+02, v20;
	v30 =	vld [tilespmem:s1+$0x40]  }
0x550: {  	v23 =	vtrunc.f32 v23;
	v26 =	vmul.f32 $2.560000000e+02, v26;
	v31 =	vld [tilespmem:s1+$0x50]  }
0x551: {  	v10 =	vtrunc.f32 v10;
	v27 =	vmul.f32 $2.560000000e+02, v27;
	v32 =	vld [tilespmem:s1+$0x60]  }
0x552: {  	v20 =	vtrunc.f32 v20;
	v33 =	vld [tilespmem:s1+$0xFFFFFF80];
	v28 =	vmul.f32 $2.560000000e+02, v28  }
0x553: {  	v26 =	vtrunc.f32 v26;
	v29 =	vmul.f32 $2.560000000e+02, v29;
	[tilespmem:v18+s26+$0x0] =	vst.idx.add.s32.msk $0xffff, v2  }
0x554: {  	v18 =	vtrunc.f32 v27;
	v27 =	vmul.f32 $2.560000000e+02, v30;
	[tilespmem:v4+s26+$0x0] =	vst.idx.add.s32.msk $0xffff, v2  }
0x555: {  	v28 =	vtrunc.f32 v28;
	v4 =	vmul.f32 $2.560000000e+02, v31;
	[tilespmem:v3+s26+$0x0] =	vst.idx.add.s32.msk $0xffff, v2  }
0x556: {  	v29 =	vtrunc.f32 v29;
	v3 =	vmul.f32 $2.560000000e+02, v32;
	[tilespmem:v5+s26+$0x0] =	vst.idx.add.s32.msk $0xffff, v2  }
0x557: {  	v27 =	vtrunc.f32 v27;
	v5 =	vmul.f32 $2.560000000e+02, v33;
	[tilespmem:v6+s26+$0x0] =	vst.idx.add.s32.msk $0xffff, v2  }
0x558: {  	v30 =	vtrunc.f32 v4;
	v31 =	vtrunc.f32 v3;
	[tilespmem:v7+s26+$0x0] =	vst.idx.add.s32.msk $0xffff, v2  }
0x559: {  	v4 =	vcvt.f32.s32 v8;
	v3 =	vtrunc.f32 v5;
	[tilespmem:v12+s26+$0x0] =	vst.idx.add.s32.msk $0xffff, v2  }
0x55a: {  	v6 =	vcvt.f32.s32 v9;
	v5 =	vcvt.f32.s32 v3;
	[tilespmem:v17+s26+$0x0] =	vst.idx.add.s32.msk $0xffff, v2  }
0x55b: {  	v8 =	vcvt.f32.s32 v22;
	v7 =	vcvt.f32.s32 v21;
	v3 =	vmin.u32 v4, $0xFF;
	[tilespmem:v15+s26+$0x0] =	vst.idx.add.s32.msk $0xffff, v2  }
0x55c: {  	v9 =	vcvt.f32.s32 v23;
	v15 =	vcvt.f32.s32 v10;
	v4 =	vmin.u32 v5, $0xFF;
	[tilespmem:v13+s26+$0x0] =	vst.idx.add.s32.msk $0xffff, v2  }
0x55d: {  	v5 =	vmin.u32 v6, $0xFF;
	v13 =	vcvt.f32.s32 v20;
	v20 =	vcvt.f32.s32 v26;
	[tilespmem:v16+s26+$0x0] =	vst.idx.add.s32.msk $0xffff, v2  }
.Ltmp14:
0x55e: {  	v6 =	vmin.u32 v7, $0xFF;
	v16 =	vcvt.f32.s32 v18;
	v18 =	vcvt.f32.s32 v28;
	[tilespmem:v14+s26+$0x0] =	vst.idx.add.s32.msk $0xffff, v2;
	(pc) =	sbr.rel @p0 .LBB2_30-.Ltmp14, $4  }
0x55f: {  	v21 =	vcvt.f32.s32 v29;
	v7 =	vmin.u32 v8, $0xFF;
	v8 =	vcvt.f32.s32 v27;
	[tilespmem:v11+s26+$0x0] =	vst.idx.add.s32.msk $0xffff, v2  }
0x560: {  	v12 =	vmin.u32 v9, $0xFF;
	v9 =	vcvt.f32.s32 v31;
	v10 =	vcvt.f32.s32 v30;
	[tilespmem:v24+s26+$0x0] =	vst.idx.add.s32.msk $0xffff, v2  }
0x561: {  	v17 =	vmin.u32 v15, $0xFF;
	v15 =	vmin.u32 v13, $0xFF;
	v13 =	vmin.u32 v20, $0xFF;
	[tilespmem:v25+s26+$0x0] =	vst.idx.add.s32.msk $0xffff, v2  }
0x562: {  	s1 =	sadd.s32 $0x100, s1;
	v16 =	vmin.u32 v16, $0xFF;
	v14 =	vmin.u32 v18, $0xFF;
	v11 =	vmin.u32 v21, $0xFF;
	[tilespmem:v19+s26+$0x0] =	vst.idx.add.s32.msk $0xffff, v2  }
0x563: {  	v4 =	vadd.s32 v1, v4  }
0x564: {  	v3 =	vadd.s32 v1, v3  }
0x565: {  	v5 =	vadd.s32 v1, v5  }
0x566: {  	v6 =	vadd.s32 v1, v6  }
0x567: {  	v7 =	vadd.s32 v1, v7  }
0x568: {  	v12 =	vadd.s32 v1, v12;
	[tilespmem:v4+s26+$0x0] =	vst.idx.add.s32.msk $0xffff, v2  }
0x569: {  	v11 =	vadd.s32 v1, v11;
	[tilespmem:v3+s26+$0x0] =	vst.idx.add.s32.msk $0xffff, v2  }
0x56a: {  	v4 =	vadd.s32 v1, v17;
	[tilespmem:v5+s26+$0x0] =	vst.idx.add.s32.msk $0xffff, v2  }
0x56b: {  	v8 =	vmin.u32 v8, $0xFF;
	v3 =	vadd.s32 v1, v15;
	[tilespmem:v6+s26+$0x0] =	vst.idx.add.s32.msk $0xffff, v2  }
0x56c: {  	v8 =	vadd.s32 v1, v8;
	[tilespmem:v7+s26+$0x0] =	vst.idx.add.s32.msk $0xffff, v2  }
0x56d: {  	v5 =	vadd.s32 v1, v13;
	[tilespmem:v12+s26+$0x0] =	vst.idx.add.s32.msk $0xffff, v2  }
0x56e: {  	v6 =	vadd.s32 v1, v16;
	[tilespmem:v11+s26+$0x0] =	vst.idx.add.s32.msk $0xffff, v2  }
0x56f: {  	v7 =	vadd.s32 v1, v14;
	[tilespmem:v4+s26+$0x0] =	vst.idx.add.s32.msk $0xffff, v2;
	v4 =	vmin.u32 v10, $0xFF  }
0x570: {  	[tilespmem:v3+s26+$0x0] =	vst.idx.add.s32.msk $0xffff, v2;
	v3 =	vmin.u32 v9, $0xFF;
	v4 =	vadd.s32 v1, v4  }
0x571: {  	[tilespmem:v8+s26+$0x0] =	vst.idx.add.s32.msk $0xffff, v2;
	v3 =	vadd.s32 v1, v3  }
0x572: {  	[tilespmem:v5+s26+$0x0] =	vst.idx.add.s32.msk $0xffff, v2  }
0x573: {  	[tilespmem:v6+s26+$0x0] =	vst.idx.add.s32.msk $0xffff, v2  }
0x574: {  	[tilespmem:v7+s26+$0x0] =	vst.idx.add.s32.msk $0xffff, v2  }
0x575: {  	[tilespmem:v4+s26+$0x0] =	vst.idx.add.s32.msk $0xffff, v2  }
0x576: {  	[tilespmem:v3+s26+$0x0] =	vst.idx.add.s32.msk $0xffff, v2  }
0x577: {  	_ =	swait.ge [sflag:s22], $0x8000  }
0x578: {  	[sflag:s22] =	ssyncset.done $0x0  }
0x579: {  	s0 =	simm.s32 $0x80;
	[sflag:s22] =	ssyncadd.s32 $0xFFFF8000  }
0x57a: {  	[tilespmem:s23], [sflag:$0x2] =	stream.linear.gather [hbm4b:s18+s2], $0x8000, $0x38;
	[tilespmem:$0x12400] =	vst v63  }
0x57b: {  	v3 =	vld [tilespmem:s0+$0x70]  }
0x57c: {  	v4 =	vld [tilespmem:s0+$0xFFFFFF90]  }
0x57d: {  	v5 =	vld [tilespmem:s0+$0xFFFFFFA0]  }
0x57e: {  	v6 =	vld [tilespmem:s0+$0xFFFFFFB0]  }
0x57f: {  	v7 =	vld [tilespmem:s0+$0xFFFFFFC0]  }
0x580: {  	v8 =	vld [tilespmem:s0+$0xFFFFFFD0]  }
0x581: {  	v9 =	vld [tilespmem:s0+$0xFFFFFFE0]  }
0x582: {  	v10 =	vld [tilespmem:s0+$0xFFFFFFF0]  }
0x583: {  	v11 =	vld [tilespmem:s0+$0x0]  }
0x584: {  	v12 =	vld [tilespmem:s0+$0x10]  }
0x585: {  	v13 =	vld [tilespmem:s0+$0x20]  }
0x586: {  	v14 =	vld [tilespmem:s0+$0x30]  }
0x587: {  	v15 =	vld [tilespmem:s0+$0x40];
	v3 =	vmul.f32 $2.560000000e+02, v3  }
0x588: {  	v16 =	vld [tilespmem:s0+$0x50];
	v4 =	vmul.f32 $2.560000000e+02, v4;
	v5 =	vmul.f32 $2.560000000e+02, v5  }
0x589: {  	v17 =	vld [tilespmem:s0+$0x60];
	v6 =	vmul.f32 $2.560000000e+02, v6;
	v7 =	vmul.f32 $2.560000000e+02, v7  }
0x58a: {  	v18 =	vld [tilespmem:s0+$0xFFFFFF80];
	v8 =	vmul.f32 $2.560000000e+02, v8;
	v9 =	vmul.f32 $2.560000000e+02, v9  }
0x58b: {  	v10 =	vmul.f32 $2.560000000e+02, v10;
	v11 =	vmul.f32 $2.560000000e+02, v11  }
0x58c: {  	v12 =	vmul.f32 $2.560000000e+02, v12;
	v13 =	vmul.f32 $2.560000000e+02, v13  }
0x58d: {  	v14 =	vmul.f32 $2.560000000e+02, v14;
	v15 =	vmul.f32 $2.560000000e+02, v15  }
0x58e: {  	v16 =	vmul.f32 $2.560000000e+02, v16;
	v17 =	vmul.f32 $2.560000000e+02, v17  }
0x58f: {  	v18 =	vmul.f32 $2.560000000e+02, v18;
	v3 =	vtrunc.f32 v3  }
0x590: {  	v4 =	vtrunc.f32 v4;
	v5 =	vtrunc.f32 v5  }
0x591: {  	v6 =	vtrunc.f32 v6;
	v7 =	vtrunc.f32 v7  }
0x592: {  	v8 =	vtrunc.f32 v8;
	v9 =	vtrunc.f32 v9  }
0x593: {  	v10 =	vtrunc.f32 v10;
	v11 =	vtrunc.f32 v11  }
0x594: {  	v12 =	vtrunc.f32 v12;
	v13 =	vtrunc.f32 v13  }
0x595: {  	v14 =	vtrunc.f32 v14;
	v15 =	vtrunc.f32 v15  }
0x596: {  	v16 =	vtrunc.f32 v16;
	v17 =	vtrunc.f32 v17  }
0x597: {  	v18 =	vtrunc.f32 v18;
	v3 =	vcvt.f32.s32 v3  }
0x598: {  	v4 =	vcvt.f32.s32 v4;
	v18 =	vcvt.f32.s32 v18  }
0x599: {  	v5 =	vcvt.f32.s32 v5;
	v6 =	vcvt.f32.s32 v6  }
0x59a: {  	v7 =	vcvt.f32.s32 v7;
	v20 =	vcvt.f32.s32 v9  }
0x59b: {  	v21 =	vcvt.f32.s32 v10;
	v11 =	vcvt.f32.s32 v11  }
0x59c: {  	v22 =	vcvt.f32.s32 v12;
	v23 =	vcvt.f32.s32 v13;
	v3 =	vmin.u32 v3, $0xFF  }
0x59d: {  	v24 =	vcvt.f32.s32 v14;
	v10 =	vcvt.f32.s32 v16;
	v19 =	vadd.s32 v1, v3  }
0x59e: {  	v9 =	vcvt.f32.s32 v17;
	v5 =	vmin.u32 v5, $0xFF;
	v6 =	vmin.u32 v6, $0xFF  }
0x59f: {  	v7 =	vmin.u32 v7, $0xFF;
	v17 =	vmin.u32 v20, $0xFF;
	v13 =	vmin.u32 v11, $0xFF  }
0x5a0: {  	v3 =	vmin.u32 v4, $0xFF;
	v4 =	vmin.u32 v18, $0xFF;
	v18 =	vcvt.f32.s32 v8  }
0x5a1: {  	v16 =	vmin.u32 v22, $0xFF;
	v14 =	vmin.u32 v23, $0xFF;
	v8 =	vcvt.f32.s32 v15  }
0x5a2: {  	s1 =	simm.s32 $0x180;
	s0 =	simm.s32 $0x0;
	v11 =	vmin.u32 v24, $0xFF;
	v15 =	vmin.u32 v21, $0xFF;
	v12 =	vmin.u32 v18, $0xFF;
	[tilespmem:v19+s26+$0x0] =	vst.idx.add.s32.msk $0xffff, v2  }
.LBB2_32:
0x5a3: {  	v18 =	vld [tilespmem:s1+$0x70];
	s0 =	sadd.s32 $0x10, s0;
	v8 =	vmin.u32 v8, $0xFF;
	v10 =	vmin.u32 v10, $0xFF;
	v9 =	vmin.u32 v9, $0xFF  }
0x5a4: {  	v4 =	vadd.s32 v1, v4;
	v3 =	vadd.s32 v1, v3;
	v5 =	vadd.s32 v1, v5;
	v19 =	vld [tilespmem:s1+$0xFFFFFF90];
	p0 =	slt.u32 s0, $0x7F0  }
0x5a5: {  	v6 =	vadd.s32 v1, v6;
	v7 =	vadd.s32 v1, v7;
	v12 =	vadd.s32 v1, v12;
	v20 =	vld [tilespmem:s1+$0xFFFFFFA0]  }
0x5a6: {  	v17 =	vadd.s32 v1, v17;
	v15 =	vadd.s32 v1, v15;
	v13 =	vadd.s32 v1, v13;
	v21 =	vld [tilespmem:s1+$0xFFFFFFB0]  }
0x5a7: {  	v16 =	vadd.s32 v1, v16;
	v14 =	vadd.s32 v1, v14;
	v11 =	vadd.s32 v1, v11;
	v22 =	vld [tilespmem:s1+$0xFFFFFFC0]  }
0x5a8: {  	v24 =	vadd.s32 v1, v8;
	v25 =	vadd.s32 v1, v10;
	v23 =	vld [tilespmem:s1+$0xFFFFFFD0];
	v18 =	vmul.f32 $2.560000000e+02, v18  }
0x5a9: {  	v8 =	vmul.f32 $2.560000000e+02, v19;
	v10 =	vld [tilespmem:s1+$0xFFFFFFE0];
	v19 =	vadd.s32 v1, v9  }
0x5aa: {  	v9 =	vmul.f32 $2.560000000e+02, v20;
	v20 =	vld [tilespmem:s1+$0xFFFFFFF0];
	v18 =	vtrunc.f32 v18  }
0x5ab: {  	v21 =	vmul.f32 $2.560000000e+02, v21;
	v26 =	vld [tilespmem:s1+$0x0];
	v18 =	vcvt.f32.s32 v18  }
0x5ac: {  	v8 =	vtrunc.f32 v8;
	v22 =	vmul.f32 $2.560000000e+02, v22;
	v27 =	vld [tilespmem:s1+$0x10]  }
0x5ad: {  	v9 =	vtrunc.f32 v9;
	v23 =	vmul.f32 $2.560000000e+02, v23;
	v28 =	vld [tilespmem:s1+$0x20];
	v18 =	vmin.u32 v18, $0xFF  }
0x5ae: {  	v21 =	vtrunc.f32 v21;
	v10 =	vmul.f32 $2.560000000e+02, v10;
	v29 =	vld [tilespmem:s1+$0x30];
	v18 =	vadd.s32 v1, v18  }
0x5af: {  	v22 =	vtrunc.f32 v22;
	v20 =	vmul.f32 $2.560000000e+02, v20;
	v30 =	vld [tilespmem:s1+$0x40]  }
0x5b0: {  	v23 =	vtrunc.f32 v23;
	v26 =	vmul.f32 $2.560000000e+02, v26;
	v31 =	vld [tilespmem:s1+$0x50]  }
0x5b1: {  	v10 =	vtrunc.f32 v10;
	v27 =	vmul.f32 $2.560000000e+02, v27;
	v32 =	vld [tilespmem:s1+$0x60]  }
0x5b2: {  	v20 =	vtrunc.f32 v20;
	v33 =	vld [tilespmem:s1+$0xFFFFFF80];
	v28 =	vmul.f32 $2.560000000e+02, v28  }
0x5b3: {  	v26 =	vtrunc.f32 v26;
	v29 =	vmul.f32 $2.560000000e+02, v29;
	[tilespmem:v18+s26+$0x0] =	vst.idx.add.s32.msk $0xffff, v2  }
0x5b4: {  	v18 =	vtrunc.f32 v27;
	v27 =	vmul.f32 $2.560000000e+02, v30;
	[tilespmem:v4+s26+$0x0] =	vst.idx.add.s32.msk $0xffff, v2  }
0x5b5: {  	v28 =	vtrunc.f32 v28;
	v4 =	vmul.f32 $2.560000000e+02, v31;
	[tilespmem:v3+s26+$0x0] =	vst.idx.add.s32.msk $0xffff, v2  }
0x5b6: {  	v29 =	vtrunc.f32 v29;
	v3 =	vmul.f32 $2.560000000e+02, v32;
	[tilespmem:v5+s26+$0x0] =	vst.idx.add.s32.msk $0xffff, v2  }
0x5b7: {  	v27 =	vtrunc.f32 v27;
	v5 =	vmul.f32 $2.560000000e+02, v33;
	[tilespmem:v6+s26+$0x0] =	vst.idx.add.s32.msk $0xffff, v2  }
0x5b8: {  	v30 =	vtrunc.f32 v4;
	v31 =	vtrunc.f32 v3;
	[tilespmem:v7+s26+$0x0] =	vst.idx.add.s32.msk $0xffff, v2  }
0x5b9: {  	v4 =	vcvt.f32.s32 v8;
	v3 =	vtrunc.f32 v5;
	[tilespmem:v12+s26+$0x0] =	vst.idx.add.s32.msk $0xffff, v2  }
0x5ba: {  	v6 =	vcvt.f32.s32 v9;
	v5 =	vcvt.f32.s32 v3;
	[tilespmem:v17+s26+$0x0] =	vst.idx.add.s32.msk $0xffff, v2  }
0x5bb: {  	v8 =	vcvt.f32.s32 v22;
	v7 =	vcvt.f32.s32 v21;
	v3 =	vmin.u32 v4, $0xFF;
	[tilespmem:v15+s26+$0x0] =	vst.idx.add.s32.msk $0xffff, v2  }
0x5bc: {  	v9 =	vcvt.f32.s32 v23;
	v15 =	vcvt.f32.s32 v10;
	v4 =	vmin.u32 v5, $0xFF;
	[tilespmem:v13+s26+$0x0] =	vst.idx.add.s32.msk $0xffff, v2  }
0x5bd: {  	v5 =	vmin.u32 v6, $0xFF;
	v13 =	vcvt.f32.s32 v20;
	v20 =	vcvt.f32.s32 v26;
	[tilespmem:v16+s26+$0x0] =	vst.idx.add.s32.msk $0xffff, v2  }
.Ltmp15:
0x5be: {  	v6 =	vmin.u32 v7, $0xFF;
	v16 =	vcvt.f32.s32 v18;
	v18 =	vcvt.f32.s32 v28;
	[tilespmem:v14+s26+$0x0] =	vst.idx.add.s32.msk $0xffff, v2;
	(pc) =	sbr.rel @p0 .LBB2_32-.Ltmp15, $4  }
0x5bf: {  	v21 =	vcvt.f32.s32 v29;
	v7 =	vmin.u32 v8, $0xFF;
	v8 =	vcvt.f32.s32 v27;
	[tilespmem:v11+s26+$0x0] =	vst.idx.add.s32.msk $0xffff, v2  }
0x5c0: {  	v12 =	vmin.u32 v9, $0xFF;
	v9 =	vcvt.f32.s32 v31;
	v10 =	vcvt.f32.s32 v30;
	[tilespmem:v24+s26+$0x0] =	vst.idx.add.s32.msk $0xffff, v2  }
0x5c1: {  	v17 =	vmin.u32 v15, $0xFF;
	v15 =	vmin.u32 v13, $0xFF;
	v13 =	vmin.u32 v20, $0xFF;
	[tilespmem:v25+s26+$0x0] =	vst.idx.add.s32.msk $0xffff, v2  }
0x5c2: {  	s1 =	sadd.s32 $0x100, s1;
	v16 =	vmin.u32 v16, $0xFF;
	v14 =	vmin.u32 v18, $0xFF;
	v11 =	vmin.u32 v21, $0xFF;
	[tilespmem:v19+s26+$0x0] =	vst.idx.add.s32.msk $0xffff, v2  }
0x5c3: {  	v4 =	vadd.s32 v1, v4  }
0x5c4: {  	v3 =	vadd.s32 v1, v3  }
0x5c5: {  	v5 =	vadd.s32 v1, v5  }
0x5c6: {  	v6 =	vadd.s32 v1, v6  }
0x5c7: {  	v7 =	vadd.s32 v1, v7  }
0x5c8: {  	v12 =	vadd.s32 v1, v12;
	[tilespmem:v4+s26+$0x0] =	vst.idx.add.s32.msk $0xffff, v2  }
0x5c9: {  	v11 =	vadd.s32 v1, v11;
	[tilespmem:v3+s26+$0x0] =	vst.idx.add.s32.msk $0xffff, v2  }
0x5ca: {  	v4 =	vadd.s32 v1, v17;
	[tilespmem:v5+s26+$0x0] =	vst.idx.add.s32.msk $0xffff, v2  }
0x5cb: {  	v8 =	vmin.u32 v8, $0xFF;
	v3 =	vadd.s32 v1, v15;
	[tilespmem:v6+s26+$0x0] =	vst.idx.add.s32.msk $0xffff, v2  }
0x5cc: {  	v8 =	vadd.s32 v1, v8;
	[tilespmem:v7+s26+$0x0] =	vst.idx.add.s32.msk $0xffff, v2  }
0x5cd: {  	v5 =	vadd.s32 v1, v13;
	[tilespmem:v12+s26+$0x0] =	vst.idx.add.s32.msk $0xffff, v2  }
0x5ce: {  	v6 =	vadd.s32 v1, v16;
	[tilespmem:v11+s26+$0x0] =	vst.idx.add.s32.msk $0xffff, v2  }
0x5cf: {  	v7 =	vadd.s32 v1, v14;
	[tilespmem:v4+s26+$0x0] =	vst.idx.add.s32.msk $0xffff, v2;
	v4 =	vmin.u32 v10, $0xFF  }
0x5d0: {  	[tilespmem:v3+s26+$0x0] =	vst.idx.add.s32.msk $0xffff, v2;
	v3 =	vmin.u32 v9, $0xFF;
	v4 =	vadd.s32 v1, v4  }
0x5d1: {  	[tilespmem:v8+s26+$0x0] =	vst.idx.add.s32.msk $0xffff, v2;
	v3 =	vadd.s32 v1, v3  }
0x5d2: {  	[tilespmem:v5+s26+$0x0] =	vst.idx.add.s32.msk $0xffff, v2  }
0x5d3: {  	[tilespmem:v6+s26+$0x0] =	vst.idx.add.s32.msk $0xffff, v2  }
0x5d4: {  	[tilespmem:v7+s26+$0x0] =	vst.idx.add.s32.msk $0xffff, v2  }
0x5d5: {  	[tilespmem:v4+s26+$0x0] =	vst.idx.add.s32.msk $0xffff, v2  }
0x5d6: {  	[tilespmem:v3+s26+$0x0] =	vst.idx.add.s32.msk $0xffff, v2  }
0x5d7: {  	_ =	swait.ge [sflag:s25], $0x8000  }
0x5d8: {  	[sflag:s25] =	ssyncset.done $0x0  }
0x5d9: {  	s0 =	simm.s32 $0x8080;
	[sflag:s25] =	ssyncadd.s32 $0xFFFF8000  }
0x5da: {  	v3 =	vld [tilespmem:s0+$0x70]  }
0x5db: {  	v4 =	vld [tilespmem:s0+$0xFFFFFF90]  }
0x5dc: {  	v5 =	vld [tilespmem:s0+$0xFFFFFFA0]  }
0x5dd: {  	v6 =	vld [tilespmem:s0+$0xFFFFFFB0]  }
0x5de: {  	v7 =	vld [tilespmem:s0+$0xFFFFFFC0]  }
0x5df: {  	v8 =	vld [tilespmem:s0+$0xFFFFFFD0]  }
0x5e0: {  	v9 =	vld [tilespmem:s0+$0xFFFFFFE0]  }
0x5e1: {  	v10 =	vld [tilespmem:s0+$0xFFFFFFF0]  }
0x5e2: {  	v11 =	vld [tilespmem:s0+$0x0]  }
0x5e3: {  	v12 =	vld [tilespmem:s0+$0x10]  }
0x5e4: {  	v13 =	vld [tilespmem:s0+$0x20]  }
0x5e5: {  	v14 =	vld [tilespmem:s0+$0x30]  }
0x5e6: {  	v15 =	vld [tilespmem:s0+$0x40];
	v3 =	vmul.f32 $2.560000000e+02, v3  }
0x5e7: {  	v16 =	vld [tilespmem:s0+$0x50];
	v4 =	vmul.f32 $2.560000000e+02, v4;
	v5 =	vmul.f32 $2.560000000e+02, v5  }
0x5e8: {  	v17 =	vld [tilespmem:s0+$0x60];
	v6 =	vmul.f32 $2.560000000e+02, v6;
	v7 =	vmul.f32 $2.560000000e+02, v7  }
0x5e9: {  	v18 =	vld [tilespmem:s0+$0xFFFFFF80];
	v8 =	vmul.f32 $2.560000000e+02, v8;
	v9 =	vmul.f32 $2.560000000e+02, v9  }
0x5ea: {  	v10 =	vmul.f32 $2.560000000e+02, v10;
	v11 =	vmul.f32 $2.560000000e+02, v11  }
0x5eb: {  	v12 =	vmul.f32 $2.560000000e+02, v12;
	v13 =	vmul.f32 $2.560000000e+02, v13  }
0x5ec: {  	v14 =	vmul.f32 $2.560000000e+02, v14;
	v15 =	vmul.f32 $2.560000000e+02, v15  }
0x5ed: {  	v16 =	vmul.f32 $2.560000000e+02, v16;
	v17 =	vmul.f32 $2.560000000e+02, v17  }
0x5ee: {  	v18 =	vmul.f32 $2.560000000e+02, v18;
	v3 =	vtrunc.f32 v3  }
0x5ef: {  	v4 =	vtrunc.f32 v4;
	v5 =	vtrunc.f32 v5  }
0x5f0: {  	v6 =	vtrunc.f32 v6;
	v7 =	vtrunc.f32 v7  }
0x5f1: {  	v8 =	vtrunc.f32 v8;
	v9 =	vtrunc.f32 v9  }
0x5f2: {  	v10 =	vtrunc.f32 v10;
	v11 =	vtrunc.f32 v11  }
0x5f3: {  	v12 =	vtrunc.f32 v12;
	v13 =	vtrunc.f32 v13  }
0x5f4: {  	v14 =	vtrunc.f32 v14;
	v15 =	vtrunc.f32 v15  }
0x5f5: {  	v16 =	vtrunc.f32 v16;
	v17 =	vtrunc.f32 v17  }
0x5f6: {  	v18 =	vtrunc.f32 v18;
	v3 =	vcvt.f32.s32 v3  }
0x5f7: {  	v4 =	vcvt.f32.s32 v4;
	v18 =	vcvt.f32.s32 v18  }
0x5f8: {  	v5 =	vcvt.f32.s32 v5;
	v6 =	vcvt.f32.s32 v6  }
0x5f9: {  	v7 =	vcvt.f32.s32 v7;
	v20 =	vcvt.f32.s32 v9  }
0x5fa: {  	v21 =	vcvt.f32.s32 v10;
	v22 =	vcvt.f32.s32 v11  }
0x5fb: {  	v12 =	vcvt.f32.s32 v12;
	v23 =	vcvt.f32.s32 v13;
	v3 =	vmin.u32 v3, $0xFF  }
0x5fc: {  	v24 =	vcvt.f32.s32 v14;
	v10 =	vcvt.f32.s32 v16;
	v19 =	vadd.s32 v1, v3  }
0x5fd: {  	v9 =	vcvt.f32.s32 v17;
	v5 =	vmin.u32 v5, $0xFF;
	v6 =	vmin.u32 v6, $0xFF  }
0x5fe: {  	v7 =	vmin.u32 v7, $0xFF;
	v16 =	vmin.u32 v20, $0xFF;
	v14 =	vmin.u32 v21, $0xFF  }
0x5ff: {  	v3 =	vmin.u32 v4, $0xFF;
	v4 =	vmin.u32 v18, $0xFF;
	v18 =	vcvt.f32.s32 v8  }
0x600: {  	s1 =	simm.s32 $0x0;
	v13 =	vmin.u32 v22, $0xFF;
	v17 =	vmin.u32 v12, $0xFF;
	v8 =	vcvt.f32.s32 v15  }
0x601: {  	s28 =	simm.s32 $0x10888;
	s30 =	simm.s32 $0x8180;
	s0 =	simm.s32 $0x12210;
	v12 =	vmin.u32 v24, $0xFF;
	v15 =	vmin.u32 v23, $0xFF;
	v11 =	vmin.u32 v18, $0xFF;
	[tilespmem:v19+s26+$0x0] =	vst.idx.add.s32.msk $0xffff, v2  }
.LBB2_34:
0x602: {  	v18 =	vld [tilespmem:s30+$0x70];
	s1 =	sadd.s32 $0x10, s1;
	v8 =	vmin.u32 v8, $0xFF;
	v10 =	vmin.u32 v10, $0xFF;
	v9 =	vmin.u32 v9, $0xFF  }
0x603: {  	v4 =	vadd.s32 v1, v4;
	v3 =	vadd.s32 v1, v3;
	v5 =	vadd.s32 v1, v5;
	v19 =	vld [tilespmem:s30+$0xFFFFFF90];
	p0 =	slt.u32 s1, $0x7F0  }
0x604: {  	v6 =	vadd.s32 v1, v6;
	v7 =	vadd.s32 v1, v7;
	v11 =	vadd.s32 v1, v11;
	v20 =	vld [tilespmem:s30+$0xFFFFFFA0]  }
0x605: {  	v16 =	vadd.s32 v1, v16;
	v14 =	vadd.s32 v1, v14;
	v13 =	vadd.s32 v1, v13;
	v21 =	vld [tilespmem:s30+$0xFFFFFFB0]  }
0x606: {  	v17 =	vadd.s32 v1, v17;
	v15 =	vadd.s32 v1, v15;
	v12 =	vadd.s32 v1, v12;
	v22 =	vld [tilespmem:s30+$0xFFFFFFC0]  }
0x607: {  	v24 =	vadd.s32 v1, v8;
	v25 =	vadd.s32 v1, v10;
	v23 =	vld [tilespmem:s30+$0xFFFFFFD0];
	v18 =	vmul.f32 $2.560000000e+02, v18  }
0x608: {  	v8 =	vmul.f32 $2.560000000e+02, v19;
	v10 =	vld [tilespmem:s30+$0xFFFFFFE0];
	v19 =	vadd.s32 v1, v9  }
0x609: {  	v9 =	vmul.f32 $2.560000000e+02, v20;
	v20 =	vld [tilespmem:s30+$0xFFFFFFF0];
	v18 =	vtrunc.f32 v18  }
0x60a: {  	v21 =	vmul.f32 $2.560000000e+02, v21;
	v26 =	vld [tilespmem:s30+$0x0];
	v18 =	vcvt.f32.s32 v18  }
0x60b: {  	v8 =	vtrunc.f32 v8;
	v22 =	vmul.f32 $2.560000000e+02, v22;
	v27 =	vld [tilespmem:s30+$0x10]  }
0x60c: {  	v9 =	vtrunc.f32 v9;
	v23 =	vmul.f32 $2.560000000e+02, v23;
	v28 =	vld [tilespmem:s30+$0x20];
	v18 =	vmin.u32 v18, $0xFF  }
0x60d: {  	v21 =	vtrunc.f32 v21;
	v10 =	vmul.f32 $2.560000000e+02, v10;
	v29 =	vld [tilespmem:s30+$0x30];
	v18 =	vadd.s32 v1, v18  }
0x60e: {  	v22 =	vtrunc.f32 v22;
	v20 =	vmul.f32 $2.560000000e+02, v20;
	v30 =	vld [tilespmem:s30+$0x40]  }
0x60f: {  	v23 =	vtrunc.f32 v23;
	v26 =	vmul.f32 $2.560000000e+02, v26;
	v31 =	vld [tilespmem:s30+$0x50]  }
0x610: {  	v10 =	vtrunc.f32 v10;
	v27 =	vmul.f32 $2.560000000e+02, v27;
	v32 =	vld [tilespmem:s30+$0x60]  }
0x611: {  	v20 =	vtrunc.f32 v20;
	v33 =	vld [tilespmem:s30+$0xFFFFFF80];
	v28 =	vmul.f32 $2.560000000e+02, v28  }
0x612: {  	v26 =	vtrunc.f32 v26;
	v29 =	vmul.f32 $2.560000000e+02, v29;
	[tilespmem:v18+s26+$0x0] =	vst.idx.add.s32.msk $0xffff, v2  }
0x613: {  	v18 =	vtrunc.f32 v27;
	v27 =	vmul.f32 $2.560000000e+02, v30;
	[tilespmem:v4+s26+$0x0] =	vst.idx.add.s32.msk $0xffff, v2  }
0x614: {  	v28 =	vtrunc.f32 v28;
	v4 =	vmul.f32 $2.560000000e+02, v31;
	[tilespmem:v3+s26+$0x0] =	vst.idx.add.s32.msk $0xffff, v2  }
0x615: {  	v29 =	vtrunc.f32 v29;
	v3 =	vmul.f32 $2.560000000e+02, v32;
	[tilespmem:v5+s26+$0x0] =	vst.idx.add.s32.msk $0xffff, v2  }
0x616: {  	v27 =	vtrunc.f32 v27;
	v5 =	vmul.f32 $2.560000000e+02, v33;
	[tilespmem:v6+s26+$0x0] =	vst.idx.add.s32.msk $0xffff, v2  }
0x617: {  	v30 =	vtrunc.f32 v4;
	v31 =	vtrunc.f32 v3;
	[tilespmem:v7+s26+$0x0] =	vst.idx.add.s32.msk $0xffff, v2  }
0x618: {  	v4 =	vcvt.f32.s32 v8;
	v3 =	vtrunc.f32 v5;
	[tilespmem:v11+s26+$0x0] =	vst.idx.add.s32.msk $0xffff, v2  }
0x619: {  	v6 =	vcvt.f32.s32 v9;
	v5 =	vcvt.f32.s32 v3;
	[tilespmem:v16+s26+$0x0] =	vst.idx.add.s32.msk $0xffff, v2  }
0x61a: {  	v8 =	vcvt.f32.s32 v22;
	v7 =	vcvt.f32.s32 v21;
	v3 =	vmin.u32 v4, $0xFF;
	[tilespmem:v14+s26+$0x0] =	vst.idx.add.s32.msk $0xffff, v2  }
0x61b: {  	v9 =	vcvt.f32.s32 v23;
	v14 =	vcvt.f32.s32 v10;
	v4 =	vmin.u32 v5, $0xFF;
	[tilespmem:v13+s26+$0x0] =	vst.idx.add.s32.msk $0xffff, v2  }
0x61c: {  	v5 =	vmin.u32 v6, $0xFF;
	v13 =	vcvt.f32.s32 v20;
	v20 =	vcvt.f32.s32 v26;
	[tilespmem:v17+s26+$0x0] =	vst.idx.add.s32.msk $0xffff, v2  }
.Ltmp16:
0x61d: {  	v6 =	vmin.u32 v7, $0xFF;
	v17 =	vcvt.f32.s32 v18;
	v18 =	vcvt.f32.s32 v28;
	[tilespmem:v15+s26+$0x0] =	vst.idx.add.s32.msk $0xffff, v2;
	(pc) =	sbr.rel @p0 .LBB2_34-.Ltmp16, $4  }
0x61e: {  	v21 =	vcvt.f32.s32 v29;
	v7 =	vmin.u32 v8, $0xFF;
	v8 =	vcvt.f32.s32 v27;
	[tilespmem:v12+s26+$0x0] =	vst.idx.add.s32.msk $0xffff, v2  }
0x61f: {  	v11 =	vmin.u32 v9, $0xFF;
	v9 =	vcvt.f32.s32 v31;
	v10 =	vcvt.f32.s32 v30;
	[tilespmem:v24+s26+$0x0] =	vst.idx.add.s32.msk $0xffff, v2  }
0x620: {  	v16 =	vmin.u32 v14, $0xFF;
	v14 =	vmin.u32 v13, $0xFF;
	v13 =	vmin.u32 v20, $0xFF;
	[tilespmem:v25+s26+$0x0] =	vst.idx.add.s32.msk $0xffff, v2  }
0x621: {  	s30 =	sadd.s32 $0x100, s30;
	v17 =	vmin.u32 v17, $0xFF;
	v15 =	vmin.u32 v18, $0xFF;
	v12 =	vmin.u32 v21, $0xFF;
	[tilespmem:v19+s26+$0x0] =	vst.idx.add.s32.msk $0xffff, v2  }
0x622: {  	v4 =	vadd.s32 v1, v4  }
0x623: {  	v3 =	vadd.s32 v1, v3  }
0x624: {  	v5 =	vadd.s32 v1, v5  }
0x625: {  	v6 =	vadd.s32 v1, v6  }
0x626: {  	v7 =	vadd.s32 v1, v7  }
0x627: {  	v11 =	vadd.s32 v1, v11;
	v8 =	vmin.u32 v8, $0xFF;
	[tilespmem:v4+s26+$0x0] =	vst.idx.add.s32.msk $0xffff, v2  }
0x628: {  	v8 =	vadd.s32 v1, v8;
	[tilespmem:v3+s26+$0x0] =	vst.idx.add.s32.msk $0xffff, v2  }
0x629: {  	v4 =	vadd.s32 v1, v16;
	[tilespmem:v5+s26+$0x0] =	vst.idx.add.s32.msk $0xffff, v2  }
0x62a: {  	v3 =	vadd.s32 v1, v14;
	[tilespmem:v6+s26+$0x0] =	vst.idx.add.s32.msk $0xffff, v2  }
0x62b: {  	v5 =	vadd.s32 v1, v13;
	[tilespmem:v7+s26+$0x0] =	vst.idx.add.s32.msk $0xffff, v2  }
0x62c: {  	v6 =	vadd.s32 v1, v17;
	[tilespmem:v11+s26+$0x0] =	vst.idx.add.s32.msk $0xffff, v2  }
0x62d: {  	v7 =	vadd.s32 v1, v15;
	[tilespmem:v8+s26+$0x0] =	vst.idx.add.s32.msk $0xffff, v2  }
0x62e: {  	v11 =	vadd.s32 v1, v12;
	[tilespmem:v4+s26+$0x0] =	vst.idx.add.s32.msk $0xffff, v2;
	v4 =	vmin.u32 v10, $0xFF  }
0x62f: {  	[tilespmem:v3+s26+$0x0] =	vst.idx.add.s32.msk $0xffff, v2;
	v3 =	vmin.u32 v9, $0xFF;
	v4 =	vadd.s32 v1, v4  }
0x630: {  	[tilespmem:v5+s26+$0x0] =	vst.idx.add.s32.msk $0xffff, v2;
	v3 =	vadd.s32 v1, v3  }
0x631: {  	[tilespmem:v6+s26+$0x0] =	vst.idx.add.s32.msk $0xffff, v2  }
0x632: {  	[tilespmem:v7+s26+$0x0] =	vst.idx.add.s32.msk $0xffff, v2  }
0x633: {  	[tilespmem:v11+s26+$0x0] =	vst.idx.add.s32.msk $0xffff, v2  }
0x634: {  	[tilespmem:v4+s26+$0x0] =	vst.idx.add.s32.msk $0xffff, v2  }
0x635: {  	[tilespmem:v3+s26+$0x0] =	vst.idx.add.s32.msk $0xffff, v2  }
0x636: {  	v3 =	vld [tilespmem:s28+$0xFFFFF788]  }
0x637: {  	v4 =	vld [tilespmem:s28+$0xFFFFF899]  }
0x638: {  	v5 =	vld [tilespmem:s28+$0xFFFFF9AA]  }
0x639: {  	v6 =	vld [tilespmem:s28+$0xFFFFFABB]  }
0x63a: {  	v7 =	vld [tilespmem:s28+$0xFFFFFBCC]  }
0x63b: {  	v8 =	vld [tilespmem:s28+$0xFFFFFCDD]  }
0x63c: {  	v9 =	vld [tilespmem:s28+$0xFFFFFDEE]  }
0x63d: {  	v10 =	vld [tilespmem:s28+$0xFFFFFEFF]  }
0x63e: {  	v11 =	vld [tilespmem:s28+$0x10]  }
0x63f: {  	v59 =	vld [tilespmem:s28+$0x121]  }
0x640: {  	v60 =	vld [tilespmem:s28+$0x232]  }
0x641: {  	v61 =	vld [tilespmem:s28+$0x343]  }
0x642: {  	v62 =	vld [tilespmem:s28+$0x454]  }
0x643: {  	v63 =	vld [tilespmem:s28+$0x565]  }
0x644: {  	v3 =	vadd.s32 v3, v4;
	v4 =	vld [tilespmem:s28+$0x676]  }
0x645: {  	v3 =	vadd.s32 v5, v3;
	v5 =	vld [tilespmem:s28+$0x787]  }
0x646: {  	v3 =	vadd.s32 v6, v3;
	v6 =	vld [tilespmem:s28+$0xFFFFF889]  }
0x647: {  	v3 =	vadd.s32 v7, v3;
	v7 =	vld [tilespmem:s28+$0xFFFFF778]  }
0x648: {  	v3 =	vadd.s32 v8, v3;
	v8 =	vld [tilespmem:s28+$0xFFFFF99A]  }
0x649: {  	v3 =	vadd.s32 v9, v3;
	v9 =	vld [tilespmem:s28+$0xFFFFFAAB]  }
0x64a: {  	v3 =	vadd.s32 v10, v3;
	v10 =	vld [tilespmem:s28+$0xFFFFFBBC]  }
0x64b: {  	v3 =	vadd.s32 v11, v3;
	v11 =	vld [tilespmem:s28+$0xFFFFFCCD]  }
0x64c: {  	v3 =	vadd.s32 v59, v3;
	v6 =	vadd.s32 v7, v6;
	v7 =	vld [tilespmem:s28+$0xFFFFFDDE]  }
0x64d: {  	v3 =	vadd.s32 v60, v3;
	v6 =	vadd.s32 v8, v6;
	v8 =	vld [tilespmem:s28+$0xFFFFFEEF]  }
0x64e: {  	v3 =	vadd.s32 v61, v3;
	v6 =	vadd.s32 v9, v6;
	v9 =	vld [tilespmem:s28+$0x0]  }
0x64f: {  	v3 =	vadd.s32 v62, v3;
	v6 =	vadd.s32 v10, v6;
	v10 =	vld [tilespmem:s28+$0x111]  }
0x650: {  	v3 =	vadd.s32 v63, v3;
	v6 =	vadd.s32 v11, v6;
	v11 =	vld [tilespmem:s28+$0x222]  }
0x651: {  	v4 =	vadd.s32 v4, v3;
	v6 =	vadd.s32 v7, v6;
	v3 =	vld [tilespmem:s28+$0x333]  }
0x652: {  	v5 =	vadd.s32 v5, v4;
	v6 =	vadd.s32 v8, v6;
	v4 =	vld [tilespmem:s28+$0x444]  }
0x653: {  	v7 =	vcvt.s32.f32 v5;
	v6 =	vadd.s32 v9, v6;
	v5 =	vld [tilespmem:s28+$0x555]  }
0x654: {  	s3 =	simm.s32 $0x0;
	v8 =	vadd.s32 v10, v6;
	v6 =	vld [tilespmem:s28+$0x666]  }
0x655: {  	s30 =	simm.s32 $0x11988;
	s1 =	simm.s32 $0x12310;
	[tilespmem:s0+$0x0] =	vst v7;
	v8 =	vadd.s32 v11, v8;
	v7 =	vld [tilespmem:s28+$0x777];
	s28 =	simm.s32 $0x108A8  }
.LBB2_36:
0x656: {  	v9 =	vld [tilespmem:s28+$0xFFFFF788];
	v3 =	vadd.s32 v3, v8  }
0x657: {  	s3 =	sadd.s32 $0x2, s3;
	v8 =	vld [tilespmem:s28+$0xFFFFF899];
	v3 =	vadd.s32 v4, v3  }
0x658: {  	p0 =	slt.u32 s3, $0xE;
	v4 =	vld [tilespmem:s28+$0xFFFFF9AA];
	v3 =	vadd.s32 v5, v3  }
0x659: {  	v5 =	vld [tilespmem:s28+$0xFFFFFABB];
	v3 =	vadd.s32 v6, v3  }
0x65a: {  	v6 =	vld [tilespmem:s28+$0xFFFFFBCC];
	v3 =	vadd.s32 v7, v3  }
0x65b: {  	v7 =	vld [tilespmem:s28+$0xFFFFFCDD];
	v3 =	vcvt.s32.f32 v3  }
0x65c: {  	v8 =	vadd.s32 v9, v8;
	v9 =	vld [tilespmem:s28+$0xFFFFFDEE]  }
0x65d: {  	v4 =	vadd.s32 v4, v8;
	v8 =	vld [tilespmem:s28+$0xFFFFFEFF];
	[tilespmem:s0+$0xFFFFFFF0] =	vst v3  }
0x65e: {  	v3 =	vadd.s32 v5, v4;
	v4 =	vld [tilespmem:s28+$0x10]  }
0x65f: {  	v3 =	vadd.s32 v6, v3;
	v5 =	vld [tilespmem:s28+$0x121]  }
0x660: {  	v3 =	vadd.s32 v7, v3;
	v6 =	vld [tilespmem:s28+$0x232]  }
0x661: {  	v3 =	vadd.s32 v9, v3;
	v7 =	vld [tilespmem:s28+$0x343]  }
0x662: {  	v3 =	vadd.s32 v8, v3;
	v8 =	vld [tilespmem:s28+$0x454]  }
0x663: {  	v3 =	vadd.s32 v4, v3;
	v4 =	vld [tilespmem:s28+$0x565]  }
0x664: {  	v3 =	vadd.s32 v5, v3;
	v5 =	vld [tilespmem:s28+$0x676]  }
0x665: {  	v3 =	vadd.s32 v6, v3;
	v6 =	vld [tilespmem:s28+$0x787]  }
0x666: {  	v9 =	vld [tilespmem:s28+$0xFFFFF889];
	v3 =	vadd.s32 v7, v3  }
0x667: {  	v7 =	vld [tilespmem:s28+$0xFFFFF778];
	v3 =	vadd.s32 v8, v3  }
0x668: {  	v8 =	vld [tilespmem:s28+$0xFFFFF99A];
	v3 =	vadd.s32 v4, v3  }
0x669: {  	v4 =	vld [tilespmem:s28+$0xFFFFFAAB];
	v3 =	vadd.s32 v5, v3  }
0x66a: {  	v5 =	vld [tilespmem:s28+$0xFFFFFBBC];
	v3 =	vadd.s32 v6, v3  }
0x66b: {  	v6 =	vld [tilespmem:s28+$0xFFFFFCCD];
	v3 =	vcvt.s32.f32 v3  }
0x66c: {  	s0 =	sadd.s32 $0x20, s0;
	v7 =	vadd.s32 v7, v9;
	v9 =	vld [tilespmem:s28+$0xFFFFFDDE]  }
0x66d: {  	v7 =	vadd.s32 v8, v7;
	v8 =	vld [tilespmem:s28+$0xFFFFFEEF];
	[tilespmem:s0+$0x0] =	vst v3  }
0x66e: {  	v3 =	vadd.s32 v4, v7;
	v7 =	vld [tilespmem:s28+$0x0]  }
0x66f: {  	v3 =	vadd.s32 v5, v3;
	v10 =	vld [tilespmem:s28+$0x111]  }
0x670: {  	v3 =	vadd.s32 v6, v3;
	v11 =	vld [tilespmem:s28+$0x222]  }
.Ltmp17:
0x671: {  	v4 =	vadd.s32 v9, v3;
	v3 =	vld [tilespmem:s28+$0x333];
	(pc) =	sbr.rel @p0 .LBB2_36-.Ltmp17, $4  }
0x672: {  	v5 =	vadd.s32 v8, v4;
	v4 =	vld [tilespmem:s28+$0x444]  }
0x673: {  	v6 =	vadd.s32 v7, v5;
	v5 =	vld [tilespmem:s28+$0x555]  }
0x674: {  	v7 =	vadd.s32 v10, v6;
	v6 =	vld [tilespmem:s28+$0x666]  }
0x675: {  	v8 =	vadd.s32 v11, v7;
	v7 =	vld [tilespmem:s28+$0x777];
	s28 =	sadd.s32 $0x20, s28  }
0x676: {  	v3 =	vadd.s32 v3, v8  }
0x677: {  	v3 =	vadd.s32 v4, v3  }
0x678: {  	v3 =	vadd.s32 v5, v3  }
0x679: {  	v3 =	vadd.s32 v6, v3  }
0x67a: {  	v3 =	vadd.s32 v7, v3  }
0x67b: {  	v3 =	vcvt.s32.f32 v3;
	_ =	sdelay $0x1  }
0x67c: {  	[tilespmem:s0+$0xFFFFFFF0] =	vst v3  }
0x67d: {  	v3 =	vld [tilespmem:s30+$0xFFFFF788]  }
0x67e: {  	v4 =	vld [tilespmem:s30+$0xFFFFF899]  }
0x67f: {  	v5 =	vld [tilespmem:s30+$0xFFFFF9AA]  }
0x680: {  	v6 =	vld [tilespmem:s30+$0xFFFFFABB]  }
0x681: {  	v7 =	vld [tilespmem:s30+$0xFFFFFBCC]  }
0x682: {  	v8 =	vld [tilespmem:s30+$0xFFFFFCDD]  }
0x683: {  	v9 =	vld [tilespmem:s30+$0xFFFFFDEE]  }
0x684: {  	v10 =	vld [tilespmem:s30+$0xFFFFFEFF]  }
0x685: {  	v11 =	vld [tilespmem:s30+$0x10]  }
0x686: {  	v12 =	vld [tilespmem:s30+$0x121]  }
0x687: {  	v13 =	vld [tilespmem:s30+$0x232]  }
0x688: {  	v14 =	vld [tilespmem:s30+$0x343]  }
0x689: {  	v15 =	vld [tilespmem:s30+$0x454]  }
0x68a: {  	v16 =	vld [tilespmem:s30+$0x565]  }
0x68b: {  	v3 =	vadd.s32 v3, v4;
	v4 =	vld [tilespmem:s30+$0x676]  }
0x68c: {  	v3 =	vadd.s32 v5, v3;
	v5 =	vld [tilespmem:s30+$0x787]  }
0x68d: {  	v3 =	vadd.s32 v6, v3;
	v6 =	vld [tilespmem:s30+$0xFFFFF889]  }
0x68e: {  	v3 =	vadd.s32 v7, v3;
	v7 =	vld [tilespmem:s30+$0xFFFFF778]  }
0x68f: {  	v3 =	vadd.s32 v8, v3;
	v8 =	vld [tilespmem:s30+$0xFFFFF99A]  }
0x690: {  	v3 =	vadd.s32 v9, v3;
	v9 =	vld [tilespmem:s30+$0xFFFFFAAB]  }
0x691: {  	v3 =	vadd.s32 v10, v3;
	v10 =	vld [tilespmem:s30+$0xFFFFFBBC]  }
0x692: {  	v3 =	vadd.s32 v11, v3;
	v11 =	vld [tilespmem:s30+$0xFFFFFCCD]  }
0x693: {  	v3 =	vadd.s32 v12, v3;
	v6 =	vadd.s32 v7, v6;
	v7 =	vld [tilespmem:s30+$0xFFFFFDDE]  }
0x694: {  	v3 =	vadd.s32 v13, v3;
	v6 =	vadd.s32 v8, v6;
	v8 =	vld [tilespmem:s30+$0xFFFFFEEF]  }
0x695: {  	v3 =	vadd.s32 v14, v3;
	v6 =	vadd.s32 v9, v6;
	v9 =	vld [tilespmem:s30+$0x0]  }
0x696: {  	v3 =	vadd.s32 v15, v3;
	v6 =	vadd.s32 v10, v6;
	v10 =	vld [tilespmem:s30+$0x111]  }
0x697: {  	v3 =	vadd.s32 v16, v3;
	v6 =	vadd.s32 v11, v6;
	v11 =	vld [tilespmem:s30+$0x222]  }
0x698: {  	v4 =	vadd.s32 v4, v3;
	v6 =	vadd.s32 v7, v6;
	v3 =	vld [tilespmem:s30+$0x333]  }
0x699: {  	v5 =	vadd.s32 v5, v4;
	v6 =	vadd.s32 v8, v6;
	v4 =	vld [tilespmem:s30+$0x444]  }
0x69a: {  	v7 =	vcvt.s32.f32 v5;
	v6 =	vadd.s32 v9, v6;
	v5 =	vld [tilespmem:s30+$0x555]  }
0x69b: {  	v8 =	vadd.s32 v10, v6;
	v6 =	vld [tilespmem:s30+$0x666]  }
0x69c: {  	s3 =	simm.s32 $0x119A8;
	s0 =	simm.s32 $0x0;
	[tilespmem:s1+$0x0] =	vst v7;
	v8 =	vadd.s32 v11, v8;
	v7 =	vld [tilespmem:s30+$0x777]  }
.LBB2_38:
0x69d: {  	v9 =	vld [tilespmem:s3+$0xFFFFF788];
	v3 =	vadd.s32 v3, v8  }
0x69e: {  	s0 =	sadd.s32 $0x2, s0;
	v8 =	vld [tilespmem:s3+$0xFFFFF899];
	v3 =	vadd.s32 v4, v3  }
0x69f: {  	p0 =	slt.u32 s0, $0xE;
	v4 =	vld [tilespmem:s3+$0xFFFFF9AA];
	v3 =	vadd.s32 v5, v3  }
0x6a0: {  	v5 =	vld [tilespmem:s3+$0xFFFFFABB];
	v3 =	vadd.s32 v6, v3  }
0x6a1: {  	v6 =	vld [tilespmem:s3+$0xFFFFFBCC];
	v3 =	vadd.s32 v7, v3  }
0x6a2: {  	v7 =	vld [tilespmem:s3+$0xFFFFFCDD];
	v3 =	vcvt.s32.f32 v3  }
0x6a3: {  	v8 =	vadd.s32 v9, v8;
	v9 =	vld [tilespmem:s3+$0xFFFFFDEE]  }
0x6a4: {  	v4 =	vadd.s32 v4, v8;
	v8 =	vld [tilespmem:s3+$0xFFFFFEFF];
	[tilespmem:s1+$0xFFFFFFF0] =	vst v3  }
0x6a5: {  	v3 =	vadd.s32 v5, v4;
	v4 =	vld [tilespmem:s3+$0x10]  }
0x6a6: {  	v3 =	vadd.s32 v6, v3;
	v5 =	vld [tilespmem:s3+$0x121]  }
0x6a7: {  	v3 =	vadd.s32 v7, v3;
	v6 =	vld [tilespmem:s3+$0x232]  }
0x6a8: {  	v3 =	vadd.s32 v9, v3;
	v7 =	vld [tilespmem:s3+$0x343]  }
0x6a9: {  	v3 =	vadd.s32 v8, v3;
	v8 =	vld [tilespmem:s3+$0x454]  }
0x6aa: {  	v3 =	vadd.s32 v4, v3;
	v4 =	vld [tilespmem:s3+$0x565]  }
0x6ab: {  	v3 =	vadd.s32 v5, v3;
	v5 =	vld [tilespmem:s3+$0x676]  }
0x6ac: {  	v3 =	vadd.s32 v6, v3;
	v6 =	vld [tilespmem:s3+$0x787]  }
0x6ad: {  	v9 =	vld [tilespmem:s3+$0xFFFFF889];
	v3 =	vadd.s32 v7, v3  }
0x6ae: {  	v7 =	vld [tilespmem:s3+$0xFFFFF778];
	v3 =	vadd.s32 v8, v3  }
0x6af: {  	v8 =	vld [tilespmem:s3+$0xFFFFF99A];
	v3 =	vadd.s32 v4, v3  }
0x6b0: {  	v4 =	vld [tilespmem:s3+$0xFFFFFAAB];
	v3 =	vadd.s32 v5, v3  }
0x6b1: {  	v5 =	vld [tilespmem:s3+$0xFFFFFBBC];
	v3 =	vadd.s32 v6, v3  }
0x6b2: {  	v6 =	vld [tilespmem:s3+$0xFFFFFCCD];
	v3 =	vcvt.s32.f32 v3  }
0x6b3: {  	s1 =	sadd.s32 $0x20, s1;
	v7 =	vadd.s32 v7, v9;
	v9 =	vld [tilespmem:s3+$0xFFFFFDDE]  }
0x6b4: {  	v7 =	vadd.s32 v8, v7;
	v8 =	vld [tilespmem:s3+$0xFFFFFEEF];
	[tilespmem:s1+$0x0] =	vst v3  }
0x6b5: {  	v3 =	vadd.s32 v4, v7;
	v7 =	vld [tilespmem:s3+$0x0]  }
0x6b6: {  	v3 =	vadd.s32 v5, v3;
	v10 =	vld [tilespmem:s3+$0x111]  }
0x6b7: {  	v3 =	vadd.s32 v6, v3;
	v11 =	vld [tilespmem:s3+$0x222]  }
.Ltmp18:
0x6b8: {  	v4 =	vadd.s32 v9, v3;
	v3 =	vld [tilespmem:s3+$0x333];
	(pc) =	sbr.rel @p0 .LBB2_38-.Ltmp18, $4  }
0x6b9: {  	v5 =	vadd.s32 v8, v4;
	v4 =	vld [tilespmem:s3+$0x444]  }
0x6ba: {  	v6 =	vadd.s32 v7, v5;
	v5 =	vld [tilespmem:s3+$0x555]  }
0x6bb: {  	v7 =	vadd.s32 v10, v6;
	v6 =	vld [tilespmem:s3+$0x666]  }
0x6bc: {  	v8 =	vadd.s32 v11, v7;
	v7 =	vld [tilespmem:s3+$0x777];
	s3 =	sadd.s32 $0x20, s3  }
0x6bd: {  	v3 =	vadd.s32 v3, v8  }
0x6be: {  	v3 =	vadd.s32 v4, v3  }
0x6bf: {  	v3 =	vadd.s32 v5, v3  }
0x6c0: {  	v3 =	vadd.s32 v6, v3  }
0x6c1: {  	v3 =	vadd.s32 v7, v3  }
0x6c2: {  	v3 =	vcvt.s32.f32 v3;
	_ =	sdelay $0x1  }
0x6c3: {  	s0 =	simm.s32 $0x12200;
	[tilespmem:s1+$0xFFFFFFF0] =	vst v3  }
0x6c4: {  	[hbm4b:s19+s2] =	stream.linear.scatter [tilespmem:s0], [sflag:$0x3], $0x100, $0x38;
	[tilespmem:$0x12400] =	vst v63  }
0x6c5: {  	s31 =	sadd.s32 $0x1, s31;
	_ =	swait.ge [sflag:s29], $0x100  }
0x6c6: {  	p0 =	sne.s32 s31, s21;
	[sflag:s29] =	ssyncset.done $0x0  }
.Ltmp19:
0x6c7: {  	s30 =	simm.s32 $0x12300;
	[sflag:s29] =	ssyncadd.s32 $0xFFFFFF00;
	(pc) =	sbr.rel @p0 .LBB2_1-.Ltmp19, $4  }
0x6c8: {  	[hbm4b:s20+s2] =	stream.linear.scatter [tilespmem:s30], [sflag:$0x3], $0x100, $0x38;
	[tilespmem:$0x12400] =	vst v63  }
0x6c9: {  	_ =	swait.ge [sflag:s29], $0x100  }
0x6ca: {  	[sflag:s29] =	ssyncset.done $0x0  }
0x6cb: {  	[sflag:s29] =	ssyncadd.s32 $0xFFFFFF00  }
0x6cc: {  	_ =	sfence.sel $0x180000  }
0x6cd: {  	[bflag:$0x0] =	sbarrier.arrive $0xFFFF  }
0x6ce: {  	_ =	strace $0x90000047  }
0x6cf: {  	s0 =	stileid.u32;
	[bflag:$0x2] =	sbarrier.arrive $0xFFFF  }
0x6d0: {  	p0 =	sne.s32 s0, $0x0;
	s0 =	rddreg [dreg:$0x3]  }
0x6d1: {  	s0 =	sadd.s32 @!p0 $0x100000, s0  }
0x6d2: {  	[sflag:s0] =	ssyncadd.tile.s32 @!p0 $0x1;
	_ =	shalt  }
.Lfunc_end2:
_tile_overlayer_lowered:
.L_overlay_start_2:
0x6d3: {  	(tag) =	ssettag $0x2  }
0x6d4: {  	s0 =	rddreg [dreg:$0x0];
	s2 =	stileid.u32  }
0x6d5: {  	s1 =	rddreg [dreg:$0x1];
	p0 =	sne.s32 s2, $0x0  }
0x6d6: {  	s3 =	rddreg [dreg:$0x2];
	[bflag:$0x3] =	sbarrier.arrive $0xFFFF;
	s2 =	simm.s32 @!p0 $0x1C03  }
0x6d7: {  	[timem:s3], [sflag:s2] =	dma.local @!p0 [hbm:s0], s1  }
0x6d8: {  	s0 =	simm.s32 @!p0 $0x3  }
0x6d9: {  	_ =	swait.ge @!p0 [sflag:s0], s1  }
0x6da: {  	s1 =	ssub.s32 @!p0 $0x0, s1;
	[sflag:s0] =	ssyncset.done @!p0 $0x0  }
0x6db: {  	[sflag:s0] =	ssyncadd.s32 @!p0 s1  }
0x6dc: {  	[bflag:$0x3] =	sbarrier.arrive $0xFFFF  }
0x6dd: {  	_ =	shalt  }

</sc_bundles>
